<compile_context>
chip_gen: v7x
topology: tpu7x:2x2x1
jax: 0.10.2.dev20260603
libtpu: 0.0.44.dev20260713+nightly
codegen_flags: <defaults>
</compile_context>

<pallas_src>
import dataclasses
import functools

import jax
import jax.numpy as jnp
from jax import lax
from jax.experimental import pallas as pl
from jax.experimental.pallas import tpu as pltpu
from jax.experimental.pallas import tpu_sc as plsc

A, N, K, F, E = 2, 10000, 16, 128, 4
NC, NS = 2, 16
NW = NC * NS
WIN = 8
NT = A * N
NPW = 640
NT_PAD = NW * NPW
NWIN = NPW // WIN

_HIGHEST = lax.Precision.DEFAULT


def _he_body(x_ref, w_ref, he_ref):
    x = x_ref[0]
    for e in range(E):
        he_ref[0, e] = lax.dot_general(
            x, w_ref[0, e], (((1,), (0,)), ((), ())),
            preferred_element_type=jnp.float32, precision=_HIGHEST)


def _he_call(x, pw_W, bn=2000):
    nb = N // bn
    return pl.pallas_call(
        _he_body,
        grid=(A, nb),
        in_specs=[
            pl.BlockSpec((1, bn, F), lambda a, i: (a, i, 0)),
            pl.BlockSpec((1, E, F, F), lambda a, i: (a, 0, 0, 0)),
        ],
        out_specs=pl.BlockSpec((1, E, bn, F), lambda a, i: (a, 0, i, 0)),
        out_shape=jax.ShapeDtypeStruct((A, E, N, F), jnp.float32),
    )(x, pw_W)


_mesh = plsc.VectorSubcoreMesh(core_axis_name="c", subcore_axis_name="s")

_sc_params = pltpu.CompilerParams()
if "needs_layout_passes" in pltpu.CompilerParams.__dataclass_fields__:
    _sc_params = dataclasses.replace(_sc_params, needs_layout_passes=False)


def _accum_window(g, ob, row0):

    @pl.loop(0, WIN)
    def _(cc):
        base = cc * K
        for grp in range(F // 16):
            sl = pl.ds(grp * 16, 16)
            acc = g[base, sl]
            for k in range(1, K):
                acc = acc + g[base + k, sl]
            ob[row0 + cc, sl] = acc * (1.0 / K)


@functools.partial(
    pl.kernel,
    out_type=jax.ShapeDtypeStruct((NT_PAD, F), jnp.float32),
    mesh=_mesh,
    scratch_types=[
        pltpu.VMEM((NWIN, WIN * K), jnp.int32),
        pltpu.VMEM((WIN * K, F), jnp.float32),
        pltpu.VMEM((WIN * K, F), jnp.float32),
        pltpu.VMEM((NPW, F), jnp.float32),
        pltpu.SemaphoreType.DMA,
        pltpu.SemaphoreType.DMA,
        pltpu.SemaphoreType.DMA,
    ],
    compiler_params=_sc_params,
)
def _sc_gather_mean(he_hbm, idx_hbm, out_hbm, idx_v, ga, gb, obuf,
                    sem_i, sem_a, sem_b):
    cid = lax.axis_index("c")
    sid = lax.axis_index("s")
    wid = cid * NS + sid

    pltpu.async_copy(idx_hbm.at[wid], idx_v, sem_i).wait()
    pltpu.async_copy(he_hbm.at[idx_v.at[0]], ga, sem_a)

    @pl.loop(0, NWIN, step=2)
    def _(j):
        pltpu.async_copy(he_hbm.at[idx_v.at[j + 1]], gb, sem_b)
        pltpu.make_async_copy(he_hbm.at[idx_v.at[j]], ga, sem_a).wait()
        _accum_window(ga, obuf, j * WIN)

        @pl.when(j + 2 < NWIN)
        def _():
            pltpu.async_copy(he_hbm.at[idx_v.at[j + 2]], ga, sem_a)

        pltpu.make_async_copy(he_hbm.at[idx_v.at[j + 1]], gb, sem_b).wait()
        _accum_window(gb, obuf, (j + 1) * WIN)

    pltpu.sync_copy(obuf, out_hbm.at[pl.ds(wid * NPW, NPW)])


def _post_body(x_ref, agg0_ref, agg1_ref, sw_ref, pwb_ref, u_ref, v_ref,
               hb_ref, out_ref):
    dims = (((1,), (0,)), ((), ()))
    aggs = (agg0_ref, agg1_ref)
    pw = []
    for a in range(A):
        h = lax.dot_general(x_ref[a], sw_ref[a], dims,
                            preferred_element_type=jnp.float32,
                            precision=_HIGHEST)
        pw.append(jnp.maximum(aggs[a][...] + h + pwb_ref[a, 0], 0.0))
    meg = pw[0] + pw[1]
    for a in range(A):
        h = (lax.dot_general(pw[a], u_ref[a], dims,
                             preferred_element_type=jnp.float32,
                             precision=_HIGHEST)
             + lax.dot_general(meg, v_ref[a], dims,
                               preferred_element_type=jnp.float32,
                               precision=_HIGHEST)
             + hb_ref[a, 0])
        out_ref[a] = jnp.maximum(h, 0.0) + x_ref[a]


def _post_call(x, agg_pad, pw_selfW, pw_b, hop_U, hop_V, hop_b, bn=2000):
    nb = N // bn
    full = lambda i: (0, 0, 0)
    return pl.pallas_call(
        _post_body,
        grid=(nb,),
        in_specs=[
            pl.BlockSpec((A, bn, F), lambda i: (0, i, 0)),
            pl.BlockSpec((bn, F), lambda i: (i, 0)),
            pl.BlockSpec((bn, F), lambda i: (N // bn + i, 0)),
            pl.BlockSpec((A, F, F), full),
            pl.BlockSpec((A, 1, F), full),
            pl.BlockSpec((A, F, F), full),
            pl.BlockSpec((A, F, F), full),
            pl.BlockSpec((A, 1, F), full),
        ],
        out_specs=pl.BlockSpec((A, bn, F), lambda i: (0, i, 0)),
        out_shape=jax.ShapeDtypeStruct((A, N, F), jnp.float32),
    )(x, agg_pad, agg_pad, pw_selfW, pw_b.reshape(A, 1, F), hop_U, hop_V,
      hop_b.reshape(A, 1, F))


def kernel(nfeature, nn_idx, etype, pw_W, pw_selfW, pw_b, hop_U, hop_V, hop_b):
    x = nfeature[0]
    nn = nn_idx[0].astype(jnp.int32)
    et = etype[0].astype(jnp.int32)

    aofs = (jnp.arange(A, dtype=jnp.int32) * E)[:, None, None]
    fi = ((et + aofs) * N + nn).reshape(NT * K)
    pad = (jnp.arange((NT_PAD - NT) * K, dtype=jnp.int32) * 523) % (A * E * N)
    fi = jnp.concatenate([fi, pad]).reshape(NW, NWIN, WIN * K)

    he = _he_call(x, pw_W).reshape(A * E * N, F)
    agg_pad = _sc_gather_mean(he, fi)
    out = _post_call(x, agg_pad, pw_selfW, pw_b, hop_U, hop_V, hop_b)
    return out[None]

# --- scband reference (transcript-rebuilt; emitter-appended) ---
"""Pipeline reference for scband-res-gnn-layer-35914516529843 (READ-ONLY COPY).

The authoritative reference and input builder live on the scoring server;
editing this copy changes nothing except your own understanding.
"""

import jax, jax.numpy as jnp
import numpy as np

B, A, N, K, NIN, NOUT, E = 1, 2, 10000, 16, 128, 128, 4


def setup_inputs(seed: int = 0) -> dict:
    key = jax.random.key(seed)
    ks = jax.random.split(key, 12)
    nfeature = jax.random.normal(ks[0], (B, A, N, NIN), dtype=jnp.float32)
    nn_idx = jax.random.randint(ks[1], (B, A, N, K), 0, N)
    etype = jax.random.randint(ks[2], (B, A, N, K), 0, E)
    s = 0.05
    pw_W = jax.random.normal(ks[3], (A, E, NIN, NOUT), dtype=jnp.float32) * s
    pw_selfW = jax.random.normal(ks[4], (A, NIN, NOUT), dtype=jnp.float32) * s
    pw_b = jax.random.normal(ks[5], (A, NOUT), dtype=jnp.float32) * s
    hop_U = jax.random.normal(ks[6], (A, NOUT, NOUT), dtype=jnp.float32) * s
    hop_V = jax.random.normal(ks[7], (A, NOUT, NOUT), dtype=jnp.float32) * s
    hop_b = jax.random.normal(ks[8], (A, NOUT), dtype=jnp.float32) * s
    return {"nfeature": nfeature, "nn_idx": nn_idx, "etype": etype,
            "pw_W": pw_W, "pw_selfW": pw_selfW, "pw_b": pw_b,
            "hop_U": hop_U, "hop_V": hop_V, "hop_b": hop_b}


def reference(nfeature, nn_idx, etype, pw_W, pw_selfW, pw_b, hop_U, hop_V, hop_b):
    b, a_dim, n, nin = nfeature.shape
    bi = jnp.arange(b)[:, None, None]
    # pw part: per-branch, edge-type-conditioned message passing over nn_idx neighbors
    pw_results = []
    for a in range(a_dim):
        x = nfeature[:, a]                                   # [B, N, nin]
        he = jnp.einsum('bni,eio->beno', x, pw_W[a])          # [B, E, N, nout]
        msg = he[bi, etype[:, a], nn_idx[:, a]]               # gather: [B, N, K, nout]
        agg = jnp.mean(msg, axis=2)                           # [B, N, nout]
        r = jax.nn.relu(agg + x @ pw_selfW[a] + pw_b[a])
        pw_results.append(r)
    nf = jnp.stack(pw_results, axis=1)                        # [B, A, N, nout]
    # hop part: mix each branch with the branch-summed feature
    meg = jnp.sum(nf, axis=1)                                 # [B, N, nout]
    hop_results = []
    for a in range(a_dim):
        r = jax.nn.relu(nf[:, a] @ hop_U[a] + meg @ hop_V[a] + hop_b[a])
        hop_results.append(r)
    nf = jnp.stack(hop_results, axis=1)
    # residual
    return nf + nfeature

if __name__ == "__main__":
    import jax
    _d = setup_inputs()
    print(jax.jit(kernel)(*tuple(_d.values())))

</pallas_src>

<mosaic_0001>
#map = affine_map<(d0, d1) -> (0, 0)>
#map1 = affine_map<(d0, d1) -> (0, 0, 0)>
module attributes {stable_mosaic.version = 14 : i64} {
  func.func @_sc_gather_mean(%arg0: i32, %arg1: i32, %arg2: memref<80000x128xf32, #tpu.memory_space<hbm>>, %arg3: memref<32x80x128xi32, #tpu.memory_space<hbm>>, %arg4: memref<20480x128xf32, #tpu.memory_space<hbm>>, %arg5: memref<80x128xi32, #tpu.memory_space<vmem>>, %arg6: memref<128x128xf32, #tpu.memory_space<vmem>>, %arg7: memref<128x128xf32, #tpu.memory_space<vmem>>, %arg8: memref<640x128xf32, #tpu.memory_space<vmem>>, %arg9: memref<!tpu.dma_semaphore, #tpu.memory_space<semaphore_mem>>, %arg10: memref<!tpu.dma_semaphore, #tpu.memory_space<semaphore_mem>>, %arg11: memref<!tpu.dma_semaphore, #tpu.memory_space<semaphore_mem>>) attributes {dimension_semantics = [#tpu.dimension_semantics<core_parallel>, #tpu.dimension_semantics<subcore_parallel>], iteration_bounds = array<i64: 2, 16>, scalar_prefetch = 0 : i64, scratch_operands = 7 : i64, tpu.core_type = #tpu.core_type<sc_vector_subcore>, window_params = [{transform_indices = #map}, {transform_indices = #map1}, {transform_indices = #map}]} {
    %mul3A = arith.constant 16 : i32
    %mul3A_0 = arith.muli %arg0, %mul3A : i32
    %add3A = arith.addi %mul3A_0, %arg1 : i32
    %dma_start3A = arith.constant 0 : i32
    %dma_start3A_1 = arith.constant 0 : i32
    %dma_start3A_2 = tpu.memref_slice %arg3[%add3A, %dma_start3A, %dma_start3A_1] : memref<32x80x128xi32, #tpu.memory_space<hbm>> -> memref<1x80x128xi32, #tpu.memory_space<hbm>>
    %dma_start3A_3 = tpu.memref_squeeze %dma_start3A_2 : memref<1x80x128xi32, #tpu.memory_space<hbm>> -> memref<80x128xi32, #tpu.memory_space<hbm>>
    %dma_start3A_4 = arith.constant 0 : i32
    %dma_start3A_5 = arith.constant 0 : i32
    %dma_start3A_6 = tpu.memref_slice %arg3[%add3A, %dma_start3A_4, %dma_start3A_5] : memref<32x80x128xi32, #tpu.memory_space<hbm>> -> memref<1x80x128xi32, #tpu.memory_space<hbm>>
    %dma_start3A_7 = tpu.memref_squeeze %dma_start3A_6 : memref<1x80x128xi32, #tpu.memory_space<hbm>> -> memref<80x128xi32, #tpu.memory_space<hbm>>
    tpu.enqueue_dma source(%dma_start3A_7 : memref<80x128xi32, #tpu.memory_space<hbm>>) target(%arg5 : memref<80x128xi32, #tpu.memory_space<vmem>>) target_semaphore(%arg9 : memref<!tpu.dma_semaphore, #tpu.memory_space<semaphore_mem>>)
    %dma_wait3A = arith.constant 0 : i32
    %dma_wait3A_8 = arith.constant 0 : i32
    %dma_wait3A_9 = tpu.memref_slice %arg3[%add3A, %dma_wait3A, %dma_wait3A_8] : memref<32x80x128xi32, #tpu.memory_space<hbm>> -> memref<1x80x128xi32, #tpu.memory_space<hbm>>
    %dma_wait3A_10 = tpu.memref_squeeze %dma_wait3A_9 : memref<1x80x128xi32, #tpu.memory_space<hbm>> -> memref<80x128xi32, #tpu.memory_space<hbm>>
    %dma_wait3A_11 = arith.constant 0 : i32
    %dma_wait3A_12 = arith.constant 0 : i32
    %dma_wait3A_13 = tpu.memref_slice %arg3[%add3A, %dma_wait3A_11, %dma_wait3A_12] : memref<32x80x128xi32, #tpu.memory_space<hbm>> -> memref<1x80x128xi32, #tpu.memory_space<hbm>>
    %dma_wait3A_14 = tpu.memref_squeeze %dma_wait3A_13 : memref<1x80x128xi32, #tpu.memory_space<hbm>> -> memref<80x128xi32, #tpu.memory_space<hbm>>
    tpu.wait_dma2 semaphore(%arg9 : memref<!tpu.dma_semaphore, #tpu.memory_space<semaphore_mem>>) src(%dma_wait3A_14 : memref<80x128xi32, #tpu.memory_space<hbm>>) dst(%arg5 : memref<80x128xi32, #tpu.memory_space<vmem>>)
    %dma_start3A_15 = arith.constant 0 : i32
    %dma_start3A_16 = arith.constant 0 : i32
    %dma_start3A_17 = tpu.memref_slice %arg5[%dma_start3A_15, %dma_start3A_16] : memref<80x128xi32, #tpu.memory_space<vmem>> -> memref<1x128xi32, #tpu.memory_space<vmem>>
    %dma_start3A_18 = tpu.memref_squeeze %dma_start3A_17 : memref<1x128xi32, #tpu.memory_space<vmem>> -> memref<128xi32, #tpu.memory_space<vmem>>
    %dma_start3A_19 = arith.constant 0 : i32
    %dma_start3A_20 = arith.constant 0 : i32
    %dma_start3A_21 = tpu.memref_slice %arg2[%dma_start3A_19, %dma_start3A_20] : memref<80000x128xf32, #tpu.memory_space<hbm>> -> memref<80000x128xf32, #tpu.memory_space<hbm>>
    tpu.enqueue_indirect_dma source(%dma_start3A_21 : memref<80000x128xf32, #tpu.memory_space<hbm>>) target(%arg6 : memref<128x128xf32, #tpu.memory_space<vmem>>) offsets(%dma_start3A_18 : memref<128xi32, #tpu.memory_space<vmem>>) semaphore(%arg10 : memref<!tpu.dma_semaphore, #tpu.memory_space<semaphore_mem>>)
    %scan3A = arith.constant 0 : i32
    %scan3A_22 = arith.constant 40 : i32
    %scan3A_23 = arith.addi %scan3A, %scan3A_22 : i32
    %scan3A_24 = arith.constant 1 : i32
    scf.for %scan3A_28 = %scan3A to %scan3A_23 step %scan3A_24  : i32 {
      %mul3A_29 = arith.constant 2 : i32
      %mul3A_30 = arith.muli %scan3A_28, %mul3A_29 : i32
      %add3A_31 = arith.constant 0 : i32
      %add3A_32 = arith.addi %add3A_31, %mul3A_30 : i32
      %add3A_33 = arith.constant 1 : i32
      %add3A_34 = arith.addi %add3A_32, %add3A_33 : i32
      %dma_start3A_35 = arith.constant 0 : i32
      %dma_start3A_36 = tpu.memref_slice %arg5[%add3A_34, %dma_start3A_35] : memref<80x128xi32, #tpu.memory_space<vmem>> -> memref<1x128xi32, #tpu.memory_space<vmem>>
      %dma_start3A_37 = tpu.memref_squeeze %dma_start3A_36 : memref<1x128xi32, #tpu.memory_space<vmem>> -> memref<128xi32, #tpu.memory_space<vmem>>
      %dma_start3A_38 = arith.constant 0 : i32
      %dma_start3A_39 = arith.constant 0 : i32
      %dma_start3A_40 = tpu.memref_slice %arg2[%dma_start3A_38, %dma_start3A_39] : memref<80000x128xf32, #tpu.memory_space<hbm>> -> memref<80000x128xf32, #tpu.memory_space<hbm>>
      tpu.enqueue_indirect_dma source(%dma_start3A_40 : memref<80000x128xf32, #tpu.memory_space<hbm>>) target(%arg7 : memref<128x128xf32, #tpu.memory_space<vmem>>) offsets(%dma_start3A_37 : memref<128xi32, #tpu.memory_space<vmem>>) semaphore(%arg11 : memref<!tpu.dma_semaphore, #tpu.memory_space<semaphore_mem>>)
      %dma_wait3A_41 = arith.constant 0 : i32
      %dma_wait3A_42 = tpu.memref_slice %arg5[%add3A_32, %dma_wait3A_41] : memref<80x128xi32, #tpu.memory_space<vmem>> -> memref<1x128xi32, #tpu.memory_space<vmem>>
      %dma_wait3A_43 = tpu.memref_squeeze %dma_wait3A_42 : memref<1x128xi32, #tpu.memory_space<vmem>> -> memref<128xi32, #tpu.memory_space<vmem>>
      %dma_wait3A_44 = arith.constant 0 : i32
      %dma_wait3A_45 = arith.constant 0 : i32
      %dma_wait3A_46 = tpu.memref_slice %arg2[%dma_wait3A_44, %dma_wait3A_45] : memref<80000x128xf32, #tpu.memory_space<hbm>> -> memref<80000x128xf32, #tpu.memory_space<hbm>>
      tpu.wait_indirect_dma semaphore(%arg10 : memref<!tpu.dma_semaphore, #tpu.memory_space<semaphore_mem>>) src(%dma_wait3A_46 : memref<80000x128xf32, #tpu.memory_space<hbm>>) dst(%arg6 : memref<128x128xf32, #tpu.memory_space<vmem>>)
      %mul3A_47 = arith.constant 8 : i32
      %mul3A_48 = arith.muli %add3A_32, %mul3A_47 : i32
      %scan3A_49 = arith.constant 0 : i32
      %scan3A_50 = arith.constant 8 : i32
      %scan3A_51 = arith.addi %scan3A_49, %scan3A_50 : i32
      %scan3A_52 = arith.constant 1 : i32
      scf.for %scan3A_75 = %scan3A_49 to %scan3A_51 step %scan3A_52  : i32 {
        %mul3A_76 = arith.constant 1 : i32
        %mul3A_77 = arith.muli %scan3A_75, %mul3A_76 : i32
        %add3A_78 = arith.constant 0 : i32
        %add3A_79 = arith.addi %add3A_78, %mul3A_77 : i32
        %mul3A_80 = arith.constant 16 : i32
        %mul3A_81 = arith.muli %add3A_79, %mul3A_80 : i32
        %get3A = arith.index_cast %mul3A_81 : i32 to index
        %get3A_82 = arith.constant 0 : index
        %get3A_83 = tpu.vector_load %arg6[%get3A, %get3A_82] {strides = array<i32>} : memref<128x128xf32, #tpu.memory_space<vmem>>, vector<16xf32>,
        %add3A_84 = arith.constant 1 : i32
        %add3A_85 = arith.addi %mul3A_81, %add3A_84 : i32
        %get3A_86 = arith.index_cast %add3A_85 : i32 to index
        %get3A_87 = arith.constant 0 : index
        %get3A_88 = tpu.vector_load %arg6[%get3A_86, %get3A_87] {strides = array<i32>} : memref<128x128xf32, #tpu.memory_space<vmem>>, vector<16xf32>,
        %add3A_89 = arith.addf %get3A_83, %get3A_88 : vector<16xf32>
        %add3A_90 = arith.constant 2 : i32
        %add3A_91 = arith.addi %mul3A_81, %add3A_90 : i32
        %get3A_92 = arith.index_cast %add3A_91 : i32 to index
        %get3A_93 = arith.constant 0 : index
        %get3A_94 = tpu.vector_load %arg6[%get3A_92, %get3A_93] {strides = array<i32>} : memref<128x128xf32, #tpu.memory_space<vmem>>, vector<16xf32>,
        %add3A_95 = arith.addf %add3A_89, %get3A_94 : vector<16xf32>
        %add3A_96 = arith.constant 3 : i32
        %add3A_97 = arith.addi %mul3A_81, %add3A_96 : i32
        %get3A_98 = arith.index_cast %add3A_97 : i32 to index
        %get3A_99 = arith.constant 0 : index
        %get3A_100 = tpu.vector_load %arg6[%get3A_98, %get3A_99] {strides = array<i32>} : memref<128x128xf32, #tpu.memory_space<vmem>>, vector<16xf32>,
        %add3A_101 = arith.addf %add3A_95, %get3A_100 : vector<16xf32>
        %add3A_102 = arith.constant 4 : i32
        %add3A_103 = arith.addi %mul3A_81, %add3A_102 : i32
        %get3A_104 = arith.index_cast %add3A_103 : i32 to index
        %get3A_105 = arith.constant 0 : index
        %get3A_106 = tpu.vector_load %arg6[%get3A_104, %get3A_105] {strides = array<i32>} : memref<128x128xf32, #tpu.memory_space<vmem>>, vector<16xf32>,
        %add3A_107 = arith.addf %add3A_101, %get3A_106 : vector<16xf32>
        %add3A_108 = arith.constant 5 : i32
        %add3A_109 = arith.addi %mul3A_81, %add3A_108 : i32
        %get3A_110 = arith.index_cast %add3A_109 : i32 to index
        %get3A_111 = arith.constant 0 : index
        %get3A_112 = tpu.vector_load %arg6[%get3A_110, %get3A_111] {strides = array<i32>} : memref<128x128xf32, #tpu.memory_space<vmem>>, vector<16xf32>,
        %add3A_113 = arith.addf %add3A_107, %get3A_112 : vector<16xf32>
        %add3A_114 = arith.constant 6 : i32
        %add3A_115 = arith.addi %mul3A_81, %add3A_114 : i32
        %get3A_116 = arith.index_cast %add3A_115 : i32 to index
        %get3A_117 = arith.constant 0 : index
        %get3A_118 = tpu.vector_load %arg6[%get3A_116, %get3A_117] {strides = array<i32>} : memref<128x128xf32, #tpu.memory_space<vmem>>, vector<16xf32>,
        %add3A_119 = arith.addf %add3A_113, %get3A_118 : vector<16xf32>
        %add3A_120 = arith.constant 7 : i32
        %add3A_121 = arith.addi %mul3A_81, %add3A_120 : i32
        %get3A_122 = arith.index_cast %add3A_121 : i32 to index
        %get3A_123 = arith.constant 0 : index
        %get3A_124 = tpu.vector_load %arg6[%get3A_122, %get3A_123] {strides = array<i32>} : memref<128x128xf32, #tpu.memory_space<vmem>>, vector<16xf32>,
        %add3A_125 = arith.addf %add3A_119, %get3A_124 : vector<16xf32>
        %add3A_126 = arith.constant 8 : i32
        %add3A_127 = arith.addi %mul3A_81, %add3A_126 : i32
        %get3A_128 = arith.index_cast %add3A_127 : i32 to index
        %get3A_129 = arith.constant 0 : index
        %get3A_130 = tpu.vector_load %arg6[%get3A_128, %get3A_129] {strides = array<i32>} : memref<128x128xf32, #tpu.memory_space<vmem>>, vector<16xf32>,
        %add3A_131 = arith.addf %add3A_125, %get3A_130 : vector<16xf32>
        %add3A_132 = arith.constant 9 : i32
        %add3A_133 = arith.addi %mul3A_81, %add3A_132 : i32
        %get3A_134 = arith.index_cast %add3A_133 : i32 to index
        %get3A_135 = arith.constant 0 : index
        %get3A_136 = tpu.vector_load %arg6[%get3A_134, %get3A_135] {strides = array<i32>} : memref<128x128xf32, #tpu.memory_space<vmem>>, vector<16xf32>,
        %add3A_137 = arith.addf %add3A_131, %get3A_136 : vector<16xf32>
        %add3A_138 = arith.constant 10 : i32
        %add3A_139 = arith.addi %mul3A_81, %add3A_138 : i32
        %get3A_140 = arith.index_cast %add3A_139 : i32 to index
        %get3A_141 = arith.constant 0 : index
        %get3A_142 = tpu.vector_load %arg6[%get3A_140, %get3A_141] {strides = array<i32>} : memref<128x128xf32, #tpu.memory_space<vmem>>, vector<16xf32>,
        %add3A_143 = arith.addf %add3A_137, %get3A_142 : vector<16xf32>
        %add3A_144 = arith.constant 11 : i32
        %add3A_145 = arith.addi %mul3A_81, %add3A_144 : i32
        %get3A_146 = arith.index_cast %add3A_145 : i32 to index
        %get3A_147 = arith.constant 0 : index
        %get3A_148 = tpu.vector_load %arg6[%get3A_146, %get3A_147] {strides = array<i32>} : memref<128x128xf32, #tpu.memory_space<vmem>>, vector<16xf32>,
        %add3A_149 = arith.addf %add3A_143, %get3A_148 : vector<16xf32>
        %add3A_150 = arith.constant 12 : i32
        %add3A_151 = arith.addi %mul3A_81, %add3A_150 : i32
        %get3A_152 = arith.index_cast %add3A_151 : i32 to index
        %get3A_153 = arith.constant 0 : index
        %get3A_154 = tpu.vector_load %arg6[%get3A_152, %get3A_153] {strides = array<i32>} : memref<128x128xf32, #tpu.memory_space<vmem>>, vector<16xf32>,
        %add3A_155 = arith.addf %add3A_149, %get3A_154 : vector<16xf32>
        %add3A_156 = arith.constant 13 : i32
        %add3A_157 = arith.addi %mul3A_81, %add3A_156 : i32
        %get3A_158 = arith.index_cast %add3A_157 : i32 to index
        %get3A_159 = arith.constant 0 : index
        %get3A_160 = tpu.vector_load %arg6[%get3A_158, %get3A_159] {strides = array<i32>} : memref<128x128xf32, #tpu.memory_space<vmem>>, vector<16xf32>,
        %add3A_161 = arith.addf %add3A_155, %get3A_160 : vector<16xf32>
        %add3A_162 = arith.constant 14 : i32
        %add3A_163 = arith.addi %mul3A_81, %add3A_162 : i32
        %get3A_164 = arith.index_cast %add3A_163 : i32 to index
        %get3A_165 = arith.constant 0 : index
        %get3A_166 = tpu.vector_load %arg6[%get3A_164, %get3A_165] {strides = array<i32>} : memref<128x128xf32, #tpu.memory_space<vmem>>, vector<16xf32>,
        %add3A_167 = arith.addf %add3A_161, %get3A_166 : vector<16xf32>
        %add3A_168 = arith.constant 15 : i32
        %add3A_169 = arith.addi %mul3A_81, %add3A_168 : i32
        %get3A_170 = arith.index_cast %add3A_169 : i32 to index
        %get3A_171 = arith.constant 0 : index
        %get3A_172 = tpu.vector_load %arg6[%get3A_170, %get3A_171] {strides = array<i32>} : memref<128x128xf32, #tpu.memory_space<vmem>>, vector<16xf32>,
        %add3A_173 = arith.addf %add3A_167, %get3A_172 : vector<16xf32>
        %mul3A_174 = arith.constant 6.250000e-02 : f32
        %mul3A_175 = vector.broadcast %mul3A_174 : f32 to vector<16xf32>
        %mul3A_176 = arith.mulf %add3A_173, %mul3A_175 : vector<16xf32>
        %add3A_177 = arith.addi %mul3A_48, %add3A_79 : i32
        %swap3A = arith.index_cast %add3A_177 : i32 to index
        %swap3A_178 = arith.constant 0 : index
        %swap3A_179 = tpu.vector_load %arg8[%swap3A, %swap3A_178] {strides = array<i32>} : memref<640x128xf32, #tpu.memory_space<vmem>>, vector<16xf32>,
        tpu.vector_store %arg8[%swap3A, %swap3A_178], %mul3A_176 {strides = array<i32>} : memref<640x128xf32, #tpu.memory_space<vmem>>, vector<16xf32>,
        %get3A_180 = arith.index_cast %mul3A_81 : i32 to index
        %get3A_181 = arith.constant 16 : index
        %get3A_182 = tpu.vector_load %arg6[%get3A_180, %get3A_181] {strides = array<i32>} : memref<128x128xf32, #tpu.memory_space<vmem>>, vector<16xf32>,
        %add3A_183 = arith.constant 1 : i32
        %add3A_184 = arith.addi %mul3A_81, %add3A_183 : i32
        %get3A_185 = arith.index_cast %add3A_184 : i32 to index
        %get3A_186 = arith.constant 16 : index
        %get3A_187 = tpu.vector_load %arg6[%get3A_185, %get3A_186] {strides = array<i32>} : memref<128x128xf32, #tpu.memory_space<vmem>>, vector<16xf32>,
        %add3A_188 = arith.addf %get3A_182, %get3A_187 : vector<16xf32>
        %add3A_189 = arith.constant 2 : i32
        %add3A_190 = arith.addi %mul3A_81, %add3A_189 : i32
        %get3A_191 = arith.index_cast %add3A_190 : i32 to index
        %get3A_192 = arith.constant 16 : index
        %get3A_193 = tpu.vector_load %arg6[%get3A_191, %get3A_192] {strides = array<i32>} : memref<128x128xf32, #tpu.memory_space<vmem>>, vector<16xf32>,
        %add3A_194 = arith.addf %add3A_188, %get3A_193 : vector<16xf32>
        %add3A_195 = arith.constant 3 : i32
        %add3A_196 = arith.addi %mul3A_81, %add3A_195 : i32
        %get3A_197 = arith.index_cast %add3A_196 : i32 to index
        %get3A_198 = arith.constant 16 : index
        %get3A_199 = tpu.vector_load %arg6[%get3A_197, %get3A_198] {strides = array<i32>} : memref<128x128xf32, #tpu.memory_space<vmem>>, vector<16xf32>,
        %add3A_200 = arith.addf %add3A_194, %get3A_199 : vector<16xf32>
        %add3A_201 = arith.constant 4 : i32
        %add3A_202 = arith.addi %mul3A_81, %add3A_201 : i32
        %get3A_203 = arith.index_cast %add3A_202 : i32 to index
        %get3A_204 = arith.constant 16 : index
        %get3A_205 = tpu.vector_load %arg6[%get3A_203, %get3A_204] {strides = array<i32>} : memref<128x128xf32, #tpu.memory_space<vmem>>, vector<16xf32>,
        %add3A_206 = arith.addf %add3A_200, %get3A_205 : vector<16xf32>
        %add3A_207 = arith.constant 5 : i32
        %add3A_208 = arith.addi %mul3A_81, %add3A_207 : i32
        %get3A_209 = arith.index_cast %add3A_208 : i32 to index
        %get3A_210 = arith.constant 16 : index
        %get3A_211 = tpu.vector_load %arg6[%get3A_209, %get3A_210] {strides = array<i32>} : memref<128x128xf32, #tpu.memory_space<vmem>>, vector<16xf32>,
        %add3A_212 = arith.addf %add3A_206, %get3A_211 : vector<16xf32>
        %add3A_213 = arith.constant 6 : i32
        %add3A_214 = arith.addi %mul3A_81, %add3A_213 : i32
        %get3A_215 = arith.index_cast %add3A_214 : i32 to index
        %get3A_216 = arith.constant 16 : index
        %get3A_217 = tpu.vector_load %arg6[%get3A_215, %get3A_216] {strides = array<i32>} : memref<128x128xf32, #tpu.memory_space<vmem>>, vector<16xf32>,
        %add3A_218 = arith.addf %add3A_212, %get3A_217 : vector<16xf32>
        %add3A_219 = arith.constant 7 : i32
        %add3A_220 = arith.addi %mul3A_81, %add3A_219 : i32
        %get3A_221 = arith.index_cast %add3A_220 : i32 to index
        %get3A_222 = arith.constant 16 : index
        %get3A_223 = tpu.vector_load %arg6[%get3A_221, %get3A_222] {strides = array<i32>} : memref<128x128xf32, #tpu.memory_space<vmem>>, vector<16xf32>,
        %add3A_224 = arith.addf %add3A_218, %get3A_223 : vector<16xf32>
        %add3A_225 = arith.constant 8 : i32
        %add3A_226 = arith.addi %mul3A_81, %add3A_225 : i32
        %get3A_227 = arith.index_cast %add3A_226 : i32 to index
        %get3A_228 = arith.constant 16 : index
        %get3A_229 = tpu.vector_load %arg6[%get3A_227, %get3A_228] {strides = array<i32>} : memref<128x128xf32, #tpu.memory_space<vmem>>, vector<16xf32>,
        %add3A_230 = arith.addf %add3A_224, %get3A_229 : vector<16xf32>
        %add3A_231 = arith.constant 9 : i32
        %add3A_232 = arith.addi %mul3A_81, %add3A_231 : i32
        %get3A_233 = arith.index_cast %add3A_232 : i32 to index
        %get3A_234 = arith.constant 16 : index
        %get3A_235 = tpu.vector_load %arg6[%get3A_233, %get3A_234] {strides = array<i32>} : memref<128x128xf32, #tpu.memory_space<vmem>>, vector<16xf32>,
        %add3A_236 = arith.addf %add3A_230, %get3A_235 : vector<16xf32>
        %add3A_237 = arith.constant 10 : i32
        %add3A_238 = arith.addi %mul3A_81, %add3A_237 : i32
        %get3A_239 = arith.index_cast %add3A_238 : i32 to index
        %get3A_240 = arith.constant 16 : index
        %get3A_241 = tpu.vector_load %arg6[%get3A_239, %get3A_240] {strides = array<i32>} : memref<128x128xf32, #tpu.memory_space<vmem>>, vector<16xf32>,
        %add3A_242 = arith.addf %add3A_236, %get3A_241 : vector<16xf32>
        %add3A_243 = arith.constant 11 : i32
        %add3A_244 = arith.addi %mul3A_81, %add3A_243 : i32
        %get3A_245 = arith.index_cast %add3A_244 : i32 to index
        %get3A_246 = arith.constant 16 : index
        %get3A_247 = tpu.vector_load %arg6[%get3A_245, %get3A_246] {strides = array<i32>} : memref<128x128xf32, #tpu.memory_space<vmem>>, vector<16xf32>,
        %add3A_248 = arith.addf %add3A_242, %get3A_247 : vector<16xf32>
        %add3A_249 = arith.constant 12 : i32
        %add3A_250 = arith.addi %mul3A_81, %add3A_249 : i32
        %get3A_251 = arith.index_cast %add3A_250 : i32 to index
        %get3A_252 = arith.constant 16 : index
        %get3A_253 = tpu.vector_load %arg6[%get3A_251, %get3A_252] {strides = array<i32>} : memref<128x128xf32, #tpu.memory_space<vmem>>, vector<16xf32>,
        %add3A_254 = arith.addf %add3A_248, %get3A_253 : vector<16xf32>
        %add3A_255 = arith.constant 13 : i32
        %add3A_256 = arith.addi %mul3A_81, %add3A_255 : i32
        %get3A_257 = arith.index_cast %add3A_256 : i32 to index
        %get3A_258 = arith.constant 16 : index
        %get3A_259 = tpu.vector_load %arg6[%get3A_257, %get3A_258] {strides = array<i32>} : memref<128x128xf32, #tpu.memory_space<vmem>>, vector<16xf32>,
        %add3A_260 = arith.addf %add3A_254, %get3A_259 : vector<16xf32>
        %add3A_261 = arith.constant 14 : i32
        %add3A_262 = arith.addi %mul3A_81, %add3A_261 : i32
        %get3A_263 = arith.index_cast %add3A_262 : i32 to index
        %get3A_264 = arith.constant 16 : index
        %get3A_265 = tpu.vector_load %arg6[%get3A_263, %get3A_264] {strides = array<i32>} : memref<128x128xf32, #tpu.memory_space<vmem>>, vector<16xf32>,
        %add3A_266 = arith.addf %add3A_260, %get3A_265 : vector<16xf32>
        %add3A_267 = arith.constant 15 : i32
        %add3A_268 = arith.addi %mul3A_81, %add3A_267 : i32
        %get3A_269 = arith.index_cast %add3A_268 : i32 to index
        %get3A_270 = arith.constant 16 : index
        %get3A_271 = tpu.vector_load %arg6[%get3A_269, %get3A_270] {strides = array<i32>} : memref<128x128xf32, #tpu.memory_space<vmem>>, vector<16xf32>,
        %add3A_272 = arith.addf %add3A_266, %get3A_271 : vector<16xf32>
        %mul3A_273 = arith.constant 6.250000e-02 : f32
        %mul3A_274 = vector.broadcast %mul3A_273 : f32 to vector<16xf32>
        %mul3A_275 = arith.mulf %add3A_272, %mul3A_274 : vector<16xf32>
        %add3A_276 = arith.addi %mul3A_48, %add3A_79 : i32
        %swap3A_277 = arith.index_cast %add3A_276 : i32 to index
        %swap3A_278 = arith.constant 16 : index
        %swap3A_279 = tpu.vector_load %arg8[%swap3A_277, %swap3A_278] {strides = array<i32>} : memref<640x128xf32, #tpu.memory_space<vmem>>, vector<16xf32>,
        tpu.vector_store %arg8[%swap3A_277, %swap3A_278], %mul3A_275 {strides = array<i32>} : memref<640x128xf32, #tpu.memory_space<vmem>>, vector<16xf32>,
        %get3A_280 = arith.index_cast %mul3A_81 : i32 to index
        %get3A_281 = arith.constant 32 : index
        %get3A_282 = tpu.vector_load %arg6[%get3A_280, %get3A_281] {strides = array<i32>} : memref<128x128xf32, #tpu.memory_space<vmem>>, vector<16xf32>,
        %add3A_283 = arith.constant 1 : i32
        %add3A_284 = arith.addi %mul3A_81, %add3A_283 : i32
        %get3A_285 = arith.index_cast %add3A_284 : i32 to index
        %get3A_286 = arith.constant 32 : index
        %get3A_287 = tpu.vector_load %arg6[%get3A_285, %get3A_286] {strides = array<i32>} : memref<128x128xf32, #tpu.memory_space<vmem>>, vector<16xf32>,
        %add3A_288 = arith.addf %get3A_282, %get3A_287 : vector<16xf32>
        %add3A_289 = arith.constant 2 : i32
        %add3A_290 = arith.addi %mul3A_81, %add3A_289 : i32
        %get3A_291 = arith.index_cast %add3A_290 : i32 to index
        %get3A_292 = arith.constant 32 : index
        %get3A_293 = tpu.vector_load %arg6[%get3A_291, %get3A_292] {strides = array<i32>} : memref<128x128xf32, #tpu.memory_space<vmem>>, vector<16xf32>,
        %add3A_294 = arith.addf %add3A_288, %get3A_293 : vector<16xf32>
        %add3A_295 = arith.constant 3 : i32
        %add3A_296 = arith.addi %mul3A_81, %add3A_295 : i32
        %get3A_297 = arith.index_cast %add3A_296 : i32 to index
        %get3A_298 = arith.constant 32 : index
        %get3A_299 = tpu.vector_load %arg6[%get3A_297, %get3A_298] {strides = array<i32>} : memref<128x128xf32, #tpu.memory_space<vmem>>, vector<16xf32>,
        %add3A_300 = arith.addf %add3A_294, %get3A_299 : vector<16xf32>
        %add3A_301 = arith.constant 4 : i32
        %add3A_302 = arith.addi %mul3A_81, %add3A_301 : i32
        %get3A_303 = arith.index_cast %add3A_302 : i32 to index
        %get3A_304 = arith.constant 32 : index
        %get3A_305 = tpu.vector_load %arg6[%get3A_303, %get3A_304] {strides = array<i32>} : memref<128x128xf32, #tpu.memory_space<vmem>>, vector<16xf32>,
        %add3A_306 = arith.addf %add3A_300, %get3A_305 : vector<16xf32>
        %add3A_307 = arith.constant 5 : i32
        %add3A_308 = arith.addi %mul3A_81, %add3A_307 : i32
        %get3A_309 = arith.index_cast %add3A_308 : i32 to index
        %get3A_310 = arith.constant 32 : index
        %get3A_311 = tpu.vector_load %arg6[%get3A_309, %get3A_310] {strides = array<i32>} : memref<128x128xf32, #tpu.memory_space<vmem>>, vector<16xf32>,
        %add3A_312 = arith.addf %add3A_306, %get3A_311 : vector<16xf32>
        %add3A_313 = arith.constant 6 : i32
        %add3A_314 = arith.addi %mul3A_81, %add3A_313 : i32
        %get3A_315 = arith.index_cast %add3A_314 : i32 to index
        %get3A_316 = arith.constant 32 : index
        %get3A_317 = tpu.vector_load %arg6[%get3A_315, %get3A_316] {strides = array<i32>} : memref<128x128xf32, #tpu.memory_space<vmem>>, vector<16xf32>,
        %add3A_318 = arith.addf %add3A_312, %get3A_317 : vector<16xf32>
        %add3A_319 = arith.constant 7 : i32
        %add3A_320 = arith.addi %mul3A_81, %add3A_319 : i32
        %get3A_321 = arith.index_cast %add3A_320 : i32 to index
        %get3A_322 = arith.constant 32 : index
        %get3A_323 = tpu.vector_load %arg6[%get3A_321, %get3A_322] {strides = array<i32>} : memref<128x128xf32, #tpu.memory_space<vmem>>, vector<16xf32>,
        %add3A_324 = arith.addf %add3A_318, %get3A_323 : vector<16xf32>
        %add3A_325 = arith.constant 8 : i32
        %add3A_326 = arith.addi %mul3A_81, %add3A_325 : i32
        %get3A_327 = arith.index_cast %add3A_326 : i32 to index
        %get3A_328 = arith.constant 32 : index
        %get3A_329 = tpu.vector_load %arg6[%get3A_327, %get3A_328] {strides = array<i32>} : memref<128x128xf32, #tpu.memory_space<vmem>>, vector<16xf32>,
        %add3A_330 = arith.addf %add3A_324, %get3A_329 : vector<16xf32>
        %add3A_331 = arith.constant 9 : i32
        %add3A_332 = arith.addi %mul3A_81, %add3A_331 : i32
        %get3A_333 = arith.index_cast %add3A_332 : i32 to index
        %get3A_334 = arith.constant 32 : index
        %get3A_335 = tpu.vector_load %arg6[%get3A_333, %get3A_334] {strides = array<i32>} : memref<128x128xf32, #tpu.memory_space<vmem>>, vector<16xf32>,
        %add3A_336 = arith.addf %add3A_330, %get3A_335 : vector<16xf32>
        %add3A_337 = arith.constant 10 : i32
        %add3A_338 = arith.addi %mul3A_81, %add3A_337 : i32
        %get3A_339 = arith.index_cast %add3A_338 : i32 to index
        %get3A_340 = arith.constant 32 : index
        %get3A_341 = tpu.vector_load %arg6[%get3A_339, %get3A_340] {strides = array<i32>} : memref<128x128xf32, #tpu.memory_space<vmem>>, vector<16xf32>,
        %add3A_342 = arith.addf %add3A_336, %get3A_341 : vector<16xf32>
        %add3A_343 = arith.constant 11 : i32
        %add3A_344 = arith.addi %mul3A_81, %add3A_343 : i32
        %get3A_345 = arith.index_cast %add3A_344 : i32 to index
        %get3A_346 = arith.constant 32 : index
        %get3A_347 = tpu.vector_load %arg6[%get3A_345, %get3A_346] {strides = array<i32>} : memref<128x128xf32, #tpu.memory_space<vmem>>, vector<16xf32>,
        %add3A_348 = arith.addf %add3A_342, %get3A_347 : vector<16xf32>
        %add3A_349 = arith.constant 12 : i32
        %add3A_350 = arith.addi %mul3A_81, %add3A_349 : i32
        %get3A_351 = arith.index_cast %add3A_350 : i32 to index
        %get3A_352 = arith.constant 32 : index
        %get3A_353 = tpu.vector_load %arg6[%get3A_351, %get3A_352] {strides = array<i32>} : memref<128x128xf32, #tpu.memory_space<vmem>>, vector<16xf32>,
        %add3A_354 = arith.addf %add3A_348, %get3A_353 : vector<16xf32>
        %add3A_355 = arith.constant 13 : i32
        %add3A_356 = arith.addi %mul3A_81, %add3A_355 : i32
        %get3A_357 = arith.index_cast %add3A_356 : i32 to index
        %get3A_358 = arith.constant 32 : index
        %get3A_359 = tpu.vector_load %arg6[%get3A_357, %get3A_358] {strides = array<i32>} : memref<128x128xf32, #tpu.memory_space<vmem>>, vector<16xf32>,
        %add3A_360 = arith.addf %add3A_354, %get3A_359 : vector<16xf32>
        %add3A_361 = arith.constant 14 : i32
        %add3A_362 = arith.addi %mul3A_81, %add3A_361 : i32
        %get3A_363 = arith.index_cast %add3A_362 : i32 to index
        %get3A_364 = arith.constant 32 : index
        %get3A_365 = tpu.vector_load %arg6[%get3A_363, %get3A_364] {strides = array<i32>} : memref<128x128xf32, #tpu.memory_space<vmem>>, vector<16xf32>,
        %add3A_366 = arith.addf %add3A_360, %get3A_365 : vector<16xf32>
        %add3A_367 = arith.constant 15 : i32
        %add3A_368 = arith.addi %mul3A_81, %add3A_367 : i32
        %get3A_369 = arith.index_cast %add3A_368 : i32 to index
        %get3A_370 = arith.constant 32 : index
        %get3A_371 = tpu.vector_load %arg6[%get3A_369, %get3A_370] {strides = array<i32>} : memref<128x128xf32, #tpu.memory_space<vmem>>, vector<16xf32>,
        %add3A_372 = arith.addf %add3A_366, %get3A_371 : vector<16xf32>
        %mul3A_373 = arith.constant 6.250000e-02 : f32
        %mul3A_374 = vector.broadcast %mul3A_373 : f32 to vector<16xf32>
        %mul3A_375 = arith.mulf %add3A_372, %mul3A_374 : vector<16xf32>
        %add3A_376 = arith.addi %mul3A_48, %add3A_79 : i32
        %swap3A_377 = arith.index_cast %add3A_376 : i32 to index
        %swap3A_378 = arith.constant 32 : index
        %swap3A_379 = tpu.vector_load %arg8[%swap3A_377, %swap3A_378] {strides = array<i32>} : memref<640x128xf32, #tpu.memory_space<vmem>>, vector<16xf32>,
        tpu.vector_store %arg8[%swap3A_377, %swap3A_378], %mul3A_375 {strides = array<i32>} : memref<640x128xf32, #tpu.memory_space<vmem>>, vector<16xf32>,
        %get3A_380 = arith.index_cast %mul3A_81 : i32 to index
        %get3A_381 = arith.constant 48 : index
        %get3A_382 = tpu.vector_load %arg6[%get3A_380, %get3A_381] {strides = array<i32>} : memref<128x128xf32, #tpu.memory_space<vmem>>, vector<16xf32>,
        %add3A_383 = arith.constant 1 : i32
        %add3A_384 = arith.addi %mul3A_81, %add3A_383 : i32
        %get3A_385 = arith.index_cast %add3A_384 : i32 to index
        %get3A_386 = arith.constant 48 : index
        %get3A_387 = tpu.vector_load %arg6[%get3A_385, %get3A_386] {strides = array<i32>} : memref<128x128xf32, #tpu.memory_space<vmem>>, vector<16xf32>,
        %add3A_388 = arith.addf %get3A_382, %get3A_387 : vector<16xf32>
        %add3A_389 = arith.constant 2 : i32
        %add3A_390 = arith.addi %mul3A_81, %add3A_389 : i32
        %get3A_391 = arith.index_cast %add3A_390 : i32 to index
        %get3A_392 = arith.constant 48 : index
        %get3A_393 = tpu.vector_load %arg6[%get3A_391, %get3A_392] {strides = array<i32>} : memref<128x128xf32, #tpu.memory_space<vmem>>, vector<16xf32>,
        %add3A_394 = arith.addf %add3A_388, %get3A_393 : vector<16xf32>
        %add3A_395 = arith.constant 3 : i32
        %add3A_396 = arith.addi %mul3A_81, %add3A_395 : i32
        %get3A_397 = arith.index_cast %add3A_396 : i32 to index
        %get3A_398 = arith.constant 48 : index
        %get3A_399 = tpu.vector_load %arg6[%get3A_397, %get3A_398] {strides = array<i32>} : memref<128x128xf32, #tpu.memory_space<vmem>>, vector<16xf32>,
        %add3A_400 = arith.addf %add3A_394, %get3A_399 : vector<16xf32>
        %add3A_401 = arith.constant 4 : i32
        %add3A_402 = arith.addi %mul3A_81, %add3A_401 : i32
        %get3A_403 = arith.index_cast %add3A_402 : i32 to index
        %get3A_404 = arith.constant 48 : index
        %get3A_405 = tpu.vector_load %arg6[%get3A_403, %get3A_404] {strides = array<i32>} : memref<128x128xf32, #tpu.memory_space<vmem>>, vector<16xf32>,
        %add3A_406 = arith.addf %add3A_400, %get3A_405 : vector<16xf32>
        %add3A_407 = arith.constant 5 : i32
        %add3A_408 = arith.addi %mul3A_81, %add3A_407 : i32
        %get3A_409 = arith.index_cast %add3A_408 : i32 to index
        %get3A_410 = arith.constant 48 : index
        %get3A_411 = tpu.vector_load %arg6[%get3A_409, %get3A_410] {strides = array<i32>} : memref<128x128xf32, #tpu.memory_space<vmem>>, vector<16xf32>,
        %add3A_412 = arith.addf %add3A_406, %get3A_411 : vector<16xf32>
        %add3A_413 = arith.constant 6 : i32
        %add3A_414 = arith.addi %mul3A_81, %add3A_413 : i32
        %get3A_415 = arith.index_cast %add3A_414 : i32 to index
        %get3A_416 = arith.constant 48 : index
        %get3A_417 = tpu.vector_load %arg6[%get3A_415, %get3A_416] {strides = array<i32>} : memref<128x128xf32, #tpu.memory_space<vmem>>, vector<16xf32>,
        %add3A_418 = arith.addf %add3A_412, %get3A_417 : vector<16xf32>
        %add3A_419 = arith.constant 7 : i32
        %add3A_420 = arith.addi %mul3A_81, %add3A_419 : i32
        %get3A_421 = arith.index_cast %add3A_420 : i32 to index
        %get3A_422 = arith.constant 48 : index
        %get3A_423 = tpu.vector_load %arg6[%get3A_421, %get3A_422] {strides = array<i32>} : memref<128x128xf32, #tpu.memory_space<vmem>>, vector<16xf32>,
        %add3A_424 = arith.addf %add3A_418, %get3A_423 : vector<16xf32>
        %add3A_425 = arith.constant 8 : i32
        %add3A_426 = arith.addi %mul3A_81, %add3A_425 : i32
        %get3A_427 = arith.index_cast %add3A_426 : i32 to index
        %get3A_428 = arith.constant 48 : index
        %get3A_429 = tpu.vector_load %arg6[%get3A_427, %get3A_428] {strides = array<i32>} : memref<128x128xf32, #tpu.memory_space<vmem>>, vector<16xf32>,
        %add3A_430 = arith.addf %add3A_424, %get3A_429 : vector<16xf32>
        %add3A_431 = arith.constant 9 : i32
        %add3A_432 = arith.addi %mul3A_81, %add3A_431 : i32
        %get3A_433 = arith.index_cast %add3A_432 : i32 to index
        %get3A_434 = arith.constant 48 : index
        %get3A_435 = tpu.vector_load %arg6[%get3A_433, %get3A_434] {strides = array<i32>} : memref<128x128xf32, #tpu.memory_space<vmem>>, vector<16xf32>,
        %add3A_436 = arith.addf %add3A_430, %get3A_435 : vector<16xf32>
        %add3A_437 = arith.constant 10 : i32
        %add3A_438 = arith.addi %mul3A_81, %add3A_437 : i32
        %get3A_439 = arith.index_cast %add3A_438 : i32 to index
        %get3A_440 = arith.constant 48 : index
        %get3A_441 = tpu.vector_load %arg6[%get3A_439, %get3A_440] {strides = array<i32>} : memref<128x128xf32, #tpu.memory_space<vmem>>, vector<16xf32>,
        %add3A_442 = arith.addf %add3A_436, %get3A_441 : vector<16xf32>
        %add3A_443 = arith.constant 11 : i32
        %add3A_444 = arith.addi %mul3A_81, %add3A_443 : i32
        %get3A_445 = arith.index_cast %add3A_444 : i32 to index
        %get3A_446 = arith.constant 48 : index
        %get3A_447 = tpu.vector_load %arg6[%get3A_445, %get3A_446] {strides = array<i32>} : memref<128x128xf32, #tpu.memory_space<vmem>>, vector<16xf32>,
        %add3A_448 = arith.addf %add3A_442, %get3A_447 : vector<16xf32>
        %add3A_449 = arith.constant 12 : i32
        %add3A_450 = arith.addi %mul3A_81, %add3A_449 : i32
        %get3A_451 = arith.index_cast %add3A_450 : i32 to index
        %get3A_452 = arith.constant 48 : index
        %get3A_453 = tpu.vector_load %arg6[%get3A_451, %get3A_452] {strides = array<i32>} : memref<128x128xf32, #tpu.memory_space<vmem>>, vector<16xf32>,
        %add3A_454 = arith.addf %add3A_448, %get3A_453 : vector<16xf32>
        %add3A_455 = arith.constant 13 : i32
        %add3A_456 = arith.addi %mul3A_81, %add3A_455 : i32
        %get3A_457 = arith.index_cast %add3A_456 : i32 to index
        %get3A_458 = arith.constant 48 : index
        %get3A_459 = tpu.vector_load %arg6[%get3A_457, %get3A_458] {strides = array<i32>} : memref<128x128xf32, #tpu.memory_space<vmem>>, vector<16xf32>,
        %add3A_460 = arith.addf %add3A_454, %get3A_459 : vector<16xf32>
        %add3A_461 = arith.constant 14 : i32
        %add3A_462 = arith.addi %mul3A_81, %add3A_461 : i32
        %get3A_463 = arith.index_cast %add3A_462 : i32 to index
        %get3A_464 = arith.constant 48 : index
        %get3A_465 = tpu.vector_load %arg6[%get3A_463, %get3A_464] {strides = array<i32>} : memref<128x128xf32, #tpu.memory_space<vmem>>, vector<16xf32>,
        %add3A_466 = arith.addf %add3A_460, %get3A_465 : vector<16xf32>
        %add3A_467 = arith.constant 15 : i32
        %add3A_468 = arith.addi %mul3A_81, %add3A_467 : i32
        %get3A_469 = arith.index_cast %add3A_468 : i32 to index
        %get3A_470 = arith.constant 48 : index
        %get3A_471 = tpu.vector_load %arg6[%get3A_469, %get3A_470] {strides = array<i32>} : memref<128x128xf32, #tpu.memory_space<vmem>>, vector<16xf32>,
        %add3A_472 = arith.addf %add3A_466, %get3A_471 : vector<16xf32>
        %mul3A_473 = arith.constant 6.250000e-02 : f32
        %mul3A_474 = vector.broadcast %mul3A_473 : f32 to vector<16xf32>
        %mul3A_475 = arith.mulf %add3A_472, %mul3A_474 : vector<16xf32>
        %add3A_476 = arith.addi %mul3A_48, %add3A_79 : i32
        %swap3A_477 = arith.index_cast %add3A_476 : i32 to index
        %swap3A_478 = arith.constant 48 : index
        %swap3A_479 = tpu.vector_load %arg8[%swap3A_477, %swap3A_478] {strides = array<i32>} : memref<640x128xf32, #tpu.memory_space<vmem>>, vector<16xf32>,
        tpu.vector_store %arg8[%swap3A_477, %swap3A_478], %mul3A_475 {strides = array<i32>} : memref<640x128xf32, #tpu.memory_space<vmem>>, vector<16xf32>,
        %get3A_480 = arith.index_cast %mul3A_81 : i32 to index
        %get3A_481 = arith.constant 64 : index
        %get3A_482 = tpu.vector_load %arg6[%get3A_480, %get3A_481] {strides = array<i32>} : memref<128x128xf32, #tpu.memory_space<vmem>>, vector<16xf32>,
        %add3A_483 = arith.constant 1 : i32
        %add3A_484 = arith.addi %mul3A_81, %add3A_483 : i32
        %get3A_485 = arith.index_cast %add3A_484 : i32 to index
        %get3A_486 = arith.constant 64 : index
        %get3A_487 = tpu.vector_load %arg6[%get3A_485, %get3A_486] {strides = array<i32>} : memref<128x128xf32, #tpu.memory_space<vmem>>, vector<16xf32>,
        %add3A_488 = arith.addf %get3A_482, %get3A_487 : vector<16xf32>
        %add3A_489 = arith.constant 2 : i32
        %add3A_490 = arith.addi %mul3A_81, %add3A_489 : i32
        %get3A_491 = arith.index_cast %add3A_490 : i32 to index
        %get3A_492 = arith.constant 64 : index
        %get3A_493 = tpu.vector_load %arg6[%get3A_491, %get3A_492] {strides = array<i32>} : memref<128x128xf32, #tpu.memory_space<vmem>>, vector<16xf32>,
        %add3A_494 = arith.addf %add3A_488, %get3A_493 : vector<16xf32>
        %add3A_495 = arith.constant 3 : i32
        %add3A_496 = arith.addi %mul3A_81, %add3A_495 : i32
        %get3A_497 = arith.index_cast %add3A_496 : i32 to index
        %get3A_498 = arith.constant 64 : index
        %get3A_499 = tpu.vector_load %arg6[%get3A_497, %get3A_498] {strides = array<i32>} : memref<128x128xf32, #tpu.memory_space<vmem>>, vector<16xf32>,
        %add3A_500 = arith.addf %add3A_494, %get3A_499 : vector<16xf32>
        %add3A_501 = arith.constant 4 : i32
        %add3A_502 = arith.addi %mul3A_81, %add3A_501 : i32
        %get3A_503 = arith.index_cast %add3A_502 : i32 to index
        %get3A_504 = arith.constant 64 : index
        %get3A_505 = tpu.vector_load %arg6[%get3A_503, %get3A_504] {strides = array<i32>} : memref<128x128xf32, #tpu.memory_space<vmem>>, vector<16xf32>,
        %add3A_506 = arith.addf %add3A_500, %get3A_505 : vector<16xf32>
        %add3A_507 = arith.constant 5 : i32
        %add3A_508 = arith.addi %mul3A_81, %add3A_507 : i32
        %get3A_509 = arith.index_cast %add3A_508 : i32 to index
        %get3A_510 = arith.constant 64 : index
        %get3A_511 = tpu.vector_load %arg6[%get3A_509, %get3A_510] {strides = array<i32>} : memref<128x128xf32, #tpu.memory_space<vmem>>, vector<16xf32>,
        %add3A_512 = arith.addf %add3A_506, %get3A_511 : vector<16xf32>
        %add3A_513 = arith.constant 6 : i32
        %add3A_514 = arith.addi %mul3A_81, %add3A_513 : i32
        %get3A_515 = arith.index_cast %add3A_514 : i32 to index
        %get3A_516 = arith.constant 64 : index
        %get3A_517 = tpu.vector_load %arg6[%get3A_515, %get3A_516] {strides = array<i32>} : memref<128x128xf32, #tpu.memory_space<vmem>>, vector<16xf32>,
        %add3A_518 = arith.addf %add3A_512, %get3A_517 : vector<16xf32>
        %add3A_519 = arith.constant 7 : i32
        %add3A_520 = arith.addi %mul3A_81, %add3A_519 : i32
        %get3A_521 = arith.index_cast %add3A_520 : i32 to index
        %get3A_522 = arith.constant 64 : index
        %get3A_523 = tpu.vector_load %arg6[%get3A_521, %get3A_522] {strides = array<i32>} : memref<128x128xf32, #tpu.memory_space<vmem>>, vector<16xf32>,
        %add3A_524 = arith.addf %add3A_518, %get3A_523 : vector<16xf32>
        %add3A_525 = arith.constant 8 : i32
        %add3A_526 = arith.addi %mul3A_81, %add3A_525 : i32
        %get3A_527 = arith.index_cast %add3A_526 : i32 to index
        %get3A_528 = arith.constant 64 : index
        %get3A_529 = tpu.vector_load %arg6[%get3A_527, %get3A_528] {strides = array<i32>} : memref<128x128xf32, #tpu.memory_space<vmem>>, vector<16xf32>,
        %add3A_530 = arith.addf %add3A_524, %get3A_529 : vector<16xf32>
        %add3A_531 = arith.constant 9 : i32
        %add3A_532 = arith.addi %mul3A_81, %add3A_531 : i32
        %get3A_533 = arith.index_cast %add3A_532 : i32 to index
        %get3A_534 = arith.constant 64 : index
        %get3A_535 = tpu.vector_load %arg6[%get3A_533, %get3A_534] {strides = array<i32>} : memref<128x128xf32, #tpu.memory_space<vmem>>, vector<16xf32>,
        %add3A_536 = arith.addf %add3A_530, %get3A_535 : vector<16xf32>
        %add3A_537 = arith.constant 10 : i32
        %add3A_538 = arith.addi %mul3A_81, %add3A_537 : i32
        %get3A_539 = arith.index_cast %add3A_538 : i32 to index
        %get3A_540 = arith.constant 64 : index
        %get3A_541 = tpu.vector_load %arg6[%get3A_539, %get3A_540] {strides = array<i32>} : memref<128x128xf32, #tpu.memory_space<vmem>>, vector<16xf32>,
        %add3A_542 = arith.addf %add3A_536, %get3A_541 : vector<16xf32>
        %add3A_543 = arith.constant 11 : i32
        %add3A_544 = arith.addi %mul3A_81, %add3A_543 : i32
        %get3A_545 = arith.index_cast %add3A_544 : i32 to index
        %get3A_546 = arith.constant 64 : index
        %get3A_547 = tpu.vector_load %arg6[%get3A_545, %get3A_546] {strides = array<i32>} : memref<128x128xf32, #tpu.memory_space<vmem>>, vector<16xf32>,
        %add3A_548 = arith.addf %add3A_542, %get3A_547 : vector<16xf32>
        %add3A_549 = arith.constant 12 : i32
        %add3A_550 = arith.addi %mul3A_81, %add3A_549 : i32
        %get3A_551 = arith.index_cast %add3A_550 : i32 to index
        %get3A_552 = arith.constant 64 : index
        %get3A_553 = tpu.vector_load %arg6[%get3A_551, %get3A_552] {strides = array<i32>} : memref<128x128xf32, #tpu.memory_space<vmem>>, vector<16xf32>,
        %add3A_554 = arith.addf %add3A_548, %get3A_553 : vector<16xf32>
        %add3A_555 = arith.constant 13 : i32
        %add3A_556 = arith.addi %mul3A_81, %add3A_555 : i32
        %get3A_557 = arith.index_cast %add3A_556 : i32 to index
        %get3A_558 = arith.constant 64 : index
        %get3A_559 = tpu.vector_load %arg6[%get3A_557, %get3A_558] {strides = array<i32>} : memref<128x128xf32, #tpu.memory_space<vmem>>, vector<16xf32>,
        %add3A_560 = arith.addf %add3A_554, %get3A_559 : vector<16xf32>
        %add3A_561 = arith.constant 14 : i32
        %add3A_562 = arith.addi %mul3A_81, %add3A_561 : i32
        %get3A_563 = arith.index_cast %add3A_562 : i32 to index
        %get3A_564 = arith.constant 64 : index
        %get3A_565 = tpu.vector_load %arg6[%get3A_563, %get3A_564] {strides = array<i32>} : memref<128x128xf32, #tpu.memory_space<vmem>>, vector<16xf32>,
        %add3A_566 = arith.addf %add3A_560, %get3A_565 : vector<16xf32>
        %add3A_567 = arith.constant 15 : i32
        %add3A_568 = arith.addi %mul3A_81, %add3A_567 : i32
        %get3A_569 = arith.index_cast %add3A_568 : i32 to index
        %get3A_570 = arith.constant 64 : index
        %get3A_571 = tpu.vector_load %arg6[%get3A_569, %get3A_570] {strides = array<i32>} : memref<128x128xf32, #tpu.memory_space<vmem>>, vector<16xf32>,
        %add3A_572 = arith.addf %add3A_566, %get3A_571 : vector<16xf32>
        %mul3A_573 = arith.constant 6.250000e-02 : f32
        %mul3A_574 = vector.broadcast %mul3A_573 : f32 to vector<16xf32>
        %mul3A_575 = arith.mulf %add3A_572, %mul3A_574 : vector<16xf32>
        %add3A_576 = arith.addi %mul3A_48, %add3A_79 : i32
        %swap3A_577 = arith.index_cast %add3A_576 : i32 to index
        %swap3A_578 = arith.constant 64 : index
        %swap3A_579 = tpu.vector_load %arg8[%swap3A_577, %swap3A_578] {strides = array<i32>} : memref<640x128xf32, #tpu.memory_space<vmem>>, vector<16xf32>,
        tpu.vector_store %arg8[%swap3A_577, %swap3A_578], %mul3A_575 {strides = array<i32>} : memref<640x128xf32, #tpu.memory_space<vmem>>, vector<16xf32>,
        %get3A_580 = arith.index_cast %mul3A_81 : i32 to index
        %get3A_581 = arith.constant 80 : index
        %get3A_582 = tpu.vector_load %arg6[%get3A_580, %get3A_581] {strides = array<i32>} : memref<128x128xf32, #tpu.memory_space<vmem>>, vector<16xf32>,
        %add3A_583 = arith.constant 1 : i32
        %add3A_584 = arith.addi %mul3A_81, %add3A_583 : i32
        %get3A_585 = arith.index_cast %add3A_584 : i32 to index
        %get3A_586 = arith.constant 80 : index
        %get3A_587 = tpu.vector_load %arg6[%get3A_585, %get3A_586] {strides = array<i32>} : memref<128x128xf32, #tpu.memory_space<vmem>>, vector<16xf32>,
        %add3A_588 = arith.addf %get3A_582, %get3A_587 : vector<16xf32>
        %add3A_589 = arith.constant 2 : i32
        %add3A_590 = arith.addi %mul3A_81, %add3A_589 : i32
        %get3A_591 = arith.index_cast %add3A_590 : i32 to index
        %get3A_592 = arith.constant 80 : index
        %get3A_593 = tpu.vector_load %arg6[%get3A_591, %get3A_592] {strides = array<i32>} : memref<128x128xf32, #tpu.memory_space<vmem>>, vector<16xf32>,
        %add3A_594 = arith.addf %add3A_588, %get3A_593 : vector<16xf32>
        %add3A_595 = arith.constant 3 : i32
        %add3A_596 = arith.addi %mul3A_81, %add3A_595 : i32
        %get3A_597 = arith.index_cast %add3A_596 : i32 to index
        %get3A_598 = arith.constant 80 : index
        %get3A_599 = tpu.vector_load %arg6[%get3A_597, %get3A_598] {strides = array<i32>} : memref<128x128xf32, #tpu.memory_space<vmem>>, vector<16xf32>,
        %add3A_600 = arith.addf %add3A_594, %get3A_599 : vector<16xf32>
        %add3A_601 = arith.constant 4 : i32
        %add3A_602 = arith.addi %mul3A_81, %add3A_601 : i32
        %get3A_603 = arith.index_cast %add3A_602 : i32 to index
        %get3A_604 = arith.constant 80 : index
        %get3A_605 = tpu.vector_load %arg6[%get3A_603, %get3A_604] {strides = array<i32>} : memref<128x128xf32, #tpu.memory_space<vmem>>, vector<16xf32>,
        %add3A_606 = arith.addf %add3A_600, %get3A_605 : vector<16xf32>
        %add3A_607 = arith.constant 5 : i32
        %add3A_608 = arith.addi %mul3A_81, %add3A_607 : i32
        %get3A_609 = arith.index_cast %add3A_608 : i32 to index
        %get3A_610 = arith.constant 80 : index
        %get3A_611 = tpu.vector_load %arg6[%get3A_609, %get3A_610] {strides = array<i32>} : memref<128x128xf32, #tpu.memory_space<vmem>>, vector<16xf32>,
        %add3A_612 = arith.addf %add3A_606, %get3A_611 : vector<16xf32>
        %add3A_613 = arith.constant 6 : i32
        %add3A_614 = arith.addi %mul3A_81, %add3A_613 : i32
        %get3A_615 = arith.index_cast %add3A_614 : i32 to index
        %get3A_616 = arith.constant 80 : index
        %get3A_617 = tpu.vector_load %arg6[%get3A_615, %get3A_616] {strides = array<i32>} : memref<128x128xf32, #tpu.memory_space<vmem>>, vector<16xf32>,
        %add3A_618 = arith.addf %add3A_612, %get3A_617 : vector<16xf32>
        %add3A_619 = arith.constant 7 : i32
        %add3A_620 = arith.addi %mul3A_81, %add3A_619 : i32
        %get3A_621 = arith.index_cast %add3A_620 : i32 to index
        %get3A_622 = arith.constant 80 : index
        %get3A_623 = tpu.vector_load %arg6[%get3A_621, %get3A_622] {strides = array<i32>} : memref<128x128xf32, #tpu.memory_space<vmem>>, vector<16xf32>,
        %add3A_624 = arith.addf %add3A_618, %get3A_623 : vector<16xf32>
        %add3A_625 = arith.constant 8 : i32
        %add3A_626 = arith.addi %mul3A_81, %add3A_625 : i32
        %get3A_627 = arith.index_cast %add3A_626 : i32 to index
        %get3A_628 = arith.constant 80 : index
        %get3A_629 = tpu.vector_load %arg6[%get3A_627, %get3A_628] {strides = array<i32>} : memref<128x128xf32, #tpu.memory_space<vmem>>, vector<16xf32>,
        %add3A_630 = arith.addf %add3A_624, %get3A_629 : vector<16xf32>
        %add3A_631 = arith.constant 9 : i32
        %add3A_632 = arith.addi %mul3A_81, %add3A_631 : i32
        %get3A_633 = arith.index_cast %add3A_632 : i32 to index
        %get3A_634 = arith.constant 80 : index
        %get3A_635 = tpu.vector_load %arg6[%get3A_633, %get3A_634] {strides = array<i32>} : memref<128x128xf32, #tpu.memory_space<vmem>>, vector<16xf32>,
        %add3A_636 = arith.addf %add3A_630, %get3A_635 : vector<16xf32>
        %add3A_637 = arith.constant 10 : i32
        %add3A_638 = arith.addi %mul3A_81, %add3A_637 : i32
        %get3A_639 = arith.index_cast %add3A_638 : i32 to index
        %get3A_640 = arith.constant 80 : index
        %get3A_641 = tpu.vector_load %arg6[%get3A_639, %get3A_640] {strides = array<i32>} : memref<128x128xf32, #tpu.memory_space<vmem>>, vector<16xf32>,
        %add3A_642 = arith.addf %add3A_636, %get3A_641 : vector<16xf32>
        %add3A_643 = arith.constant 11 : i32
        %add3A_644 = arith.addi %mul3A_81, %add3A_643 : i32
        %get3A_645 = arith.index_cast %add3A_644 : i32 to index
        %get3A_646 = arith.constant 80 : index
        %get3A_647 = tpu.vector_load %arg6[%get3A_645, %get3A_646] {strides = array<i32>} : memref<128x128xf32, #tpu.memory_space<vmem>>, vector<16xf32>,
        %add3A_648 = arith.addf %add3A_642, %get3A_647 : vector<16xf32>
        %add3A_649 = arith.constant 12 : i32
        %add3A_650 = arith.addi %mul3A_81, %add3A_649 : i32
        %get3A_651 = arith.index_cast %add3A_650 : i32 to index
        %get3A_652 = arith.constant 80 : index
        %get3A_653 = tpu.vector_load %arg6[%get3A_651, %get3A_652] {strides = array<i32>} : memref<128x128xf32, #tpu.memory_space<vmem>>, vector<16xf32>,
        %add3A_654 = arith.addf %add3A_648, %get3A_653 : vector<16xf32>
        %add3A_655 = arith.constant 13 : i32
        %add3A_656 = arith.addi %mul3A_81, %add3A_655 : i32
        %get3A_657 = arith.index_cast %add3A_656 : i32 to index
        %get3A_658 = arith.constant 80 : index
        %get3A_659 = tpu.vector_load %arg6[%get3A_657, %get3A_658] {strides = array<i32>} : memref<128x128xf32, #tpu.memory_space<vmem>>, vector<16xf32>,
        %add3A_660 = arith.addf %add3A_654, %get3A_659 : vector<16xf32>
        %add3A_661 = arith.constant 14 : i32
        %add3A_662 = arith.addi %mul3A_81, %add3A_661 : i32
        %get3A_663 = arith.index_cast %add3A_662 : i32 to index
        %get3A_664 = arith.constant 80 : index
        %get3A_665 = tpu.vector_load %arg6[%get3A_663, %get3A_664] {strides = array<i32>} : memref<128x128xf32, #tpu.memory_space<vmem>>, vector<16xf32>,
        %add3A_666 = arith.addf %add3A_660, %get3A_665 : vector<16xf32>
        %add3A_667 = arith.constant 15 : i32
        %add3A_668 = arith.addi %mul3A_81, %add3A_667 : i32
        %get3A_669 = arith.index_cast %add3A_668 : i32 to index
        %get3A_670 = arith.constant 80 : index
        %get3A_671 = tpu.vector_load %arg6[%get3A_669, %get3A_670] {strides = array<i32>} : memref<128x128xf32, #tpu.memory_space<vmem>>, vector<16xf32>,
        %add3A_672 = arith.addf %add3A_666, %get3A_671 : vector<16xf32>
        %mul3A_673 = arith.constant 6.250000e-02 : f32
        %mul3A_674 = vector.broadcast %mul3A_673 : f32 to vector<16xf32>
        %mul3A_675 = arith.mulf %add3A_672, %mul3A_674 : vector<16xf32>
        %add3A_676 = arith.addi %mul3A_48, %add3A_79 : i32
        %swap3A_677 = arith.index_cast %add3A_676 : i32 to index
        %swap3A_678 = arith.constant 80 : index
        %swap3A_679 = tpu.vector_load %arg8[%swap3A_677, %swap3A_678] {strides = array<i32>} : memref<640x128xf32, #tpu.memory_space<vmem>>, vector<16xf32>,
        tpu.vector_store %arg8[%swap3A_677, %swap3A_678], %mul3A_675 {strides = array<i32>} : memref<640x128xf32, #tpu.memory_space<vmem>>, vector<16xf32>,
        %get3A_680 = arith.index_cast %mul3A_81 : i32 to index
        %get3A_681 = arith.constant 96 : index
        %get3A_682 = tpu.vector_load %arg6[%get3A_680, %get3A_681] {strides = array<i32>} : memref<128x128xf32, #tpu.memory_space<vmem>>, vector<16xf32>,
        %add3A_683 = arith.constant 1 : i32
        %add3A_684 = arith.addi %mul3A_81, %add3A_683 : i32
        %get3A_685 = arith.index_cast %add3A_684 : i32 to index
        %get3A_686 = arith.constant 96 : index
        %get3A_687 = tpu.vector_load %arg6[%get3A_685, %get3A_686] {strides = array<i32>} : memref<128x128xf32, #tpu.memory_space<vmem>>, vector<16xf32>,
        %add3A_688 = arith.addf %get3A_682, %get3A_687 : vector<16xf32>
        %add3A_689 = arith.constant 2 : i32
        %add3A_690 = arith.addi %mul3A_81, %add3A_689 : i32
        %get3A_691 = arith.index_cast %add3A_690 : i32 to index
        %get3A_692 = arith.constant 96 : index
        %get3A_693 = tpu.vector_load %arg6[%get3A_691, %get3A_692] {strides = array<i32>} : memref<128x128xf32, #tpu.memory_space<vmem>>, vector<16xf32>,
        %add3A_694 = arith.addf %add3A_688, %get3A_693 : vector<16xf32>
        %add3A_695 = arith.constant 3 : i32
        %add3A_696 = arith.addi %mul3A_81, %add3A_695 : i32
        %get3A_697 = arith.index_cast %add3A_696 : i32 to index
        %get3A_698 = arith.constant 96 : index
        %get3A_699 = tpu.vector_load %arg6[%get3A_697, %get3A_698] {strides = array<i32>} : memref<128x128xf32, #tpu.memory_space<vmem>>, vector<16xf32>,
        %add3A_700 = arith.addf %add3A_694, %get3A_699 : vector<16xf32>
        %add3A_701 = arith.constant 4 : i32
        %add3A_702 = arith.addi %mul3A_81, %add3A_701 : i32
        %get3A_703 = arith.index_cast %add3A_702 : i32 to index
        %get3A_704 = arith.constant 96 : index
        %get3A_705 = tpu.vector_load %arg6[%get3A_703, %get3A_704] {strides = array<i32>} : memref<128x128xf32, #tpu.memory_space<vmem>>, vector<16xf32>,
        %add3A_706 = arith.addf %add3A_700, %get3A_705 : vector<16xf32>
        %add3A_707 = arith.constant 5 : i32
        %add3A_708 = arith.addi %mul3A_81, %add3A_707 : i32
        %get3A_709 = arith.index_cast %add3A_708 : i32 to index
        %get3A_710 = arith.constant 96 : index
        %get3A_711 = tpu.vector_load %arg6[%get3A_709, %get3A_710] {strides = array<i32>} : memref<128x128xf32, #tpu.memory_space<vmem>>, vector<16xf32>,
        %add3A_712 = arith.addf %add3A_706, %get3A_711 : vector<16xf32>
        %add3A_713 = arith.constant 6 : i32
        %add3A_714 = arith.addi %mul3A_81, %add3A_713 : i32
        %get3A_715 = arith.index_cast %add3A_714 : i32 to index
        %get3A_716 = arith.constant 96 : index
        %get3A_717 = tpu.vector_load %arg6[%get3A_715, %get3A_716] {strides = array<i32>} : memref<128x128xf32, #tpu.memory_space<vmem>>, vector<16xf32>,
        %add3A_718 = arith.addf %add3A_712, %get3A_717 : vector<16xf32>
        %add3A_719 = arith.constant 7 : i32
        %add3A_720 = arith.addi %mul3A_81, %add3A_719 : i32
        %get3A_721 = arith.index_cast %add3A_720 : i32 to index
        %get3A_722 = arith.constant 96 : index
        %get3A_723 = tpu.vector_load %arg6[%get3A_721, %get3A_722] {strides = array<i32>} : memref<128x128xf32, #tpu.memory_space<vmem>>, vector<16xf32>,
        %add3A_724 = arith.addf %add3A_718, %get3A_723 : vector<16xf32>
        %add3A_725 = arith.constant 8 : i32
        %add3A_726 = arith.addi %mul3A_81, %add3A_725 : i32
        %get3A_727 = arith.index_cast %add3A_726 : i32 to index
        %get3A_728 = arith.constant 96 : index
        %get3A_729 = tpu.vector_load %arg6[%get3A_727, %get3A_728] {strides = array<i32>} : memref<128x128xf32, #tpu.memory_space<vmem>>, vector<16xf32>,
        %add3A_730 = arith.addf %add3A_724, %get3A_729 : vector<16xf32>
        %add3A_731 = arith.constant 9 : i32
        %add3A_732 = arith.addi %mul3A_81, %add3A_731 : i32
        %get3A_733 = arith.index_cast %add3A_732 : i32 to index
        %get3A_734 = arith.constant 96 : index
        %get3A_735 = tpu.vector_load %arg6[%get3A_733, %get3A_734] {strides = array<i32>} : memref<128x128xf32, #tpu.memory_space<vmem>>, vector<16xf32>,
        %add3A_736 = arith.addf %add3A_730, %get3A_735 : vector<16xf32>
        %add3A_737 = arith.constant 10 : i32
        %add3A_738 = arith.addi %mul3A_81, %add3A_737 : i32
        %get3A_739 = arith.index_cast %add3A_738 : i32 to index
        %get3A_740 = arith.constant 96 : index
        %get3A_741 = tpu.vector_load %arg6[%get3A_739, %get3A_740] {strides = array<i32>} : memref<128x128xf32, #tpu.memory_space<vmem>>, vector<16xf32>,
        %add3A_742 = arith.addf %add3A_736, %get3A_741 : vector<16xf32>
        %add3A_743 = arith.constant 11 : i32
        %add3A_744 = arith.addi %mul3A_81, %add3A_743 : i32
        %get3A_745 = arith.index_cast %add3A_744 : i32 to index
        %get3A_746 = arith.constant 96 : index
        %get3A_747 = tpu.vector_load %arg6[%get3A_745, %get3A_746] {strides = array<i32>} : memref<128x128xf32, #tpu.memory_space<vmem>>, vector<16xf32>,
        %add3A_748 = arith.addf %add3A_742, %get3A_747 : vector<16xf32>
        %add3A_749 = arith.constant 12 : i32
        %add3A_750 = arith.addi %mul3A_81, %add3A_749 : i32
        %get3A_751 = arith.index_cast %add3A_750 : i32 to index
        %get3A_752 = arith.constant 96 : index
        %get3A_753 = tpu.vector_load %arg6[%get3A_751, %get3A_752] {strides = array<i32>} : memref<128x128xf32, #tpu.memory_space<vmem>>, vector<16xf32>,
        %add3A_754 = arith.addf %add3A_748, %get3A_753 : vector<16xf32>
        %add3A_755 = arith.constant 13 : i32
        %add3A_756 = arith.addi %mul3A_81, %add3A_755 : i32
        %get3A_757 = arith.index_cast %add3A_756 : i32 to index
        %get3A_758 = arith.constant 96 : index
        %get3A_759 = tpu.vector_load %arg6[%get3A_757, %get3A_758] {strides = array<i32>} : memref<128x128xf32, #tpu.memory_space<vmem>>, vector<16xf32>,
        %add3A_760 = arith.addf %add3A_754, %get3A_759 : vector<16xf32>
        %add3A_761 = arith.constant 14 : i32
        %add3A_762 = arith.addi %mul3A_81, %add3A_761 : i32
        %get3A_763 = arith.index_cast %add3A_762 : i32 to index
        %get3A_764 = arith.constant 96 : index
        %get3A_765 = tpu.vector_load %arg6[%get3A_763, %get3A_764] {strides = array<i32>} : memref<128x128xf32, #tpu.memory_space<vmem>>, vector<16xf32>,
        %add3A_766 = arith.addf %add3A_760, %get3A_765 : vector<16xf32>
        %add3A_767 = arith.constant 15 : i32
        %add3A_768 = arith.addi %mul3A_81, %add3A_767 : i32
        %get3A_769 = arith.index_cast %add3A_768 : i32 to index
        %get3A_770 = arith.constant 96 : index
        %get3A_771 = tpu.vector_load %arg6[%get3A_769, %get3A_770] {strides = array<i32>} : memref<128x128xf32, #tpu.memory_space<vmem>>, vector<16xf32>,
        %add3A_772 = arith.addf %add3A_766, %get3A_771 : vector<16xf32>
        %mul3A_773 = arith.constant 6.250000e-02 : f32
        %mul3A_774 = vector.broadcast %mul3A_773 : f32 to vector<16xf32>
        %mul3A_775 = arith.mulf %add3A_772, %mul3A_774 : vector<16xf32>
        %add3A_776 = arith.addi %mul3A_48, %add3A_79 : i32
        %swap3A_777 = arith.index_cast %add3A_776 : i32 to index
        %swap3A_778 = arith.constant 96 : index
        %swap3A_779 = tpu.vector_load %arg8[%swap3A_777, %swap3A_778] {strides = array<i32>} : memref<640x128xf32, #tpu.memory_space<vmem>>, vector<16xf32>,
        tpu.vector_store %arg8[%swap3A_777, %swap3A_778], %mul3A_775 {strides = array<i32>} : memref<640x128xf32, #tpu.memory_space<vmem>>, vector<16xf32>,
        %get3A_780 = arith.index_cast %mul3A_81 : i32 to index
        %get3A_781 = arith.constant 112 : index
        %get3A_782 = tpu.vector_load %arg6[%get3A_780, %get3A_781] {strides = array<i32>} : memref<128x128xf32, #tpu.memory_space<vmem>>, vector<16xf32>,
        %add3A_783 = arith.constant 1 : i32
        %add3A_784 = arith.addi %mul3A_81, %add3A_783 : i32
        %get3A_785 = arith.index_cast %add3A_784 : i32 to index
        %get3A_786 = arith.constant 112 : index
        %get3A_787 = tpu.vector_load %arg6[%get3A_785, %get3A_786] {strides = array<i32>} : memref<128x128xf32, #tpu.memory_space<vmem>>, vector<16xf32>,
        %add3A_788 = arith.addf %get3A_782, %get3A_787 : vector<16xf32>
        %add3A_789 = arith.constant 2 : i32
        %add3A_790 = arith.addi %mul3A_81, %add3A_789 : i32
        %get3A_791 = arith.index_cast %add3A_790 : i32 to index
        %get3A_792 = arith.constant 112 : index
        %get3A_793 = tpu.vector_load %arg6[%get3A_791, %get3A_792] {strides = array<i32>} : memref<128x128xf32, #tpu.memory_space<vmem>>, vector<16xf32>,
        %add3A_794 = arith.addf %add3A_788, %get3A_793 : vector<16xf32>
        %add3A_795 = arith.constant 3 : i32
        %add3A_796 = arith.addi %mul3A_81, %add3A_795 : i32
        %get3A_797 = arith.index_cast %add3A_796 : i32 to index
        %get3A_798 = arith.constant 112 : index
        %get3A_799 = tpu.vector_load %arg6[%get3A_797, %get3A_798] {strides = array<i32>} : memref<128x128xf32, #tpu.memory_space<vmem>>, vector<16xf32>,
        %add3A_800 = arith.addf %add3A_794, %get3A_799 : vector<16xf32>
        %add3A_801 = arith.constant 4 : i32
        %add3A_802 = arith.addi %mul3A_81, %add3A_801 : i32
        %get3A_803 = arith.index_cast %add3A_802 : i32 to index
        %get3A_804 = arith.constant 112 : index
        %get3A_805 = tpu.vector_load %arg6[%get3A_803, %get3A_804] {strides = array<i32>} : memref<128x128xf32, #tpu.memory_space<vmem>>, vector<16xf32>,
        %add3A_806 = arith.addf %add3A_800, %get3A_805 : vector<16xf32>
        %add3A_807 = arith.constant 5 : i32
        %add3A_808 = arith.addi %mul3A_81, %add3A_807 : i32
        %get3A_809 = arith.index_cast %add3A_808 : i32 to index
        %get3A_810 = arith.constant 112 : index
        %get3A_811 = tpu.vector_load %arg6[%get3A_809, %get3A_810] {strides = array<i32>} : memref<128x128xf32, #tpu.memory_space<vmem>>, vector<16xf32>,
        %add3A_812 = arith.addf %add3A_806, %get3A_811 : vector<16xf32>
        %add3A_813 = arith.constant 6 : i32
        %add3A_814 = arith.addi %mul3A_81, %add3A_813 : i32
        %get3A_815 = arith.index_cast %add3A_814 : i32 to index
        %get3A_816 = arith.constant 112 : index
        %get3A_817 = tpu.vector_load %arg6[%get3A_815, %get3A_816] {strides = array<i32>} : memref<128x128xf32, #tpu.memory_space<vmem>>, vector<16xf32>,
        %add3A_818 = arith.addf %add3A_812, %get3A_817 : vector<16xf32>
        %add3A_819 = arith.constant 7 : i32
        %add3A_820 = arith.addi %mul3A_81, %add3A_819 : i32
        %get3A_821 = arith.index_cast %add3A_820 : i32 to index
        %get3A_822 = arith.constant 112 : index
        %get3A_823 = tpu.vector_load %arg6[%get3A_821, %get3A_822] {strides = array<i32>} : memref<128x128xf32, #tpu.memory_space<vmem>>, vector<16xf32>,
        %add3A_824 = arith.addf %add3A_818, %get3A_823 : vector<16xf32>
        %add3A_825 = arith.constant 8 : i32
        %add3A_826 = arith.addi %mul3A_81, %add3A_825 : i32
        %get3A_827 = arith.index_cast %add3A_826 : i32 to index
        %get3A_828 = arith.constant 112 : index
        %get3A_829 = tpu.vector_load %arg6[%get3A_827, %get3A_828] {strides = array<i32>} : memref<128x128xf32, #tpu.memory_space<vmem>>, vector<16xf32>,
        %add3A_830 = arith.addf %add3A_824, %get3A_829 : vector<16xf32>
        %add3A_831 = arith.constant 9 : i32
        %add3A_832 = arith.addi %mul3A_81, %add3A_831 : i32
        %get3A_833 = arith.index_cast %add3A_832 : i32 to index
        %get3A_834 = arith.constant 112 : index
        %get3A_835 = tpu.vector_load %arg6[%get3A_833, %get3A_834] {strides = array<i32>} : memref<128x128xf32, #tpu.memory_space<vmem>>, vector<16xf32>,
        %add3A_836 = arith.addf %add3A_830, %get3A_835 : vector<16xf32>
        %add3A_837 = arith.constant 10 : i32
        %add3A_838 = arith.addi %mul3A_81, %add3A_837 : i32
        %get3A_839 = arith.index_cast %add3A_838 : i32 to index
        %get3A_840 = arith.constant 112 : index
        %get3A_841 = tpu.vector_load %arg6[%get3A_839, %get3A_840] {strides = array<i32>} : memref<128x128xf32, #tpu.memory_space<vmem>>, vector<16xf32>,
        %add3A_842 = arith.addf %add3A_836, %get3A_841 : vector<16xf32>
        %add3A_843 = arith.constant 11 : i32
        %add3A_844 = arith.addi %mul3A_81, %add3A_843 : i32
        %get3A_845 = arith.index_cast %add3A_844 : i32 to index
        %get3A_846 = arith.constant 112 : index
        %get3A_847 = tpu.vector_load %arg6[%get3A_845, %get3A_846] {strides = array<i32>} : memref<128x128xf32, #tpu.memory_space<vmem>>, vector<16xf32>,
        %add3A_848 = arith.addf %add3A_842, %get3A_847 : vector<16xf32>
        %add3A_849 = arith.constant 12 : i32
        %add3A_850 = arith.addi %mul3A_81, %add3A_849 : i32
        %get3A_851 = arith.index_cast %add3A_850 : i32 to index
        %get3A_852 = arith.constant 112 : index
        %get3A_853 = tpu.vector_load %arg6[%get3A_851, %get3A_852] {strides = array<i32>} : memref<128x128xf32, #tpu.memory_space<vmem>>, vector<16xf32>,
        %add3A_854 = arith.addf %add3A_848, %get3A_853 : vector<16xf32>
        %add3A_855 = arith.constant 13 : i32
        %add3A_856 = arith.addi %mul3A_81, %add3A_855 : i32
        %get3A_857 = arith.index_cast %add3A_856 : i32 to index
        %get3A_858 = arith.constant 112 : index
        %get3A_859 = tpu.vector_load %arg6[%get3A_857, %get3A_858] {strides = array<i32>} : memref<128x128xf32, #tpu.memory_space<vmem>>, vector<16xf32>,
        %add3A_860 = arith.addf %add3A_854, %get3A_859 : vector<16xf32>
        %add3A_861 = arith.constant 14 : i32
        %add3A_862 = arith.addi %mul3A_81, %add3A_861 : i32
        %get3A_863 = arith.index_cast %add3A_862 : i32 to index
        %get3A_864 = arith.constant 112 : index
        %get3A_865 = tpu.vector_load %arg6[%get3A_863, %get3A_864] {strides = array<i32>} : memref<128x128xf32, #tpu.memory_space<vmem>>, vector<16xf32>,
        %add3A_866 = arith.addf %add3A_860, %get3A_865 : vector<16xf32>
        %add3A_867 = arith.constant 15 : i32
        %add3A_868 = arith.addi %mul3A_81, %add3A_867 : i32
        %get3A_869 = arith.index_cast %add3A_868 : i32 to index
        %get3A_870 = arith.constant 112 : index
        %get3A_871 = tpu.vector_load %arg6[%get3A_869, %get3A_870] {strides = array<i32>} : memref<128x128xf32, #tpu.memory_space<vmem>>, vector<16xf32>,
        %add3A_872 = arith.addf %add3A_866, %get3A_871 : vector<16xf32>
        %mul3A_873 = arith.constant 6.250000e-02 : f32
        %mul3A_874 = vector.broadcast %mul3A_873 : f32 to vector<16xf32>
        %mul3A_875 = arith.mulf %add3A_872, %mul3A_874 : vector<16xf32>
        %add3A_876 = arith.addi %mul3A_48, %add3A_79 : i32
        %swap3A_877 = arith.index_cast %add3A_876 : i32 to index
        %swap3A_878 = arith.constant 112 : index
        %swap3A_879 = tpu.vector_load %arg8[%swap3A_877, %swap3A_878] {strides = array<i32>} : memref<640x128xf32, #tpu.memory_space<vmem>>, vector<16xf32>,
        tpu.vector_store %arg8[%swap3A_877, %swap3A_878], %mul3A_875 {strides = array<i32>} : memref<640x128xf32, #tpu.memory_space<vmem>>, vector<16xf32>,
      }
      %scan3A_53 = arith.constant 8 : i32
      %add3A_54 = arith.constant 2 : i32
      %add3A_55 = arith.addi %add3A_32, %add3A_54 : i32
      %lt3A = arith.constant 80 : i32
      %lt3A_56 = arith.cmpi slt, %add3A_55, %lt3A : i32
      %convert_element_type3A = arith.extui %lt3A_56 : i1 to i32
      %cond3A = arith.constant 0 : i32
      %cond3A_57 = arith.cmpi ne, %convert_element_type3A, %cond3A : i32
      scf.if %cond3A_57 {
        %add3A_75 = arith.constant 2 : i32
        %add3A_76 = arith.addi %add3A_32, %add3A_75 : i32
        %dma_start3A_77 = arith.constant 0 : i32
        %dma_start3A_78 = tpu.memref_slice %arg5[%add3A_76, %dma_start3A_77] : memref<80x128xi32, #tpu.memory_space<vmem>> -> memref<1x128xi32, #tpu.memory_space<vmem>>
        %dma_start3A_79 = tpu.memref_squeeze %dma_start3A_78 : memref<1x128xi32, #tpu.memory_space<vmem>> -> memref<128xi32, #tpu.memory_space<vmem>>
        %dma_start3A_80 = arith.constant 0 : i32
        %dma_start3A_81 = arith.constant 0 : i32
        %dma_start3A_82 = tpu.memref_slice %arg2[%dma_start3A_80, %dma_start3A_81] : memref<80000x128xf32, #tpu.memory_space<hbm>> -> memref<80000x128xf32, #tpu.memory_space<hbm>>
        tpu.enqueue_indirect_dma source(%dma_start3A_82 : memref<80000x128xf32, #tpu.memory_space<hbm>>) target(%arg6 : memref<128x128xf32, #tpu.memory_space<vmem>>) offsets(%dma_start3A_79 : memref<128xi32, #tpu.memory_space<vmem>>) semaphore(%arg10 : memref<!tpu.dma_semaphore, #tpu.memory_space<semaphore_mem>>)
      } else {
      }
      %add3A_58 = arith.constant 1 : i32
      %add3A_59 = arith.addi %add3A_32, %add3A_58 : i32
      %dma_wait3A_60 = arith.constant 0 : i32
      %dma_wait3A_61 = tpu.memref_slice %arg5[%add3A_59, %dma_wait3A_60] : memref<80x128xi32, #tpu.memory_space<vmem>> -> memref<1x128xi32, #tpu.memory_space<vmem>>
      %dma_wait3A_62 = tpu.memref_squeeze %dma_wait3A_61 : memref<1x128xi32, #tpu.memory_space<vmem>> -> memref<128xi32, #tpu.memory_space<vmem>>
      %dma_wait3A_63 = arith.constant 0 : i32
      %dma_wait3A_64 = arith.constant 0 : i32
      %dma_wait3A_65 = tpu.memref_slice %arg2[%dma_wait3A_63, %dma_wait3A_64] : memref<80000x128xf32, #tpu.memory_space<hbm>> -> memref<80000x128xf32, #tpu.memory_space<hbm>>
      tpu.wait_indirect_dma semaphore(%arg11 : memref<!tpu.dma_semaphore, #tpu.memory_space<semaphore_mem>>) src(%dma_wait3A_65 : memref<80000x128xf32, #tpu.memory_space<hbm>>) dst(%arg7 : memref<128x128xf32, #tpu.memory_space<vmem>>)
      %add3A_66 = arith.constant 1 : i32
      %add3A_67 = arith.addi %add3A_32, %add3A_66 : i32
      %mul3A_68 = arith.constant 8 : i32
      %mul3A_69 = arith.muli %add3A_67, %mul3A_68 : i32
      %scan3A_70 = arith.constant 0 : i32
      %scan3A_71 = arith.constant 8 : i32
      %scan3A_72 = arith.addi %scan3A_70, %scan3A_71 : i32
      %scan3A_73 = arith.constant 1 : i32
      scf.for %scan3A_75 = %scan3A_70 to %scan3A_72 step %scan3A_73  : i32 {
        %mul3A_76 = arith.constant 1 : i32
        %mul3A_77 = arith.muli %scan3A_75, %mul3A_76 : i32
        %add3A_78 = arith.constant 0 : i32
        %add3A_79 = arith.addi %add3A_78, %mul3A_77 : i32
        %mul3A_80 = arith.constant 16 : i32
        %mul3A_81 = arith.muli %add3A_79, %mul3A_80 : i32
        %get3A = arith.index_cast %mul3A_81 : i32 to index
        %get3A_82 = arith.constant 0 : index
        %get3A_83 = tpu.vector_load %arg7[%get3A, %get3A_82] {strides = array<i32>} : memref<128x128xf32, #tpu.memory_space<vmem>>, vector<16xf32>,
        %add3A_84 = arith.constant 1 : i32
        %add3A_85 = arith.addi %mul3A_81, %add3A_84 : i32
        %get3A_86 = arith.index_cast %add3A_85 : i32 to index
        %get3A_87 = arith.constant 0 : index
        %get3A_88 = tpu.vector_load %arg7[%get3A_86, %get3A_87] {strides = array<i32>} : memref<128x128xf32, #tpu.memory_space<vmem>>, vector<16xf32>,
        %add3A_89 = arith.addf %get3A_83, %get3A_88 : vector<16xf32>
        %add3A_90 = arith.constant 2 : i32
        %add3A_91 = arith.addi %mul3A_81, %add3A_90 : i32
        %get3A_92 = arith.index_cast %add3A_91 : i32 to index
        %get3A_93 = arith.constant 0 : index
        %get3A_94 = tpu.vector_load %arg7[%get3A_92, %get3A_93] {strides = array<i32>} : memref<128x128xf32, #tpu.memory_space<vmem>>, vector<16xf32>,
        %add3A_95 = arith.addf %add3A_89, %get3A_94 : vector<16xf32>
        %add3A_96 = arith.constant 3 : i32
        %add3A_97 = arith.addi %mul3A_81, %add3A_96 : i32
        %get3A_98 = arith.index_cast %add3A_97 : i32 to index
        %get3A_99 = arith.constant 0 : index
        %get3A_100 = tpu.vector_load %arg7[%get3A_98, %get3A_99] {strides = array<i32>} : memref<128x128xf32, #tpu.memory_space<vmem>>, vector<16xf32>,
        %add3A_101 = arith.addf %add3A_95, %get3A_100 : vector<16xf32>
        %add3A_102 = arith.constant 4 : i32
        %add3A_103 = arith.addi %mul3A_81, %add3A_102 : i32
        %get3A_104 = arith.index_cast %add3A_103 : i32 to index
        %get3A_105 = arith.constant 0 : index
        %get3A_106 = tpu.vector_load %arg7[%get3A_104, %get3A_105] {strides = array<i32>} : memref<128x128xf32, #tpu.memory_space<vmem>>, vector<16xf32>,
        %add3A_107 = arith.addf %add3A_101, %get3A_106 : vector<16xf32>
        %add3A_108 = arith.constant 5 : i32
        %add3A_109 = arith.addi %mul3A_81, %add3A_108 : i32
        %get3A_110 = arith.index_cast %add3A_109 : i32 to index
        %get3A_111 = arith.constant 0 : index
        %get3A_112 = tpu.vector_load %arg7[%get3A_110, %get3A_111] {strides = array<i32>} : memref<128x128xf32, #tpu.memory_space<vmem>>, vector<16xf32>,
        %add3A_113 = arith.addf %add3A_107, %get3A_112 : vector<16xf32>
        %add3A_114 = arith.constant 6 : i32
        %add3A_115 = arith.addi %mul3A_81, %add3A_114 : i32
        %get3A_116 = arith.index_cast %add3A_115 : i32 to index
        %get3A_117 = arith.constant 0 : index
        %get3A_118 = tpu.vector_load %arg7[%get3A_116, %get3A_117] {strides = array<i32>} : memref<128x128xf32, #tpu.memory_space<vmem>>, vector<16xf32>,
        %add3A_119 = arith.addf %add3A_113, %get3A_118 : vector<16xf32>
        %add3A_120 = arith.constant 7 : i32
        %add3A_121 = arith.addi %mul3A_81, %add3A_120 : i32
        %get3A_122 = arith.index_cast %add3A_121 : i32 to index
        %get3A_123 = arith.constant 0 : index
        %get3A_124 = tpu.vector_load %arg7[%get3A_122, %get3A_123] {strides = array<i32>} : memref<128x128xf32, #tpu.memory_space<vmem>>, vector<16xf32>,
        %add3A_125 = arith.addf %add3A_119, %get3A_124 : vector<16xf32>
        %add3A_126 = arith.constant 8 : i32
        %add3A_127 = arith.addi %mul3A_81, %add3A_126 : i32
        %get3A_128 = arith.index_cast %add3A_127 : i32 to index
        %get3A_129 = arith.constant 0 : index
        %get3A_130 = tpu.vector_load %arg7[%get3A_128, %get3A_129] {strides = array<i32>} : memref<128x128xf32, #tpu.memory_space<vmem>>, vector<16xf32>,
        %add3A_131 = arith.addf %add3A_125, %get3A_130 : vector<16xf32>
        %add3A_132 = arith.constant 9 : i32
        %add3A_133 = arith.addi %mul3A_81, %add3A_132 : i32
        %get3A_134 = arith.index_cast %add3A_133 : i32 to index
        %get3A_135 = arith.constant 0 : index
        %get3A_136 = tpu.vector_load %arg7[%get3A_134, %get3A_135] {strides = array<i32>} : memref<128x128xf32, #tpu.memory_space<vmem>>, vector<16xf32>,
        %add3A_137 = arith.addf %add3A_131, %get3A_136 : vector<16xf32>
        %add3A_138 = arith.constant 10 : i32
        %add3A_139 = arith.addi %mul3A_81, %add3A_138 : i32
        %get3A_140 = arith.index_cast %add3A_139 : i32 to index
        %get3A_141 = arith.constant 0 : index
        %get3A_142 = tpu.vector_load %arg7[%get3A_140, %get3A_141] {strides = array<i32>} : memref<128x128xf32, #tpu.memory_space<vmem>>, vector<16xf32>,
        %add3A_143 = arith.addf %add3A_137, %get3A_142 : vector<16xf32>
        %add3A_144 = arith.constant 11 : i32
        %add3A_145 = arith.addi %mul3A_81, %add3A_144 : i32
        %get3A_146 = arith.index_cast %add3A_145 : i32 to index
        %get3A_147 = arith.constant 0 : index
        %get3A_148 = tpu.vector_load %arg7[%get3A_146, %get3A_147] {strides = array<i32>} : memref<128x128xf32, #tpu.memory_space<vmem>>, vector<16xf32>,
        %add3A_149 = arith.addf %add3A_143, %get3A_148 : vector<16xf32>
        %add3A_150 = arith.constant 12 : i32
        %add3A_151 = arith.addi %mul3A_81, %add3A_150 : i32
        %get3A_152 = arith.index_cast %add3A_151 : i32 to index
        %get3A_153 = arith.constant 0 : index
        %get3A_154 = tpu.vector_load %arg7[%get3A_152, %get3A_153] {strides = array<i32>} : memref<128x128xf32, #tpu.memory_space<vmem>>, vector<16xf32>,
        %add3A_155 = arith.addf %add3A_149, %get3A_154 : vector<16xf32>
        %add3A_156 = arith.constant 13 : i32
        %add3A_157 = arith.addi %mul3A_81, %add3A_156 : i32
        %get3A_158 = arith.index_cast %add3A_157 : i32 to index
        %get3A_159 = arith.constant 0 : index
        %get3A_160 = tpu.vector_load %arg7[%get3A_158, %get3A_159] {strides = array<i32>} : memref<128x128xf32, #tpu.memory_space<vmem>>, vector<16xf32>,
        %add3A_161 = arith.addf %add3A_155, %get3A_160 : vector<16xf32>
        %add3A_162 = arith.constant 14 : i32
        %add3A_163 = arith.addi %mul3A_81, %add3A_162 : i32
        %get3A_164 = arith.index_cast %add3A_163 : i32 to index
        %get3A_165 = arith.constant 0 : index
        %get3A_166 = tpu.vector_load %arg7[%get3A_164, %get3A_165] {strides = array<i32>} : memref<128x128xf32, #tpu.memory_space<vmem>>, vector<16xf32>,
        %add3A_167 = arith.addf %add3A_161, %get3A_166 : vector<16xf32>
        %add3A_168 = arith.constant 15 : i32
        %add3A_169 = arith.addi %mul3A_81, %add3A_168 : i32
        %get3A_170 = arith.index_cast %add3A_169 : i32 to index
        %get3A_171 = arith.constant 0 : index
        %get3A_172 = tpu.vector_load %arg7[%get3A_170, %get3A_171] {strides = array<i32>} : memref<128x128xf32, #tpu.memory_space<vmem>>, vector<16xf32>,
        %add3A_173 = arith.addf %add3A_167, %get3A_172 : vector<16xf32>
        %mul3A_174 = arith.constant 6.250000e-02 : f32
        %mul3A_175 = vector.broadcast %mul3A_174 : f32 to vector<16xf32>
        %mul3A_176 = arith.mulf %add3A_173, %mul3A_175 : vector<16xf32>
        %add3A_177 = arith.addi %mul3A_69, %add3A_79 : i32
        %swap3A = arith.index_cast %add3A_177 : i32 to index
        %swap3A_178 = arith.constant 0 : index
        %swap3A_179 = tpu.vector_load %arg8[%swap3A, %swap3A_178] {strides = array<i32>} : memref<640x128xf32, #tpu.memory_space<vmem>>, vector<16xf32>,
        tpu.vector_store %arg8[%swap3A, %swap3A_178], %mul3A_176 {strides = array<i32>} : memref<640x128xf32, #tpu.memory_space<vmem>>, vector<16xf32>,
        %get3A_180 = arith.index_cast %mul3A_81 : i32 to index
        %get3A_181 = arith.constant 16 : index
        %get3A_182 = tpu.vector_load %arg7[%get3A_180, %get3A_181] {strides = array<i32>} : memref<128x128xf32, #tpu.memory_space<vmem>>, vector<16xf32>,
        %add3A_183 = arith.constant 1 : i32
        %add3A_184 = arith.addi %mul3A_81, %add3A_183 : i32
        %get3A_185 = arith.index_cast %add3A_184 : i32 to index
        %get3A_186 = arith.constant 16 : index
        %get3A_187 = tpu.vector_load %arg7[%get3A_185, %get3A_186] {strides = array<i32>} : memref<128x128xf32, #tpu.memory_space<vmem>>, vector<16xf32>,
        %add3A_188 = arith.addf %get3A_182, %get3A_187 : vector<16xf32>
        %add3A_189 = arith.constant 2 : i32
        %add3A_190 = arith.addi %mul3A_81, %add3A_189 : i32
        %get3A_191 = arith.index_cast %add3A_190 : i32 to index
        %get3A_192 = arith.constant 16 : index
        %get3A_193 = tpu.vector_load %arg7[%get3A_191, %get3A_192] {strides = array<i32>} : memref<128x128xf32, #tpu.memory_space<vmem>>, vector<16xf32>,
        %add3A_194 = arith.addf %add3A_188, %get3A_193 : vector<16xf32>
        %add3A_195 = arith.constant 3 : i32
        %add3A_196 = arith.addi %mul3A_81, %add3A_195 : i32
        %get3A_197 = arith.index_cast %add3A_196 : i32 to index
        %get3A_198 = arith.constant 16 : index
        %get3A_199 = tpu.vector_load %arg7[%get3A_197, %get3A_198] {strides = array<i32>} : memref<128x128xf32, #tpu.memory_space<vmem>>, vector<16xf32>,
        %add3A_200 = arith.addf %add3A_194, %get3A_199 : vector<16xf32>
        %add3A_201 = arith.constant 4 : i32
        %add3A_202 = arith.addi %mul3A_81, %add3A_201 : i32
        %get3A_203 = arith.index_cast %add3A_202 : i32 to index
        %get3A_204 = arith.constant 16 : index
        %get3A_205 = tpu.vector_load %arg7[%get3A_203, %get3A_204] {strides = array<i32>} : memref<128x128xf32, #tpu.memory_space<vmem>>, vector<16xf32>,
        %add3A_206 = arith.addf %add3A_200, %get3A_205 : vector<16xf32>
        %add3A_207 = arith.constant 5 : i32
        %add3A_208 = arith.addi %mul3A_81, %add3A_207 : i32
        %get3A_209 = arith.index_cast %add3A_208 : i32 to index
        %get3A_210 = arith.constant 16 : index
        %get3A_211 = tpu.vector_load %arg7[%get3A_209, %get3A_210] {strides = array<i32>} : memref<128x128xf32, #tpu.memory_space<vmem>>, vector<16xf32>,
        %add3A_212 = arith.addf %add3A_206, %get3A_211 : vector<16xf32>
        %add3A_213 = arith.constant 6 : i32
        %add3A_214 = arith.addi %mul3A_81, %add3A_213 : i32
        %get3A_215 = arith.index_cast %add3A_214 : i32 to index
        %get3A_216 = arith.constant 16 : index
        %get3A_217 = tpu.vector_load %arg7[%get3A_215, %get3A_216] {strides = array<i32>} : memref<128x128xf32, #tpu.memory_space<vmem>>, vector<16xf32>,
        %add3A_218 = arith.addf %add3A_212, %get3A_217 : vector<16xf32>
        %add3A_219 = arith.constant 7 : i32
        %add3A_220 = arith.addi %mul3A_81, %add3A_219 : i32
        %get3A_221 = arith.index_cast %add3A_220 : i32 to index
        %get3A_222 = arith.constant 16 : index
        %get3A_223 = tpu.vector_load %arg7[%get3A_221, %get3A_222] {strides = array<i32>} : memref<128x128xf32, #tpu.memory_space<vmem>>, vector<16xf32>,
        %add3A_224 = arith.addf %add3A_218, %get3A_223 : vector<16xf32>
        %add3A_225 = arith.constant 8 : i32
        %add3A_226 = arith.addi %mul3A_81, %add3A_225 : i32
        %get3A_227 = arith.index_cast %add3A_226 : i32 to index
        %get3A_228 = arith.constant 16 : index
        %get3A_229 = tpu.vector_load %arg7[%get3A_227, %get3A_228] {strides = array<i32>} : memref<128x128xf32, #tpu.memory_space<vmem>>, vector<16xf32>,
        %add3A_230 = arith.addf %add3A_224, %get3A_229 : vector<16xf32>
        %add3A_231 = arith.constant 9 : i32
        %add3A_232 = arith.addi %mul3A_81, %add3A_231 : i32
        %get3A_233 = arith.index_cast %add3A_232 : i32 to index
        %get3A_234 = arith.constant 16 : index
        %get3A_235 = tpu.vector_load %arg7[%get3A_233, %get3A_234] {strides = array<i32>} : memref<128x128xf32, #tpu.memory_space<vmem>>, vector<16xf32>,
        %add3A_236 = arith.addf %add3A_230, %get3A_235 : vector<16xf32>
        %add3A_237 = arith.constant 10 : i32
        %add3A_238 = arith.addi %mul3A_81, %add3A_237 : i32
        %get3A_239 = arith.index_cast %add3A_238 : i32 to index
        %get3A_240 = arith.constant 16 : index
        %get3A_241 = tpu.vector_load %arg7[%get3A_239, %get3A_240] {strides = array<i32>} : memref<128x128xf32, #tpu.memory_space<vmem>>, vector<16xf32>,
        %add3A_242 = arith.addf %add3A_236, %get3A_241 : vector<16xf32>
        %add3A_243 = arith.constant 11 : i32
        %add3A_244 = arith.addi %mul3A_81, %add3A_243 : i32
        %get3A_245 = arith.index_cast %add3A_244 : i32 to index
        %get3A_246 = arith.constant 16 : index
        %get3A_247 = tpu.vector_load %arg7[%get3A_245, %get3A_246] {strides = array<i32>} : memref<128x128xf32, #tpu.memory_space<vmem>>, vector<16xf32>,
        %add3A_248 = arith.addf %add3A_242, %get3A_247 : vector<16xf32>
        %add3A_249 = arith.constant 12 : i32
        %add3A_250 = arith.addi %mul3A_81, %add3A_249 : i32
        %get3A_251 = arith.index_cast %add3A_250 : i32 to index
        %get3A_252 = arith.constant 16 : index
        %get3A_253 = tpu.vector_load %arg7[%get3A_251, %get3A_252] {strides = array<i32>} : memref<128x128xf32, #tpu.memory_space<vmem>>, vector<16xf32>,
        %add3A_254 = arith.addf %add3A_248, %get3A_253 : vector<16xf32>
        %add3A_255 = arith.constant 13 : i32
        %add3A_256 = arith.addi %mul3A_81, %add3A_255 : i32
        %get3A_257 = arith.index_cast %add3A_256 : i32 to index
        %get3A_258 = arith.constant 16 : index
        %get3A_259 = tpu.vector_load %arg7[%get3A_257, %get3A_258] {strides = array<i32>} : memref<128x128xf32, #tpu.memory_space<vmem>>, vector<16xf32>,
        %add3A_260 = arith.addf %add3A_254, %get3A_259 : vector<16xf32>
        %add3A_261 = arith.constant 14 : i32
        %add3A_262 = arith.addi %mul3A_81, %add3A_261 : i32
        %get3A_263 = arith.index_cast %add3A_262 : i32 to index
        %get3A_264 = arith.constant 16 : index
        %get3A_265 = tpu.vector_load %arg7[%get3A_263, %get3A_264] {strides = array<i32>} : memref<128x128xf32, #tpu.memory_space<vmem>>, vector<16xf32>,
        %add3A_266 = arith.addf %add3A_260, %get3A_265 : vector<16xf32>
        %add3A_267 = arith.constant 15 : i32
        %add3A_268 = arith.addi %mul3A_81, %add3A_267 : i32
        %get3A_269 = arith.index_cast %add3A_268 : i32 to index
        %get3A_270 = arith.constant 16 : index
        %get3A_271 = tpu.vector_load %arg7[%get3A_269, %get3A_270] {strides = array<i32>} : memref<128x128xf32, #tpu.memory_space<vmem>>, vector<16xf32>,
        %add3A_272 = arith.addf %add3A_266, %get3A_271 : vector<16xf32>
        %mul3A_273 = arith.constant 6.250000e-02 : f32
        %mul3A_274 = vector.broadcast %mul3A_273 : f32 to vector<16xf32>
        %mul3A_275 = arith.mulf %add3A_272, %mul3A_274 : vector<16xf32>
        %add3A_276 = arith.addi %mul3A_69, %add3A_79 : i32
        %swap3A_277 = arith.index_cast %add3A_276 : i32 to index
        %swap3A_278 = arith.constant 16 : index
        %swap3A_279 = tpu.vector_load %arg8[%swap3A_277, %swap3A_278] {strides = array<i32>} : memref<640x128xf32, #tpu.memory_space<vmem>>, vector<16xf32>,
        tpu.vector_store %arg8[%swap3A_277, %swap3A_278], %mul3A_275 {strides = array<i32>} : memref<640x128xf32, #tpu.memory_space<vmem>>, vector<16xf32>,
        %get3A_280 = arith.index_cast %mul3A_81 : i32 to index
        %get3A_281 = arith.constant 32 : index
        %get3A_282 = tpu.vector_load %arg7[%get3A_280, %get3A_281] {strides = array<i32>} : memref<128x128xf32, #tpu.memory_space<vmem>>, vector<16xf32>,
        %add3A_283 = arith.constant 1 : i32
        %add3A_284 = arith.addi %mul3A_81, %add3A_283 : i32
        %get3A_285 = arith.index_cast %add3A_284 : i32 to index
        %get3A_286 = arith.constant 32 : index
        %get3A_287 = tpu.vector_load %arg7[%get3A_285, %get3A_286] {strides = array<i32>} : memref<128x128xf32, #tpu.memory_space<vmem>>, vector<16xf32>,
        %add3A_288 = arith.addf %get3A_282, %get3A_287 : vector<16xf32>
        %add3A_289 = arith.constant 2 : i32
        %add3A_290 = arith.addi %mul3A_81, %add3A_289 : i32
        %get3A_291 = arith.index_cast %add3A_290 : i32 to index
        %get3A_292 = arith.constant 32 : index
        %get3A_293 = tpu.vector_load %arg7[%get3A_291, %get3A_292] {strides = array<i32>} : memref<128x128xf32, #tpu.memory_space<vmem>>, vector<16xf32>,
        %add3A_294 = arith.addf %add3A_288, %get3A_293 : vector<16xf32>
        %add3A_295 = arith.constant 3 : i32
        %add3A_296 = arith.addi %mul3A_81, %add3A_295 : i32
        %get3A_297 = arith.index_cast %add3A_296 : i32 to index
        %get3A_298 = arith.constant 32 : index
        %get3A_299 = tpu.vector_load %arg7[%get3A_297, %get3A_298] {strides = array<i32>} : memref<128x128xf32, #tpu.memory_space<vmem>>, vector<16xf32>,
        %add3A_300 = arith.addf %add3A_294, %get3A_299 : vector<16xf32>
        %add3A_301 = arith.constant 4 : i32
        %add3A_302 = arith.addi %mul3A_81, %add3A_301 : i32
        %get3A_303 = arith.index_cast %add3A_302 : i32 to index
        %get3A_304 = arith.constant 32 : index
        %get3A_305 = tpu.vector_load %arg7[%get3A_303, %get3A_304] {strides = array<i32>} : memref<128x128xf32, #tpu.memory_space<vmem>>, vector<16xf32>,
        %add3A_306 = arith.addf %add3A_300, %get3A_305 : vector<16xf32>
        %add3A_307 = arith.constant 5 : i32
        %add3A_308 = arith.addi %mul3A_81, %add3A_307 : i32
        %get3A_309 = arith.index_cast %add3A_308 : i32 to index
        %get3A_310 = arith.constant 32 : index
        %get3A_311 = tpu.vector_load %arg7[%get3A_309, %get3A_310] {strides = array<i32>} : memref<128x128xf32, #tpu.memory_space<vmem>>, vector<16xf32>,
        %add3A_312 = arith.addf %add3A_306, %get3A_311 : vector<16xf32>
        %add3A_313 = arith.constant 6 : i32
        %add3A_314 = arith.addi %mul3A_81, %add3A_313 : i32
        %get3A_315 = arith.index_cast %add3A_314 : i32 to index
        %get3A_316 = arith.constant 32 : index
        %get3A_317 = tpu.vector_load %arg7[%get3A_315, %get3A_316] {strides = array<i32>} : memref<128x128xf32, #tpu.memory_space<vmem>>, vector<16xf32>,
        %add3A_318 = arith.addf %add3A_312, %get3A_317 : vector<16xf32>
        %add3A_319 = arith.constant 7 : i32
        %add3A_320 = arith.addi %mul3A_81, %add3A_319 : i32
        %get3A_321 = arith.index_cast %add3A_320 : i32 to index
        %get3A_322 = arith.constant 32 : index
        %get3A_323 = tpu.vector_load %arg7[%get3A_321, %get3A_322] {strides = array<i32>} : memref<128x128xf32, #tpu.memory_space<vmem>>, vector<16xf32>,
        %add3A_324 = arith.addf %add3A_318, %get3A_323 : vector<16xf32>
        %add3A_325 = arith.constant 8 : i32
        %add3A_326 = arith.addi %mul3A_81, %add3A_325 : i32
        %get3A_327 = arith.index_cast %add3A_326 : i32 to index
        %get3A_328 = arith.constant 32 : index
        %get3A_329 = tpu.vector_load %arg7[%get3A_327, %get3A_328] {strides = array<i32>} : memref<128x128xf32, #tpu.memory_space<vmem>>, vector<16xf32>,
        %add3A_330 = arith.addf %add3A_324, %get3A_329 : vector<16xf32>
        %add3A_331 = arith.constant 9 : i32
        %add3A_332 = arith.addi %mul3A_81, %add3A_331 : i32
        %get3A_333 = arith.index_cast %add3A_332 : i32 to index
        %get3A_334 = arith.constant 32 : index
        %get3A_335 = tpu.vector_load %arg7[%get3A_333, %get3A_334] {strides = array<i32>} : memref<128x128xf32, #tpu.memory_space<vmem>>, vector<16xf32>,
        %add3A_336 = arith.addf %add3A_330, %get3A_335 : vector<16xf32>
        %add3A_337 = arith.constant 10 : i32
        %add3A_338 = arith.addi %mul3A_81, %add3A_337 : i32
        %get3A_339 = arith.index_cast %add3A_338 : i32 to index
        %get3A_340 = arith.constant 32 : index
        %get3A_341 = tpu.vector_load %arg7[%get3A_339, %get3A_340] {strides = array<i32>} : memref<128x128xf32, #tpu.memory_space<vmem>>, vector<16xf32>,
        %add3A_342 = arith.addf %add3A_336, %get3A_341 : vector<16xf32>
        %add3A_343 = arith.constant 11 : i32
        %add3A_344 = arith.addi %mul3A_81, %add3A_343 : i32
        %get3A_345 = arith.index_cast %add3A_344 : i32 to index
        %get3A_346 = arith.constant 32 : index
        %get3A_347 = tpu.vector_load %arg7[%get3A_345, %get3A_346] {strides = array<i32>} : memref<128x128xf32, #tpu.memory_space<vmem>>, vector<16xf32>,
        %add3A_348 = arith.addf %add3A_342, %get3A_347 : vector<16xf32>
        %add3A_349 = arith.constant 12 : i32
        %add3A_350 = arith.addi %mul3A_81, %add3A_349 : i32
        %get3A_351 = arith.index_cast %add3A_350 : i32 to index
        %get3A_352 = arith.constant 32 : index
        %get3A_353 = tpu.vector_load %arg7[%get3A_351, %get3A_352] {strides = array<i32>} : memref<128x128xf32, #tpu.memory_space<vmem>>, vector<16xf32>,
        %add3A_354 = arith.addf %add3A_348, %get3A_353 : vector<16xf32>
        %add3A_355 = arith.constant 13 : i32
        %add3A_356 = arith.addi %mul3A_81, %add3A_355 : i32
        %get3A_357 = arith.index_cast %add3A_356 : i32 to index
        %get3A_358 = arith.constant 32 : index
        %get3A_359 = tpu.vector_load %arg7[%get3A_357, %get3A_358] {strides = array<i32>} : memref<128x128xf32, #tpu.memory_space<vmem>>, vector<16xf32>,
        %add3A_360 = arith.addf %add3A_354, %get3A_359 : vector<16xf32>
        %add3A_361 = arith.constant 14 : i32
        %add3A_362 = arith.addi %mul3A_81, %add3A_361 : i32
        %get3A_363 = arith.index_cast %add3A_362 : i32 to index
        %get3A_364 = arith.constant 32 : index
        %get3A_365 = tpu.vector_load %arg7[%get3A_363, %get3A_364] {strides = array<i32>} : memref<128x128xf32, #tpu.memory_space<vmem>>, vector<16xf32>,
        %add3A_366 = arith.addf %add3A_360, %get3A_365 : vector<16xf32>
        %add3A_367 = arith.constant 15 : i32
        %add3A_368 = arith.addi %mul3A_81, %add3A_367 : i32
        %get3A_369 = arith.index_cast %add3A_368 : i32 to index
        %get3A_370 = arith.constant 32 : index
        %get3A_371 = tpu.vector_load %arg7[%get3A_369, %get3A_370] {strides = array<i32>} : memref<128x128xf32, #tpu.memory_space<vmem>>, vector<16xf32>,
        %add3A_372 = arith.addf %add3A_366, %get3A_371 : vector<16xf32>
        %mul3A_373 = arith.constant 6.250000e-02 : f32
        %mul3A_374 = vector.broadcast %mul3A_373 : f32 to vector<16xf32>
        %mul3A_375 = arith.mulf %add3A_372, %mul3A_374 : vector<16xf32>
        %add3A_376 = arith.addi %mul3A_69, %add3A_79 : i32
        %swap3A_377 = arith.index_cast %add3A_376 : i32 to index
        %swap3A_378 = arith.constant 32 : index
        %swap3A_379 = tpu.vector_load %arg8[%swap3A_377, %swap3A_378] {strides = array<i32>} : memref<640x128xf32, #tpu.memory_space<vmem>>, vector<16xf32>,
        tpu.vector_store %arg8[%swap3A_377, %swap3A_378], %mul3A_375 {strides = array<i32>} : memref<640x128xf32, #tpu.memory_space<vmem>>, vector<16xf32>,
        %get3A_380 = arith.index_cast %mul3A_81 : i32 to index
        %get3A_381 = arith.constant 48 : index
        %get3A_382 = tpu.vector_load %arg7[%get3A_380, %get3A_381] {strides = array<i32>} : memref<128x128xf32, #tpu.memory_space<vmem>>, vector<16xf32>,
        %add3A_383 = arith.constant 1 : i32
        %add3A_384 = arith.addi %mul3A_81, %add3A_383 : i32
        %get3A_385 = arith.index_cast %add3A_384 : i32 to index
        %get3A_386 = arith.constant 48 : index
        %get3A_387 = tpu.vector_load %arg7[%get3A_385, %get3A_386] {strides = array<i32>} : memref<128x128xf32, #tpu.memory_space<vmem>>, vector<16xf32>,
        %add3A_388 = arith.addf %get3A_382, %get3A_387 : vector<16xf32>
        %add3A_389 = arith.constant 2 : i32
        %add3A_390 = arith.addi %mul3A_81, %add3A_389 : i32
        %get3A_391 = arith.index_cast %add3A_390 : i32 to index
        %get3A_392 = arith.constant 48 : index
        %get3A_393 = tpu.vector_load %arg7[%get3A_391, %get3A_392] {strides = array<i32>} : memref<128x128xf32, #tpu.memory_space<vmem>>, vector<16xf32>,
        %add3A_394 = arith.addf %add3A_388, %get3A_393 : vector<16xf32>
        %add3A_395 = arith.constant 3 : i32
        %add3A_396 = arith.addi %mul3A_81, %add3A_395 : i32
        %get3A_397 = arith.index_cast %add3A_396 : i32 to index
        %get3A_398 = arith.constant 48 : index
        %get3A_399 = tpu.vector_load %arg7[%get3A_397, %get3A_398] {strides = array<i32>} : memref<128x128xf32, #tpu.memory_space<vmem>>, vector<16xf32>,
        %add3A_400 = arith.addf %add3A_394, %get3A_399 : vector<16xf32>
        %add3A_401 = arith.constant 4 : i32
        %add3A_402 = arith.addi %mul3A_81, %add3A_401 : i32
        %get3A_403 = arith.index_cast %add3A_402 : i32 to index
        %get3A_404 = arith.constant 48 : index
        %get3A_405 = tpu.vector_load %arg7[%get3A_403, %get3A_404] {strides = array<i32>} : memref<128x128xf32, #tpu.memory_space<vmem>>, vector<16xf32>,
        %add3A_406 = arith.addf %add3A_400, %get3A_405 : vector<16xf32>
        %add3A_407 = arith.constant 5 : i32
        %add3A_408 = arith.addi %mul3A_81, %add3A_407 : i32
        %get3A_409 = arith.index_cast %add3A_408 : i32 to index
        %get3A_410 = arith.constant 48 : index
        %get3A_411 = tpu.vector_load %arg7[%get3A_409, %get3A_410] {strides = array<i32>} : memref<128x128xf32, #tpu.memory_space<vmem>>, vector<16xf32>,
        %add3A_412 = arith.addf %add3A_406, %get3A_411 : vector<16xf32>
        %add3A_413 = arith.constant 6 : i32
        %add3A_414 = arith.addi %mul3A_81, %add3A_413 : i32
        %get3A_415 = arith.index_cast %add3A_414 : i32 to index
        %get3A_416 = arith.constant 48 : index
        %get3A_417 = tpu.vector_load %arg7[%get3A_415, %get3A_416] {strides = array<i32>} : memref<128x128xf32, #tpu.memory_space<vmem>>, vector<16xf32>,
        %add3A_418 = arith.addf %add3A_412, %get3A_417 : vector<16xf32>
        %add3A_419 = arith.constant 7 : i32
        %add3A_420 = arith.addi %mul3A_81, %add3A_419 : i32
        %get3A_421 = arith.index_cast %add3A_420 : i32 to index
        %get3A_422 = arith.constant 48 : index
        %get3A_423 = tpu.vector_load %arg7[%get3A_421, %get3A_422] {strides = array<i32>} : memref<128x128xf32, #tpu.memory_space<vmem>>, vector<16xf32>,
        %add3A_424 = arith.addf %add3A_418, %get3A_423 : vector<16xf32>
        %add3A_425 = arith.constant 8 : i32
        %add3A_426 = arith.addi %mul3A_81, %add3A_425 : i32
        %get3A_427 = arith.index_cast %add3A_426 : i32 to index
        %get3A_428 = arith.constant 48 : index
        %get3A_429 = tpu.vector_load %arg7[%get3A_427, %get3A_428] {strides = array<i32>} : memref<128x128xf32, #tpu.memory_space<vmem>>, vector<16xf32>,
        %add3A_430 = arith.addf %add3A_424, %get3A_429 : vector<16xf32>
        %add3A_431 = arith.constant 9 : i32
        %add3A_432 = arith.addi %mul3A_81, %add3A_431 : i32
        %get3A_433 = arith.index_cast %add3A_432 : i32 to index
        %get3A_434 = arith.constant 48 : index
        %get3A_435 = tpu.vector_load %arg7[%get3A_433, %get3A_434] {strides = array<i32>} : memref<128x128xf32, #tpu.memory_space<vmem>>, vector<16xf32>,
        %add3A_436 = arith.addf %add3A_430, %get3A_435 : vector<16xf32>
        %add3A_437 = arith.constant 10 : i32
        %add3A_438 = arith.addi %mul3A_81, %add3A_437 : i32
        %get3A_439 = arith.index_cast %add3A_438 : i32 to index
        %get3A_440 = arith.constant 48 : index
        %get3A_441 = tpu.vector_load %arg7[%get3A_439, %get3A_440] {strides = array<i32>} : memref<128x128xf32, #tpu.memory_space<vmem>>, vector<16xf32>,
        %add3A_442 = arith.addf %add3A_436, %get3A_441 : vector<16xf32>
        %add3A_443 = arith.constant 11 : i32
        %add3A_444 = arith.addi %mul3A_81, %add3A_443 : i32
        %get3A_445 = arith.index_cast %add3A_444 : i32 to index
        %get3A_446 = arith.constant 48 : index
        %get3A_447 = tpu.vector_load %arg7[%get3A_445, %get3A_446] {strides = array<i32>} : memref<128x128xf32, #tpu.memory_space<vmem>>, vector<16xf32>,
        %add3A_448 = arith.addf %add3A_442, %get3A_447 : vector<16xf32>
        %add3A_449 = arith.constant 12 : i32
        %add3A_450 = arith.addi %mul3A_81, %add3A_449 : i32
        %get3A_451 = arith.index_cast %add3A_450 : i32 to index
        %get3A_452 = arith.constant 48 : index
        %get3A_453 = tpu.vector_load %arg7[%get3A_451, %get3A_452] {strides = array<i32>} : memref<128x128xf32, #tpu.memory_space<vmem>>, vector<16xf32>,
        %add3A_454 = arith.addf %add3A_448, %get3A_453 : vector<16xf32>
        %add3A_455 = arith.constant 13 : i32
        %add3A_456 = arith.addi %mul3A_81, %add3A_455 : i32
        %get3A_457 = arith.index_cast %add3A_456 : i32 to index
        %get3A_458 = arith.constant 48 : index
        %get3A_459 = tpu.vector_load %arg7[%get3A_457, %get3A_458] {strides = array<i32>} : memref<128x128xf32, #tpu.memory_space<vmem>>, vector<16xf32>,
        %add3A_460 = arith.addf %add3A_454, %get3A_459 : vector<16xf32>
        %add3A_461 = arith.constant 14 : i32
        %add3A_462 = arith.addi %mul3A_81, %add3A_461 : i32
        %get3A_463 = arith.index_cast %add3A_462 : i32 to index
        %get3A_464 = arith.constant 48 : index
        %get3A_465 = tpu.vector_load %arg7[%get3A_463, %get3A_464] {strides = array<i32>} : memref<128x128xf32, #tpu.memory_space<vmem>>, vector<16xf32>,
        %add3A_466 = arith.addf %add3A_460, %get3A_465 : vector<16xf32>
        %add3A_467 = arith.constant 15 : i32
        %add3A_468 = arith.addi %mul3A_81, %add3A_467 : i32
        %get3A_469 = arith.index_cast %add3A_468 : i32 to index
        %get3A_470 = arith.constant 48 : index
        %get3A_471 = tpu.vector_load %arg7[%get3A_469, %get3A_470] {strides = array<i32>} : memref<128x128xf32, #tpu.memory_space<vmem>>, vector<16xf32>,
        %add3A_472 = arith.addf %add3A_466, %get3A_471 : vector<16xf32>
        %mul3A_473 = arith.constant 6.250000e-02 : f32
        %mul3A_474 = vector.broadcast %mul3A_473 : f32 to vector<16xf32>
        %mul3A_475 = arith.mulf %add3A_472, %mul3A_474 : vector<16xf32>
        %add3A_476 = arith.addi %mul3A_69, %add3A_79 : i32
        %swap3A_477 = arith.index_cast %add3A_476 : i32 to index
        %swap3A_478 = arith.constant 48 : index
        %swap3A_479 = tpu.vector_load %arg8[%swap3A_477, %swap3A_478] {strides = array<i32>} : memref<640x128xf32, #tpu.memory_space<vmem>>, vector<16xf32>,
        tpu.vector_store %arg8[%swap3A_477, %swap3A_478], %mul3A_475 {strides = array<i32>} : memref<640x128xf32, #tpu.memory_space<vmem>>, vector<16xf32>,
        %get3A_480 = arith.index_cast %mul3A_81 : i32 to index
        %get3A_481 = arith.constant 64 : index
        %get3A_482 = tpu.vector_load %arg7[%get3A_480, %get3A_481] {strides = array<i32>} : memref<128x128xf32, #tpu.memory_space<vmem>>, vector<16xf32>,
        %add3A_483 = arith.constant 1 : i32
        %add3A_484 = arith.addi %mul3A_81, %add3A_483 : i32
        %get3A_485 = arith.index_cast %add3A_484 : i32 to index
        %get3A_486 = arith.constant 64 : index
        %get3A_487 = tpu.vector_load %arg7[%get3A_485, %get3A_486] {strides = array<i32>} : memref<128x128xf32, #tpu.memory_space<vmem>>, vector<16xf32>,
        %add3A_488 = arith.addf %get3A_482, %get3A_487 : vector<16xf32>
        %add3A_489 = arith.constant 2 : i32
        %add3A_490 = arith.addi %mul3A_81, %add3A_489 : i32
        %get3A_491 = arith.index_cast %add3A_490 : i32 to index
        %get3A_492 = arith.constant 64 : index
        %get3A_493 = tpu.vector_load %arg7[%get3A_491, %get3A_492] {strides = array<i32>} : memref<128x128xf32, #tpu.memory_space<vmem>>, vector<16xf32>,
        %add3A_494 = arith.addf %add3A_488, %get3A_493 : vector<16xf32>
        %add3A_495 = arith.constant 3 : i32
        %add3A_496 = arith.addi %mul3A_81, %add3A_495 : i32
        %get3A_497 = arith.index_cast %add3A_496 : i32 to index
        %get3A_498 = arith.constant 64 : index
        %get3A_499 = tpu.vector_load %arg7[%get3A_497, %get3A_498] {strides = array<i32>} : memref<128x128xf32, #tpu.memory_space<vmem>>, vector<16xf32>,
        %add3A_500 = arith.addf %add3A_494, %get3A_499 : vector<16xf32>
        %add3A_501 = arith.constant 4 : i32
        %add3A_502 = arith.addi %mul3A_81, %add3A_501 : i32
        %get3A_503 = arith.index_cast %add3A_502 : i32 to index
        %get3A_504 = arith.constant 64 : index
        %get3A_505 = tpu.vector_load %arg7[%get3A_503, %get3A_504] {strides = array<i32>} : memref<128x128xf32, #tpu.memory_space<vmem>>, vector<16xf32>,
        %add3A_506 = arith.addf %add3A_500, %get3A_505 : vector<16xf32>
        %add3A_507 = arith.constant 5 : i32
        %add3A_508 = arith.addi %mul3A_81, %add3A_507 : i32
        %get3A_509 = arith.index_cast %add3A_508 : i32 to index
        %get3A_510 = arith.constant 64 : index
        %get3A_511 = tpu.vector_load %arg7[%get3A_509, %get3A_510] {strides = array<i32>} : memref<128x128xf32, #tpu.memory_space<vmem>>, vector<16xf32>,
        %add3A_512 = arith.addf %add3A_506, %get3A_511 : vector<16xf32>
        %add3A_513 = arith.constant 6 : i32
        %add3A_514 = arith.addi %mul3A_81, %add3A_513 : i32
        %get3A_515 = arith.index_cast %add3A_514 : i32 to index
        %get3A_516 = arith.constant 64 : index
        %get3A_517 = tpu.vector_load %arg7[%get3A_515, %get3A_516] {strides = array<i32>} : memref<128x128xf32, #tpu.memory_space<vmem>>, vector<16xf32>,
        %add3A_518 = arith.addf %add3A_512, %get3A_517 : vector<16xf32>
        %add3A_519 = arith.constant 7 : i32
        %add3A_520 = arith.addi %mul3A_81, %add3A_519 : i32
        %get3A_521 = arith.index_cast %add3A_520 : i32 to index
        %get3A_522 = arith.constant 64 : index
        %get3A_523 = tpu.vector_load %arg7[%get3A_521, %get3A_522] {strides = array<i32>} : memref<128x128xf32, #tpu.memory_space<vmem>>, vector<16xf32>,
        %add3A_524 = arith.addf %add3A_518, %get3A_523 : vector<16xf32>
        %add3A_525 = arith.constant 8 : i32
        %add3A_526 = arith.addi %mul3A_81, %add3A_525 : i32
        %get3A_527 = arith.index_cast %add3A_526 : i32 to index
        %get3A_528 = arith.constant 64 : index
        %get3A_529 = tpu.vector_load %arg7[%get3A_527, %get3A_528] {strides = array<i32>} : memref<128x128xf32, #tpu.memory_space<vmem>>, vector<16xf32>,
        %add3A_530 = arith.addf %add3A_524, %get3A_529 : vector<16xf32>
        %add3A_531 = arith.constant 9 : i32
        %add3A_532 = arith.addi %mul3A_81, %add3A_531 : i32
        %get3A_533 = arith.index_cast %add3A_532 : i32 to index
        %get3A_534 = arith.constant 64 : index
        %get3A_535 = tpu.vector_load %arg7[%get3A_533, %get3A_534] {strides = array<i32>} : memref<128x128xf32, #tpu.memory_space<vmem>>, vector<16xf32>,
        %add3A_536 = arith.addf %add3A_530, %get3A_535 : vector<16xf32>
        %add3A_537 = arith.constant 10 : i32
        %add3A_538 = arith.addi %mul3A_81, %add3A_537 : i32
        %get3A_539 = arith.index_cast %add3A_538 : i32 to index
        %get3A_540 = arith.constant 64 : index
        %get3A_541 = tpu.vector_load %arg7[%get3A_539, %get3A_540] {strides = array<i32>} : memref<128x128xf32, #tpu.memory_space<vmem>>, vector<16xf32>,
        %add3A_542 = arith.addf %add3A_536, %get3A_541 : vector<16xf32>
        %add3A_543 = arith.constant 11 : i32
        %add3A_544 = arith.addi %mul3A_81, %add3A_543 : i32
        %get3A_545 = arith.index_cast %add3A_544 : i32 to index
        %get3A_546 = arith.constant 64 : index
        %get3A_547 = tpu.vector_load %arg7[%get3A_545, %get3A_546] {strides = array<i32>} : memref<128x128xf32, #tpu.memory_space<vmem>>, vector<16xf32>,
        %add3A_548 = arith.addf %add3A_542, %get3A_547 : vector<16xf32>
        %add3A_549 = arith.constant 12 : i32
        %add3A_550 = arith.addi %mul3A_81, %add3A_549 : i32
        %get3A_551 = arith.index_cast %add3A_550 : i32 to index
        %get3A_552 = arith.constant 64 : index
        %get3A_553 = tpu.vector_load %arg7[%get3A_551, %get3A_552] {strides = array<i32>} : memref<128x128xf32, #tpu.memory_space<vmem>>, vector<16xf32>,
        %add3A_554 = arith.addf %add3A_548, %get3A_553 : vector<16xf32>
        %add3A_555 = arith.constant 13 : i32
        %add3A_556 = arith.addi %mul3A_81, %add3A_555 : i32
        %get3A_557 = arith.index_cast %add3A_556 : i32 to index
        %get3A_558 = arith.constant 64 : index
        %get3A_559 = tpu.vector_load %arg7[%get3A_557, %get3A_558] {strides = array<i32>} : memref<128x128xf32, #tpu.memory_space<vmem>>, vector<16xf32>,
        %add3A_560 = arith.addf %add3A_554, %get3A_559 : vector<16xf32>
        %add3A_561 = arith.constant 14 : i32
        %add3A_562 = arith.addi %mul3A_81, %add3A_561 : i32
        %get3A_563 = arith.index_cast %add3A_562 : i32 to index
        %get3A_564 = arith.constant 64 : index
        %get3A_565 = tpu.vector_load %arg7[%get3A_563, %get3A_564] {strides = array<i32>} : memref<128x128xf32, #tpu.memory_space<vmem>>, vector<16xf32>,
        %add3A_566 = arith.addf %add3A_560, %get3A_565 : vector<16xf32>
        %add3A_567 = arith.constant 15 : i32
        %add3A_568 = arith.addi %mul3A_81, %add3A_567 : i32
        %get3A_569 = arith.index_cast %add3A_568 : i32 to index
        %get3A_570 = arith.constant 64 : index
        %get3A_571 = tpu.vector_load %arg7[%get3A_569, %get3A_570] {strides = array<i32>} : memref<128x128xf32, #tpu.memory_space<vmem>>, vector<16xf32>,
        %add3A_572 = arith.addf %add3A_566, %get3A_571 : vector<16xf32>
        %mul3A_573 = arith.constant 6.250000e-02 : f32
        %mul3A_574 = vector.broadcast %mul3A_573 : f32 to vector<16xf32>
        %mul3A_575 = arith.mulf %add3A_572, %mul3A_574 : vector<16xf32>
        %add3A_576 = arith.addi %mul3A_69, %add3A_79 : i32
        %swap3A_577 = arith.index_cast %add3A_576 : i32 to index
        %swap3A_578 = arith.constant 64 : index
        %swap3A_579 = tpu.vector_load %arg8[%swap3A_577, %swap3A_578] {strides = array<i32>} : memref<640x128xf32, #tpu.memory_space<vmem>>, vector<16xf32>,
        tpu.vector_store %arg8[%swap3A_577, %swap3A_578], %mul3A_575 {strides = array<i32>} : memref<640x128xf32, #tpu.memory_space<vmem>>, vector<16xf32>,
        %get3A_580 = arith.index_cast %mul3A_81 : i32 to index
        %get3A_581 = arith.constant 80 : index
        %get3A_582 = tpu.vector_load %arg7[%get3A_580, %get3A_581] {strides = array<i32>} : memref<128x128xf32, #tpu.memory_space<vmem>>, vector<16xf32>,
        %add3A_583 = arith.constant 1 : i32
        %add3A_584 = arith.addi %mul3A_81, %add3A_583 : i32
        %get3A_585 = arith.index_cast %add3A_584 : i32 to index
        %get3A_586 = arith.constant 80 : index
        %get3A_587 = tpu.vector_load %arg7[%get3A_585, %get3A_586] {strides = array<i32>} : memref<128x128xf32, #tpu.memory_space<vmem>>, vector<16xf32>,
        %add3A_588 = arith.addf %get3A_582, %get3A_587 : vector<16xf32>
        %add3A_589 = arith.constant 2 : i32
        %add3A_590 = arith.addi %mul3A_81, %add3A_589 : i32
        %get3A_591 = arith.index_cast %add3A_590 : i32 to index
        %get3A_592 = arith.constant 80 : index
        %get3A_593 = tpu.vector_load %arg7[%get3A_591, %get3A_592] {strides = array<i32>} : memref<128x128xf32, #tpu.memory_space<vmem>>, vector<16xf32>,
        %add3A_594 = arith.addf %add3A_588, %get3A_593 : vector<16xf32>
        %add3A_595 = arith.constant 3 : i32
        %add3A_596 = arith.addi %mul3A_81, %add3A_595 : i32
        %get3A_597 = arith.index_cast %add3A_596 : i32 to index
        %get3A_598 = arith.constant 80 : index
        %get3A_599 = tpu.vector_load %arg7[%get3A_597, %get3A_598] {strides = array<i32>} : memref<128x128xf32, #tpu.memory_space<vmem>>, vector<16xf32>,
        %add3A_600 = arith.addf %add3A_594, %get3A_599 : vector<16xf32>
        %add3A_601 = arith.constant 4 : i32
        %add3A_602 = arith.addi %mul3A_81, %add3A_601 : i32
        %get3A_603 = arith.index_cast %add3A_602 : i32 to index
        %get3A_604 = arith.constant 80 : index
        %get3A_605 = tpu.vector_load %arg7[%get3A_603, %get3A_604] {strides = array<i32>} : memref<128x128xf32, #tpu.memory_space<vmem>>, vector<16xf32>,
        %add3A_606 = arith.addf %add3A_600, %get3A_605 : vector<16xf32>
        %add3A_607 = arith.constant 5 : i32
        %add3A_608 = arith.addi %mul3A_81, %add3A_607 : i32
        %get3A_609 = arith.index_cast %add3A_608 : i32 to index
        %get3A_610 = arith.constant 80 : index
        %get3A_611 = tpu.vector_load %arg7[%get3A_609, %get3A_610] {strides = array<i32>} : memref<128x128xf32, #tpu.memory_space<vmem>>, vector<16xf32>,
        %add3A_612 = arith.addf %add3A_606, %get3A_611 : vector<16xf32>
        %add3A_613 = arith.constant 6 : i32
        %add3A_614 = arith.addi %mul3A_81, %add3A_613 : i32
        %get3A_615 = arith.index_cast %add3A_614 : i32 to index
        %get3A_616 = arith.constant 80 : index
        %get3A_617 = tpu.vector_load %arg7[%get3A_615, %get3A_616] {strides = array<i32>} : memref<128x128xf32, #tpu.memory_space<vmem>>, vector<16xf32>,
        %add3A_618 = arith.addf %add3A_612, %get3A_617 : vector<16xf32>
        %add3A_619 = arith.constant 7 : i32
        %add3A_620 = arith.addi %mul3A_81, %add3A_619 : i32
        %get3A_621 = arith.index_cast %add3A_620 : i32 to index
        %get3A_622 = arith.constant 80 : index
        %get3A_623 = tpu.vector_load %arg7[%get3A_621, %get3A_622] {strides = array<i32>} : memref<128x128xf32, #tpu.memory_space<vmem>>, vector<16xf32>,
        %add3A_624 = arith.addf %add3A_618, %get3A_623 : vector<16xf32>
        %add3A_625 = arith.constant 8 : i32
        %add3A_626 = arith.addi %mul3A_81, %add3A_625 : i32
        %get3A_627 = arith.index_cast %add3A_626 : i32 to index
        %get3A_628 = arith.constant 80 : index
        %get3A_629 = tpu.vector_load %arg7[%get3A_627, %get3A_628] {strides = array<i32>} : memref<128x128xf32, #tpu.memory_space<vmem>>, vector<16xf32>,
        %add3A_630 = arith.addf %add3A_624, %get3A_629 : vector<16xf32>
        %add3A_631 = arith.constant 9 : i32
        %add3A_632 = arith.addi %mul3A_81, %add3A_631 : i32
        %get3A_633 = arith.index_cast %add3A_632 : i32 to index
        %get3A_634 = arith.constant 80 : index
        %get3A_635 = tpu.vector_load %arg7[%get3A_633, %get3A_634] {strides = array<i32>} : memref<128x128xf32, #tpu.memory_space<vmem>>, vector<16xf32>,
        %add3A_636 = arith.addf %add3A_630, %get3A_635 : vector<16xf32>
        %add3A_637 = arith.constant 10 : i32
        %add3A_638 = arith.addi %mul3A_81, %add3A_637 : i32
        %get3A_639 = arith.index_cast %add3A_638 : i32 to index
        %get3A_640 = arith.constant 80 : index
        %get3A_641 = tpu.vector_load %arg7[%get3A_639, %get3A_640] {strides = array<i32>} : memref<128x128xf32, #tpu.memory_space<vmem>>, vector<16xf32>,
        %add3A_642 = arith.addf %add3A_636, %get3A_641 : vector<16xf32>
        %add3A_643 = arith.constant 11 : i32
        %add3A_644 = arith.addi %mul3A_81, %add3A_643 : i32
        %get3A_645 = arith.index_cast %add3A_644 : i32 to index
        %get3A_646 = arith.constant 80 : index
        %get3A_647 = tpu.vector_load %arg7[%get3A_645, %get3A_646] {strides = array<i32>} : memref<128x128xf32, #tpu.memory_space<vmem>>, vector<16xf32>,
        %add3A_648 = arith.addf %add3A_642, %get3A_647 : vector<16xf32>
        %add3A_649 = arith.constant 12 : i32
        %add3A_650 = arith.addi %mul3A_81, %add3A_649 : i32
        %get3A_651 = arith.index_cast %add3A_650 : i32 to index
        %get3A_652 = arith.constant 80 : index
        %get3A_653 = tpu.vector_load %arg7[%get3A_651, %get3A_652] {strides = array<i32>} : memref<128x128xf32, #tpu.memory_space<vmem>>, vector<16xf32>,
        %add3A_654 = arith.addf %add3A_648, %get3A_653 : vector<16xf32>
        %add3A_655 = arith.constant 13 : i32
        %add3A_656 = arith.addi %mul3A_81, %add3A_655 : i32
        %get3A_657 = arith.index_cast %add3A_656 : i32 to index
        %get3A_658 = arith.constant 80 : index
        %get3A_659 = tpu.vector_load %arg7[%get3A_657, %get3A_658] {strides = array<i32>} : memref<128x128xf32, #tpu.memory_space<vmem>>, vector<16xf32>,
        %add3A_660 = arith.addf %add3A_654, %get3A_659 : vector<16xf32>
        %add3A_661 = arith.constant 14 : i32
        %add3A_662 = arith.addi %mul3A_81, %add3A_661 : i32
        %get3A_663 = arith.index_cast %add3A_662 : i32 to index
        %get3A_664 = arith.constant 80 : index
        %get3A_665 = tpu.vector_load %arg7[%get3A_663, %get3A_664] {strides = array<i32>} : memref<128x128xf32, #tpu.memory_space<vmem>>, vector<16xf32>,
        %add3A_666 = arith.addf %add3A_660, %get3A_665 : vector<16xf32>
        %add3A_667 = arith.constant 15 : i32
        %add3A_668 = arith.addi %mul3A_81, %add3A_667 : i32
        %get3A_669 = arith.index_cast %add3A_668 : i32 to index
        %get3A_670 = arith.constant 80 : index
        %get3A_671 = tpu.vector_load %arg7[%get3A_669, %get3A_670] {strides = array<i32>} : memref<128x128xf32, #tpu.memory_space<vmem>>, vector<16xf32>,
        %add3A_672 = arith.addf %add3A_666, %get3A_671 : vector<16xf32>
        %mul3A_673 = arith.constant 6.250000e-02 : f32
        %mul3A_674 = vector.broadcast %mul3A_673 : f32 to vector<16xf32>
        %mul3A_675 = arith.mulf %add3A_672, %mul3A_674 : vector<16xf32>
        %add3A_676 = arith.addi %mul3A_69, %add3A_79 : i32
        %swap3A_677 = arith.index_cast %add3A_676 : i32 to index
        %swap3A_678 = arith.constant 80 : index
        %swap3A_679 = tpu.vector_load %arg8[%swap3A_677, %swap3A_678] {strides = array<i32>} : memref<640x128xf32, #tpu.memory_space<vmem>>, vector<16xf32>,
        tpu.vector_store %arg8[%swap3A_677, %swap3A_678], %mul3A_675 {strides = array<i32>} : memref<640x128xf32, #tpu.memory_space<vmem>>, vector<16xf32>,
        %get3A_680 = arith.index_cast %mul3A_81 : i32 to index
        %get3A_681 = arith.constant 96 : index
        %get3A_682 = tpu.vector_load %arg7[%get3A_680, %get3A_681] {strides = array<i32>} : memref<128x128xf32, #tpu.memory_space<vmem>>, vector<16xf32>,
        %add3A_683 = arith.constant 1 : i32
        %add3A_684 = arith.addi %mul3A_81, %add3A_683 : i32
        %get3A_685 = arith.index_cast %add3A_684 : i32 to index
        %get3A_686 = arith.constant 96 : index
        %get3A_687 = tpu.vector_load %arg7[%get3A_685, %get3A_686] {strides = array<i32>} : memref<128x128xf32, #tpu.memory_space<vmem>>, vector<16xf32>,
        %add3A_688 = arith.addf %get3A_682, %get3A_687 : vector<16xf32>
        %add3A_689 = arith.constant 2 : i32
        %add3A_690 = arith.addi %mul3A_81, %add3A_689 : i32
        %get3A_691 = arith.index_cast %add3A_690 : i32 to index
        %get3A_692 = arith.constant 96 : index
        %get3A_693 = tpu.vector_load %arg7[%get3A_691, %get3A_692] {strides = array<i32>} : memref<128x128xf32, #tpu.memory_space<vmem>>, vector<16xf32>,
        %add3A_694 = arith.addf %add3A_688, %get3A_693 : vector<16xf32>
        %add3A_695 = arith.constant 3 : i32
        %add3A_696 = arith.addi %mul3A_81, %add3A_695 : i32
        %get3A_697 = arith.index_cast %add3A_696 : i32 to index
        %get3A_698 = arith.constant 96 : index
        %get3A_699 = tpu.vector_load %arg7[%get3A_697, %get3A_698] {strides = array<i32>} : memref<128x128xf32, #tpu.memory_space<vmem>>, vector<16xf32>,
        %add3A_700 = arith.addf %add3A_694, %get3A_699 : vector<16xf32>
        %add3A_701 = arith.constant 4 : i32
        %add3A_702 = arith.addi %mul3A_81, %add3A_701 : i32
        %get3A_703 = arith.index_cast %add3A_702 : i32 to index
        %get3A_704 = arith.constant 96 : index
        %get3A_705 = tpu.vector_load %arg7[%get3A_703, %get3A_704] {strides = array<i32>} : memref<128x128xf32, #tpu.memory_space<vmem>>, vector<16xf32>,
        %add3A_706 = arith.addf %add3A_700, %get3A_705 : vector<16xf32>
        %add3A_707 = arith.constant 5 : i32
        %add3A_708 = arith.addi %mul3A_81, %add3A_707 : i32
        %get3A_709 = arith.index_cast %add3A_708 : i32 to index
        %get3A_710 = arith.constant 96 : index
        %get3A_711 = tpu.vector_load %arg7[%get3A_709, %get3A_710] {strides = array<i32>} : memref<128x128xf32, #tpu.memory_space<vmem>>, vector<16xf32>,
        %add3A_712 = arith.addf %add3A_706, %get3A_711 : vector<16xf32>
        %add3A_713 = arith.constant 6 : i32
        %add3A_714 = arith.addi %mul3A_81, %add3A_713 : i32
        %get3A_715 = arith.index_cast %add3A_714 : i32 to index
        %get3A_716 = arith.constant 96 : index
        %get3A_717 = tpu.vector_load %arg7[%get3A_715, %get3A_716] {strides = array<i32>} : memref<128x128xf32, #tpu.memory_space<vmem>>, vector<16xf32>,
        %add3A_718 = arith.addf %add3A_712, %get3A_717 : vector<16xf32>
        %add3A_719 = arith.constant 7 : i32
        %add3A_720 = arith.addi %mul3A_81, %add3A_719 : i32
        %get3A_721 = arith.index_cast %add3A_720 : i32 to index
        %get3A_722 = arith.constant 96 : index
        %get3A_723 = tpu.vector_load %arg7[%get3A_721, %get3A_722] {strides = array<i32>} : memref<128x128xf32, #tpu.memory_space<vmem>>, vector<16xf32>,
        %add3A_724 = arith.addf %add3A_718, %get3A_723 : vector<16xf32>
        %add3A_725 = arith.constant 8 : i32
        %add3A_726 = arith.addi %mul3A_81, %add3A_725 : i32
        %get3A_727 = arith.index_cast %add3A_726 : i32 to index
        %get3A_728 = arith.constant 96 : index
        %get3A_729 = tpu.vector_load %arg7[%get3A_727, %get3A_728] {strides = array<i32>} : memref<128x128xf32, #tpu.memory_space<vmem>>, vector<16xf32>,
        %add3A_730 = arith.addf %add3A_724, %get3A_729 : vector<16xf32>
        %add3A_731 = arith.constant 9 : i32
        %add3A_732 = arith.addi %mul3A_81, %add3A_731 : i32
        %get3A_733 = arith.index_cast %add3A_732 : i32 to index
        %get3A_734 = arith.constant 96 : index
        %get3A_735 = tpu.vector_load %arg7[%get3A_733, %get3A_734] {strides = array<i32>} : memref<128x128xf32, #tpu.memory_space<vmem>>, vector<16xf32>,
        %add3A_736 = arith.addf %add3A_730, %get3A_735 : vector<16xf32>
        %add3A_737 = arith.constant 10 : i32
        %add3A_738 = arith.addi %mul3A_81, %add3A_737 : i32
        %get3A_739 = arith.index_cast %add3A_738 : i32 to index
        %get3A_740 = arith.constant 96 : index
        %get3A_741 = tpu.vector_load %arg7[%get3A_739, %get3A_740] {strides = array<i32>} : memref<128x128xf32, #tpu.memory_space<vmem>>, vector<16xf32>,
        %add3A_742 = arith.addf %add3A_736, %get3A_741 : vector<16xf32>
        %add3A_743 = arith.constant 11 : i32
        %add3A_744 = arith.addi %mul3A_81, %add3A_743 : i32
        %get3A_745 = arith.index_cast %add3A_744 : i32 to index
        %get3A_746 = arith.constant 96 : index
        %get3A_747 = tpu.vector_load %arg7[%get3A_745, %get3A_746] {strides = array<i32>} : memref<128x128xf32, #tpu.memory_space<vmem>>, vector<16xf32>,
        %add3A_748 = arith.addf %add3A_742, %get3A_747 : vector<16xf32>
        %add3A_749 = arith.constant 12 : i32
        %add3A_750 = arith.addi %mul3A_81, %add3A_749 : i32
        %get3A_751 = arith.index_cast %add3A_750 : i32 to index
        %get3A_752 = arith.constant 96 : index
        %get3A_753 = tpu.vector_load %arg7[%get3A_751, %get3A_752] {strides = array<i32>} : memref<128x128xf32, #tpu.memory_space<vmem>>, vector<16xf32>,
        %add3A_754 = arith.addf %add3A_748, %get3A_753 : vector<16xf32>
        %add3A_755 = arith.constant 13 : i32
        %add3A_756 = arith.addi %mul3A_81, %add3A_755 : i32
        %get3A_757 = arith.index_cast %add3A_756 : i32 to index
        %get3A_758 = arith.constant 96 : index
        %get3A_759 = tpu.vector_load %arg7[%get3A_757, %get3A_758] {strides = array<i32>} : memref<128x128xf32, #tpu.memory_space<vmem>>, vector<16xf32>,
        %add3A_760 = arith.addf %add3A_754, %get3A_759 : vector<16xf32>
        %add3A_761 = arith.constant 14 : i32
        %add3A_762 = arith.addi %mul3A_81, %add3A_761 : i32
        %get3A_763 = arith.index_cast %add3A_762 : i32 to index
        %get3A_764 = arith.constant 96 : index
        %get3A_765 = tpu.vector_load %arg7[%get3A_763, %get3A_764] {strides = array<i32>} : memref<128x128xf32, #tpu.memory_space<vmem>>, vector<16xf32>,
        %add3A_766 = arith.addf %add3A_760, %get3A_765 : vector<16xf32>
        %add3A_767 = arith.constant 15 : i32
        %add3A_768 = arith.addi %mul3A_81, %add3A_767 : i32
        %get3A_769 = arith.index_cast %add3A_768 : i32 to index
        %get3A_770 = arith.constant 96 : index
        %get3A_771 = tpu.vector_load %arg7[%get3A_769, %get3A_770] {strides = array<i32>} : memref<128x128xf32, #tpu.memory_space<vmem>>, vector<16xf32>,
        %add3A_772 = arith.addf %add3A_766, %get3A_771 : vector<16xf32>
        %mul3A_773 = arith.constant 6.250000e-02 : f32
        %mul3A_774 = vector.broadcast %mul3A_773 : f32 to vector<16xf32>
        %mul3A_775 = arith.mulf %add3A_772, %mul3A_774 : vector<16xf32>
        %add3A_776 = arith.addi %mul3A_69, %add3A_79 : i32
        %swap3A_777 = arith.index_cast %add3A_776 : i32 to index
        %swap3A_778 = arith.constant 96 : index
        %swap3A_779 = tpu.vector_load %arg8[%swap3A_777, %swap3A_778] {strides = array<i32>} : memref<640x128xf32, #tpu.memory_space<vmem>>, vector<16xf32>,
        tpu.vector_store %arg8[%swap3A_777, %swap3A_778], %mul3A_775 {strides = array<i32>} : memref<640x128xf32, #tpu.memory_space<vmem>>, vector<16xf32>,
        %get3A_780 = arith.index_cast %mul3A_81 : i32 to index
        %get3A_781 = arith.constant 112 : index
        %get3A_782 = tpu.vector_load %arg7[%get3A_780, %get3A_781] {strides = array<i32>} : memref<128x128xf32, #tpu.memory_space<vmem>>, vector<16xf32>,
        %add3A_783 = arith.constant 1 : i32
        %add3A_784 = arith.addi %mul3A_81, %add3A_783 : i32
        %get3A_785 = arith.index_cast %add3A_784 : i32 to index
        %get3A_786 = arith.constant 112 : index
        %get3A_787 = tpu.vector_load %arg7[%get3A_785, %get3A_786] {strides = array<i32>} : memref<128x128xf32, #tpu.memory_space<vmem>>, vector<16xf32>,
        %add3A_788 = arith.addf %get3A_782, %get3A_787 : vector<16xf32>
        %add3A_789 = arith.constant 2 : i32
        %add3A_790 = arith.addi %mul3A_81, %add3A_789 : i32
        %get3A_791 = arith.index_cast %add3A_790 : i32 to index
        %get3A_792 = arith.constant 112 : index
        %get3A_793 = tpu.vector_load %arg7[%get3A_791, %get3A_792] {strides = array<i32>} : memref<128x128xf32, #tpu.memory_space<vmem>>, vector<16xf32>,
        %add3A_794 = arith.addf %add3A_788, %get3A_793 : vector<16xf32>
        %add3A_795 = arith.constant 3 : i32
        %add3A_796 = arith.addi %mul3A_81, %add3A_795 : i32
        %get3A_797 = arith.index_cast %add3A_796 : i32 to index
        %get3A_798 = arith.constant 112 : index
        %get3A_799 = tpu.vector_load %arg7[%get3A_797, %get3A_798] {strides = array<i32>} : memref<128x128xf32, #tpu.memory_space<vmem>>, vector<16xf32>,
        %add3A_800 = arith.addf %add3A_794, %get3A_799 : vector<16xf32>
        %add3A_801 = arith.constant 4 : i32
        %add3A_802 = arith.addi %mul3A_81, %add3A_801 : i32
        %get3A_803 = arith.index_cast %add3A_802 : i32 to index
        %get3A_804 = arith.constant 112 : index
        %get3A_805 = tpu.vector_load %arg7[%get3A_803, %get3A_804] {strides = array<i32>} : memref<128x128xf32, #tpu.memory_space<vmem>>, vector<16xf32>,
        %add3A_806 = arith.addf %add3A_800, %get3A_805 : vector<16xf32>
        %add3A_807 = arith.constant 5 : i32
        %add3A_808 = arith.addi %mul3A_81, %add3A_807 : i32
        %get3A_809 = arith.index_cast %add3A_808 : i32 to index
        %get3A_810 = arith.constant 112 : index
        %get3A_811 = tpu.vector_load %arg7[%get3A_809, %get3A_810] {strides = array<i32>} : memref<128x128xf32, #tpu.memory_space<vmem>>, vector<16xf32>,
        %add3A_812 = arith.addf %add3A_806, %get3A_811 : vector<16xf32>
        %add3A_813 = arith.constant 6 : i32
        %add3A_814 = arith.addi %mul3A_81, %add3A_813 : i32
        %get3A_815 = arith.index_cast %add3A_814 : i32 to index
        %get3A_816 = arith.constant 112 : index
        %get3A_817 = tpu.vector_load %arg7[%get3A_815, %get3A_816] {strides = array<i32>} : memref<128x128xf32, #tpu.memory_space<vmem>>, vector<16xf32>,
        %add3A_818 = arith.addf %add3A_812, %get3A_817 : vector<16xf32>
        %add3A_819 = arith.constant 7 : i32
        %add3A_820 = arith.addi %mul3A_81, %add3A_819 : i32
        %get3A_821 = arith.index_cast %add3A_820 : i32 to index
        %get3A_822 = arith.constant 112 : index
        %get3A_823 = tpu.vector_load %arg7[%get3A_821, %get3A_822] {strides = array<i32>} : memref<128x128xf32, #tpu.memory_space<vmem>>, vector<16xf32>,
        %add3A_824 = arith.addf %add3A_818, %get3A_823 : vector<16xf32>
        %add3A_825 = arith.constant 8 : i32
        %add3A_826 = arith.addi %mul3A_81, %add3A_825 : i32
        %get3A_827 = arith.index_cast %add3A_826 : i32 to index
        %get3A_828 = arith.constant 112 : index
        %get3A_829 = tpu.vector_load %arg7[%get3A_827, %get3A_828] {strides = array<i32>} : memref<128x128xf32, #tpu.memory_space<vmem>>, vector<16xf32>,
        %add3A_830 = arith.addf %add3A_824, %get3A_829 : vector<16xf32>
        %add3A_831 = arith.constant 9 : i32
        %add3A_832 = arith.addi %mul3A_81, %add3A_831 : i32
        %get3A_833 = arith.index_cast %add3A_832 : i32 to index
        %get3A_834 = arith.constant 112 : index
        %get3A_835 = tpu.vector_load %arg7[%get3A_833, %get3A_834] {strides = array<i32>} : memref<128x128xf32, #tpu.memory_space<vmem>>, vector<16xf32>,
        %add3A_836 = arith.addf %add3A_830, %get3A_835 : vector<16xf32>
        %add3A_837 = arith.constant 10 : i32
        %add3A_838 = arith.addi %mul3A_81, %add3A_837 : i32
        %get3A_839 = arith.index_cast %add3A_838 : i32 to index
        %get3A_840 = arith.constant 112 : index
        %get3A_841 = tpu.vector_load %arg7[%get3A_839, %get3A_840] {strides = array<i32>} : memref<128x128xf32, #tpu.memory_space<vmem>>, vector<16xf32>,
        %add3A_842 = arith.addf %add3A_836, %get3A_841 : vector<16xf32>
        %add3A_843 = arith.constant 11 : i32
        %add3A_844 = arith.addi %mul3A_81, %add3A_843 : i32
        %get3A_845 = arith.index_cast %add3A_844 : i32 to index
        %get3A_846 = arith.constant 112 : index
        %get3A_847 = tpu.vector_load %arg7[%get3A_845, %get3A_846] {strides = array<i32>} : memref<128x128xf32, #tpu.memory_space<vmem>>, vector<16xf32>,
        %add3A_848 = arith.addf %add3A_842, %get3A_847 : vector<16xf32>
        %add3A_849 = arith.constant 12 : i32
        %add3A_850 = arith.addi %mul3A_81, %add3A_849 : i32
        %get3A_851 = arith.index_cast %add3A_850 : i32 to index
        %get3A_852 = arith.constant 112 : index
        %get3A_853 = tpu.vector_load %arg7[%get3A_851, %get3A_852] {strides = array<i32>} : memref<128x128xf32, #tpu.memory_space<vmem>>, vector<16xf32>,
        %add3A_854 = arith.addf %add3A_848, %get3A_853 : vector<16xf32>
        %add3A_855 = arith.constant 13 : i32
        %add3A_856 = arith.addi %mul3A_81, %add3A_855 : i32
        %get3A_857 = arith.index_cast %add3A_856 : i32 to index
        %get3A_858 = arith.constant 112 : index
        %get3A_859 = tpu.vector_load %arg7[%get3A_857, %get3A_858] {strides = array<i32>} : memref<128x128xf32, #tpu.memory_space<vmem>>, vector<16xf32>,
        %add3A_860 = arith.addf %add3A_854, %get3A_859 : vector<16xf32>
        %add3A_861 = arith.constant 14 : i32
        %add3A_862 = arith.addi %mul3A_81, %add3A_861 : i32
        %get3A_863 = arith.index_cast %add3A_862 : i32 to index
        %get3A_864 = arith.constant 112 : index
        %get3A_865 = tpu.vector_load %arg7[%get3A_863, %get3A_864] {strides = array<i32>} : memref<128x128xf32, #tpu.memory_space<vmem>>, vector<16xf32>,
        %add3A_866 = arith.addf %add3A_860, %get3A_865 : vector<16xf32>
        %add3A_867 = arith.constant 15 : i32
        %add3A_868 = arith.addi %mul3A_81, %add3A_867 : i32
        %get3A_869 = arith.index_cast %add3A_868 : i32 to index
        %get3A_870 = arith.constant 112 : index
        %get3A_871 = tpu.vector_load %arg7[%get3A_869, %get3A_870] {strides = array<i32>} : memref<128x128xf32, #tpu.memory_space<vmem>>, vector<16xf32>,
        %add3A_872 = arith.addf %add3A_866, %get3A_871 : vector<16xf32>
        %mul3A_873 = arith.constant 6.250000e-02 : f32
        %mul3A_874 = vector.broadcast %mul3A_873 : f32 to vector<16xf32>
        %mul3A_875 = arith.mulf %add3A_872, %mul3A_874 : vector<16xf32>
        %add3A_876 = arith.addi %mul3A_69, %add3A_79 : i32
        %swap3A_877 = arith.index_cast %add3A_876 : i32 to index
        %swap3A_878 = arith.constant 112 : index
        %swap3A_879 = tpu.vector_load %arg8[%swap3A_877, %swap3A_878] {strides = array<i32>} : memref<640x128xf32, #tpu.memory_space<vmem>>, vector<16xf32>,
        tpu.vector_store %arg8[%swap3A_877, %swap3A_878], %mul3A_875 {strides = array<i32>} : memref<640x128xf32, #tpu.memory_space<vmem>>, vector<16xf32>,
      }
      %scan3A_74 = arith.constant 8 : i32
    }
    %scan3A_25 = arith.constant 40 : i32
    %mul3A_26 = arith.constant 640 : i32
    %mul3A_27 = arith.muli %add3A, %mul3A_26 : i32
    "tpu.region"() ({
      %run_scoped3A = tpu.sem_alloc : memref<!tpu.dma_semaphore, #tpu.memory_space<semaphore_mem>>
      %dma_start3A_28 = arith.constant 0 : i32
      %dma_start3A_29 = tpu.memref_slice %arg4[%mul3A_27, %dma_start3A_28] : memref<20480x128xf32, #tpu.memory_space<hbm>> -> memref<640x128xf32, #tpu.memory_space<hbm>>
      %dma_start3A_30 = arith.constant 0 : i32
      %dma_start3A_31 = tpu.memref_slice %arg4[%mul3A_27, %dma_start3A_30] : memref<20480x128xf32, #tpu.memory_space<hbm>> -> memref<640x128xf32, #tpu.memory_space<hbm>>
      tpu.enqueue_dma source(%arg8 : memref<640x128xf32, #tpu.memory_space<vmem>>) target(%dma_start3A_31 : memref<640x128xf32, #tpu.memory_space<hbm>>) target_semaphore(%run_scoped3A : memref<!tpu.dma_semaphore, #tpu.memory_space<semaphore_mem>>)
      %dma_wait3A_32 = arith.constant 0 : i32
      %dma_wait3A_33 = tpu.memref_slice %arg4[%mul3A_27, %dma_wait3A_32] : memref<20480x128xf32, #tpu.memory_space<hbm>> -> memref<640x128xf32, #tpu.memory_space<hbm>>
      %dma_wait3A_34 = arith.constant 0 : i32
      %dma_wait3A_35 = tpu.memref_slice %arg4[%mul3A_27, %dma_wait3A_34] : memref<20480x128xf32, #tpu.memory_space<hbm>> -> memref<640x128xf32, #tpu.memory_space<hbm>>
      tpu.wait_dma2 semaphore(%run_scoped3A : memref<!tpu.dma_semaphore, #tpu.memory_space<semaphore_mem>>) src(%arg8 : memref<640x128xf32, #tpu.memory_space<vmem>>) dst(%dma_wait3A_35 : memref<640x128xf32, #tpu.memory_space<hbm>>)
      tpu.yield
    }) : () -> ()
    return
  }
}

module attributes {stable_mosaic.version = 14 : i64} {
  func.func @_he_body(%arg0: i32, %arg1: i32, %arg2: memref<1x2000x128xf32, #tpu.memory_space<vmem>>, %arg3: memref<1x4x128x128xf32, #tpu.memory_space<vmem>>, %arg4: memref<1x4x2000x128xf32, #tpu.memory_space<vmem>>) attributes {dimension_semantics = [#tpu.dimension_semantics<arbitrary>, #tpu.dimension_semantics<arbitrary>], iteration_bounds = array<i64: 2, 5>, scalar_prefetch = 0 : i64, scratch_operands = 0 : i64, tpu.core_type = #tpu.core_type<tc>, window_params = [{transform_indices = @transform_0, window_bounds = array<i64: 1, 2000, 128>}, {transform_indices = @transform_1, window_bounds = array<i64: 1, 4, 128, 128>}, {transform_indices = @transform_2, window_bounds = array<i64: 1, 4, 2000, 128>}]} {
    %get3A = arith.constant 0 : index
    %get3A_0 = arith.constant 0 : index
    %get3A_1 = arith.constant 0 : index
    %get3A_2 = vector.load %arg2[%get3A, %get3A_0, %get3A_1] : memref<1x2000x128xf32, #tpu.memory_space<vmem>>, vector<1x2000x128xf32>
    %get3A_3 = vector.shape_cast %get3A_2 : vector<1x2000x128xf32> to vector<2000x128xf32>
    %get3A_4 = arith.constant 0 : index
    %get3A_5 = arith.constant 0 : index
    %get3A_6 = arith.constant 0 : index
    %get3A_7 = arith.constant 0 : index
    %get3A_8 = vector.load %arg3[%get3A_4, %get3A_5, %get3A_6, %get3A_7] : memref<1x4x128x128xf32, #tpu.memory_space<vmem>>, vector<1x1x128x128xf32>
    %get3A_9 = vector.shape_cast %get3A_8 : vector<1x1x128x128xf32> to vector<128x128xf32>
    %dot_general3A = arith.constant dense<0.000000e+00> : vector<2000x128xf32>
    %dot_general3A_10 = tpu.matmul %get3A_3, %get3A_9, %dot_general3A {dimension_numbers = #tpu.dot_dimension_numbers<[1], [0], [0], [1], [0, 0, 1, 1], [], []>, transpose_lhs_hint = false} : vector<2000x128xf32>, vector<128x128xf32>, vector<2000x128xf32> -> vector<2000x128xf32>
    %swap3A = arith.constant 0 : index
    %swap3A_11 = arith.constant 0 : index
    %swap3A_12 = arith.constant 0 : index
    %swap3A_13 = arith.constant 0 : index
    %swap3A_14 = vector.load %arg4[%swap3A, %swap3A_11, %swap3A_12, %swap3A_13] : memref<1x4x2000x128xf32, #tpu.memory_space<vmem>>, vector<1x1x2000x128xf32>
    %swap3A_15 = vector.shape_cast %swap3A_14 : vector<1x1x2000x128xf32> to vector<2000x128xf32>
    %swap3A_16 = vector.shape_cast %dot_general3A_10 : vector<2000x128xf32> to vector<1x1x2000x128xf32>
    tpu.vector_store %arg4[%swap3A, %swap3A_11, %swap3A_12, %swap3A_13], %swap3A_16 {strides = array<i32>} : memref<1x4x2000x128xf32, #tpu.memory_space<vmem>>, vector<1x1x2000x128xf32>,
    %get3A_17 = arith.constant 0 : index
    %get3A_18 = arith.constant 1 : index
    %get3A_19 = arith.constant 0 : index
    %get3A_20 = arith.constant 0 : index
    %get3A_21 = vector.load %arg3[%get3A_17, %get3A_18, %get3A_19, %get3A_20] : memref<1x4x128x128xf32, #tpu.memory_space<vmem>>, vector<1x1x128x128xf32>
    %get3A_22 = vector.shape_cast %get3A_21 : vector<1x1x128x128xf32> to vector<128x128xf32>
    %dot_general3A_23 = arith.constant dense<0.000000e+00> : vector<2000x128xf32>
    %dot_general3A_24 = tpu.matmul %get3A_3, %get3A_22, %dot_general3A_23 {dimension_numbers = #tpu.dot_dimension_numbers<[1], [0], [0], [1], [0, 0, 1, 1], [], []>, transpose_lhs_hint = false} : vector<2000x128xf32>, vector<128x128xf32>, vector<2000x128xf32> -> vector<2000x128xf32>
    %swap3A_25 = arith.constant 0 : index
    %swap3A_26 = arith.constant 1 : index
    %swap3A_27 = arith.constant 0 : index
    %swap3A_28 = arith.constant 0 : index
    %swap3A_29 = vector.load %arg4[%swap3A_25, %swap3A_26, %swap3A_27, %swap3A_28] : memref<1x4x2000x128xf32, #tpu.memory_space<vmem>>, vector<1x1x2000x128xf32>
    %swap3A_30 = vector.shape_cast %swap3A_29 : vector<1x1x2000x128xf32> to vector<2000x128xf32>
    %swap3A_31 = vector.shape_cast %dot_general3A_24 : vector<2000x128xf32> to vector<1x1x2000x128xf32>
    tpu.vector_store %arg4[%swap3A_25, %swap3A_26, %swap3A_27, %swap3A_28], %swap3A_31 {strides = array<i32>} : memref<1x4x2000x128xf32, #tpu.memory_space<vmem>>, vector<1x1x2000x128xf32>,
    %get3A_32 = arith.constant 0 : index
    %get3A_33 = arith.constant 2 : index
    %get3A_34 = arith.constant 0 : index
    %get3A_35 = arith.constant 0 : index
    %get3A_36 = vector.load %arg3[%get3A_32, %get3A_33, %get3A_34, %get3A_35] : memref<1x4x128x128xf32, #tpu.memory_space<vmem>>, vector<1x1x128x128xf32>
    %get3A_37 = vector.shape_cast %get3A_36 : vector<1x1x128x128xf32> to vector<128x128xf32>
    %dot_general3A_38 = arith.constant dense<0.000000e+00> : vector<2000x128xf32>
    %dot_general3A_39 = tpu.matmul %get3A_3, %get3A_37, %dot_general3A_38 {dimension_numbers = #tpu.dot_dimension_numbers<[1], [0], [0], [1], [0, 0, 1, 1], [], []>, transpose_lhs_hint = false} : vector<2000x128xf32>, vector<128x128xf32>, vector<2000x128xf32> -> vector<2000x128xf32>
    %swap3A_40 = arith.constant 0 : index
    %swap3A_41 = arith.constant 2 : index
    %swap3A_42 = arith.constant 0 : index
    %swap3A_43 = arith.constant 0 : index
    %swap3A_44 = vector.load %arg4[%swap3A_40, %swap3A_41, %swap3A_42, %swap3A_43] : memref<1x4x2000x128xf32, #tpu.memory_space<vmem>>, vector<1x1x2000x128xf32>
    %swap3A_45 = vector.shape_cast %swap3A_44 : vector<1x1x2000x128xf32> to vector<2000x128xf32>
    %swap3A_46 = vector.shape_cast %dot_general3A_39 : vector<2000x128xf32> to vector<1x1x2000x128xf32>
    tpu.vector_store %arg4[%swap3A_40, %swap3A_41, %swap3A_42, %swap3A_43], %swap3A_46 {strides = array<i32>} : memref<1x4x2000x128xf32, #tpu.memory_space<vmem>>, vector<1x1x2000x128xf32>,
    %get3A_47 = arith.constant 0 : index
    %get3A_48 = arith.constant 3 : index
    %get3A_49 = arith.constant 0 : index
    %get3A_50 = arith.constant 0 : index
    %get3A_51 = vector.load %arg3[%get3A_47, %get3A_48, %get3A_49, %get3A_50] : memref<1x4x128x128xf32, #tpu.memory_space<vmem>>, vector<1x1x128x128xf32>
    %get3A_52 = vector.shape_cast %get3A_51 : vector<1x1x128x128xf32> to vector<128x128xf32>
    %dot_general3A_53 = arith.constant dense<0.000000e+00> : vector<2000x128xf32>
    %dot_general3A_54 = tpu.matmul %get3A_3, %get3A_52, %dot_general3A_53 {dimension_numbers = #tpu.dot_dimension_numbers<[1], [0], [0], [1], [0, 0, 1, 1], [], []>, transpose_lhs_hint = false} : vector<2000x128xf32>, vector<128x128xf32>, vector<2000x128xf32> -> vector<2000x128xf32>
    %swap3A_55 = arith.constant 0 : index
    %swap3A_56 = arith.constant 3 : index
    %swap3A_57 = arith.constant 0 : index
    %swap3A_58 = arith.constant 0 : index
    %swap3A_59 = vector.load %arg4[%swap3A_55, %swap3A_56, %swap3A_57, %swap3A_58] : memref<1x4x2000x128xf32, #tpu.memory_space<vmem>>, vector<1x1x2000x128xf32>
    %swap3A_60 = vector.shape_cast %swap3A_59 : vector<1x1x2000x128xf32> to vector<2000x128xf32>
    %swap3A_61 = vector.shape_cast %dot_general3A_54 : vector<2000x128xf32> to vector<1x1x2000x128xf32>
    tpu.vector_store %arg4[%swap3A_55, %swap3A_56, %swap3A_57, %swap3A_58], %swap3A_61 {strides = array<i32>} : memref<1x4x2000x128xf32, #tpu.memory_space<vmem>>, vector<1x1x2000x128xf32>,
    return
  }
  func.func @transform_0(%arg0: i32, %arg1: i32) -> (i32, i32, i32) {
    %c0_i32 = arith.constant 0 : i32
    %c0_i32_0 = arith.constant 0 : i32
    return %arg0, %arg1, %c0_i32 : i32, i32, i32
  }
  func.func @transform_1(%arg0: i32, %arg1: i32) -> (i32, i32, i32, i32) {
    %c0_i32 = arith.constant 0 : i32
    %c0_i32_0 = arith.constant 0 : i32
    %c0_i32_1 = arith.constant 0 : i32
    %c0_i32_2 = arith.constant 0 : i32
    return %arg0, %c0_i32, %c0_i32_0, %c0_i32_1 : i32, i32, i32, i32
  }
  func.func @transform_2(%arg0: i32, %arg1: i32) -> (i32, i32, i32, i32) {
    %c0_i32 = arith.constant 0 : i32
    %c0_i32_0 = arith.constant 0 : i32
    %c0_i32_1 = arith.constant 0 : i32
    return %arg0, %c0_i32, %arg1, %c0_i32_0 : i32, i32, i32, i32
  }
}

module attributes {stable_mosaic.version = 14 : i64} {
  func.func @_post_body(%arg0: i32, %arg1: memref<2x2000x128xf32, #tpu.memory_space<vmem>>, %arg2: memref<2000x128xf32, #tpu.memory_space<vmem>>, %arg3: memref<2000x128xf32, #tpu.memory_space<vmem>>, %arg4: memref<2x128x128xf32, #tpu.memory_space<vmem>>, %arg5: memref<2x1x128xf32, #tpu.memory_space<vmem>>, %arg6: memref<2x128x128xf32, #tpu.memory_space<vmem>>, %arg7: memref<2x128x128xf32, #tpu.memory_space<vmem>>, %arg8: memref<2x1x128xf32, #tpu.memory_space<vmem>>, %arg9: memref<2x2000x128xf32, #tpu.memory_space<vmem>>) attributes {dimension_semantics = [#tpu.dimension_semantics<arbitrary>], iteration_bounds = array<i64: 5>, scalar_prefetch = 0 : i64, scratch_operands = 0 : i64, tpu.core_type = #tpu.core_type<tc>, window_params = [{transform_indices = @transform_0, window_bounds = array<i64: 2, 2000, 128>}, {transform_indices = @transform_1, window_bounds = array<i64: 2000, 128>}, {transform_indices = @transform_2, window_bounds = array<i64: 2000, 128>}, {pipeline_mode = #tpu.pipeline_mode<synchronous>, transform_indices = @transform_3, window_bounds = array<i64: 2, 128, 128>}, {pipeline_mode = #tpu.pipeline_mode<synchronous>, transform_indices = @transform_4, window_bounds = array<i64: 2, 1, 128>}, {pipeline_mode = #tpu.pipeline_mode<synchronous>, transform_indices = @transform_5, window_bounds = array<i64: 2, 128, 128>}, {pipeline_mode = #tpu.pipeline_mode<synchronous>, transform_indices = @transform_6, window_bounds = array<i64: 2, 128, 128>}, {pipeline_mode = #tpu.pipeline_mode<synchronous>, transform_indices = @transform_7, window_bounds = array<i64: 2, 1, 128>}, {transform_indices = @transform_8, window_bounds = array<i64: 2, 2000, 128>}]} {
    %get3A = arith.constant 0 : index
    %get3A_0 = arith.constant 0 : index
    %get3A_1 = arith.constant 0 : index
    %get3A_2 = vector.load %arg1[%get3A, %get3A_0, %get3A_1] : memref<2x2000x128xf32, #tpu.memory_space<vmem>>, vector<1x2000x128xf32>
    %get3A_3 = vector.shape_cast %get3A_2 : vector<1x2000x128xf32> to vector<2000x128xf32>
    %get3A_4 = arith.constant 0 : index
    %get3A_5 = arith.constant 0 : index
    %get3A_6 = arith.constant 0 : index
    %get3A_7 = vector.load %arg4[%get3A_4, %get3A_5, %get3A_6] : memref<2x128x128xf32, #tpu.memory_space<vmem>>, vector<1x128x128xf32>
    %get3A_8 = vector.shape_cast %get3A_7 : vector<1x128x128xf32> to vector<128x128xf32>
    %dot_general3A = arith.constant dense<0.000000e+00> : vector<2000x128xf32>
    %dot_general3A_9 = tpu.matmul %get3A_3, %get3A_8, %dot_general3A {dimension_numbers = #tpu.dot_dimension_numbers<[1], [0], [0], [1], [0, 0, 1, 1], [], []>, transpose_lhs_hint = false} : vector<2000x128xf32>, vector<128x128xf32>, vector<2000x128xf32> -> vector<2000x128xf32>
    %get3A_10 = arith.constant 0 : index
    %get3A_11 = arith.constant 0 : index
    %get3A_12 = vector.load %arg2[%get3A_10, %get3A_11] : memref<2000x128xf32, #tpu.memory_space<vmem>>, vector<2000x128xf32>
    %add3A = arith.addf %get3A_12, %dot_general3A_9 : vector<2000x128xf32>
    %get3A_13 = arith.constant 0 : index
    %get3A_14 = arith.constant 0 : index
    %get3A_15 = arith.constant 0 : index
    %get3A_16 = vector.load %arg5[%get3A_13, %get3A_14, %get3A_15] : memref<2x1x128xf32, #tpu.memory_space<vmem>>, vector<1x1x128xf32>
    %get3A_17 = vector.shape_cast %get3A_16 : vector<1x1x128xf32> to vector<128xf32>
    %broadcast_in_dim3A = vector.shape_cast %get3A_17 : vector<128xf32> to vector<1x128xf32>
    %add3A_18 = vector.broadcast %broadcast_in_dim3A : vector<1x128xf32> to vector<2000x128xf32>
    %add3A_19 = arith.addf %add3A, %add3A_18 : vector<2000x128xf32>
    %max3A = arith.constant 0.000000e+00 : f32
    %max3A_20 = vector.broadcast %max3A : f32 to vector<2000x128xf32>
    %max3A_21 = arith.maximumf %add3A_19, %max3A_20 : vector<2000x128xf32>
    %get3A_22 = arith.constant 1 : index
    %get3A_23 = arith.constant 0 : index
    %get3A_24 = arith.constant 0 : index
    %get3A_25 = vector.load %arg1[%get3A_22, %get3A_23, %get3A_24] : memref<2x2000x128xf32, #tpu.memory_space<vmem>>, vector<1x2000x128xf32>
    %get3A_26 = vector.shape_cast %get3A_25 : vector<1x2000x128xf32> to vector<2000x128xf32>
    %get3A_27 = arith.constant 1 : index
    %get3A_28 = arith.constant 0 : index
    %get3A_29 = arith.constant 0 : index
    %get3A_30 = vector.load %arg4[%get3A_27, %get3A_28, %get3A_29] : memref<2x128x128xf32, #tpu.memory_space<vmem>>, vector<1x128x128xf32>
    %get3A_31 = vector.shape_cast %get3A_30 : vector<1x128x128xf32> to vector<128x128xf32>
    %dot_general3A_32 = arith.constant dense<0.000000e+00> : vector<2000x128xf32>
    %dot_general3A_33 = tpu.matmul %get3A_26, %get3A_31, %dot_general3A_32 {dimension_numbers = #tpu.dot_dimension_numbers<[1], [0], [0], [1], [0, 0, 1, 1], [], []>, transpose_lhs_hint = false} : vector<2000x128xf32>, vector<128x128xf32>, vector<2000x128xf32> -> vector<2000x128xf32>
    %get3A_34 = arith.constant 0 : index
    %get3A_35 = arith.constant 0 : index
    %get3A_36 = vector.load %arg3[%get3A_34, %get3A_35] : memref<2000x128xf32, #tpu.memory_space<vmem>>, vector<2000x128xf32>
    %add3A_37 = arith.addf %get3A_36, %dot_general3A_33 : vector<2000x128xf32>
    %get3A_38 = arith.constant 1 : index
    %get3A_39 = arith.constant 0 : index
    %get3A_40 = arith.constant 0 : index
    %get3A_41 = vector.load %arg5[%get3A_38, %get3A_39, %get3A_40] : memref<2x1x128xf32, #tpu.memory_space<vmem>>, vector<1x1x128xf32>
    %get3A_42 = vector.shape_cast %get3A_41 : vector<1x1x128xf32> to vector<128xf32>
    %broadcast_in_dim3A_43 = vector.shape_cast %get3A_42 : vector<128xf32> to vector<1x128xf32>
    %add3A_44 = vector.broadcast %broadcast_in_dim3A_43 : vector<1x128xf32> to vector<2000x128xf32>
    %add3A_45 = arith.addf %add3A_37, %add3A_44 : vector<2000x128xf32>
    %max3A_46 = arith.constant 0.000000e+00 : f32
    %max3A_47 = vector.broadcast %max3A_46 : f32 to vector<2000x128xf32>
    %max3A_48 = arith.maximumf %add3A_45, %max3A_47 : vector<2000x128xf32>
    %add3A_49 = arith.addf %max3A_21, %max3A_48 : vector<2000x128xf32>
    %get3A_50 = arith.constant 0 : index
    %get3A_51 = arith.constant 0 : index
    %get3A_52 = arith.constant 0 : index
    %get3A_53 = vector.load %arg6[%get3A_50, %get3A_51, %get3A_52] : memref<2x128x128xf32, #tpu.memory_space<vmem>>, vector<1x128x128xf32>
    %get3A_54 = vector.shape_cast %get3A_53 : vector<1x128x128xf32> to vector<128x128xf32>
    %dot_general3A_55 = arith.constant dense<0.000000e+00> : vector<2000x128xf32>
    %dot_general3A_56 = tpu.matmul %max3A_21, %get3A_54, %dot_general3A_55 {dimension_numbers = #tpu.dot_dimension_numbers<[1], [0], [0], [1], [0, 0, 1, 1], [], []>, transpose_lhs_hint = false} : vector<2000x128xf32>, vector<128x128xf32>, vector<2000x128xf32> -> vector<2000x128xf32>
    %get3A_57 = arith.constant 0 : index
    %get3A_58 = arith.constant 0 : index
    %get3A_59 = arith.constant 0 : index
    %get3A_60 = vector.load %arg7[%get3A_57, %get3A_58, %get3A_59] : memref<2x128x128xf32, #tpu.memory_space<vmem>>, vector<1x128x128xf32>
    %get3A_61 = vector.shape_cast %get3A_60 : vector<1x128x128xf32> to vector<128x128xf32>
    %dot_general3A_62 = arith.constant dense<0.000000e+00> : vector<2000x128xf32>
    %dot_general3A_63 = tpu.matmul %add3A_49, %get3A_61, %dot_general3A_62 {dimension_numbers = #tpu.dot_dimension_numbers<[1], [0], [0], [1], [0, 0, 1, 1], [], []>, transpose_lhs_hint = false} : vector<2000x128xf32>, vector<128x128xf32>, vector<2000x128xf32> -> vector<2000x128xf32>
    %add3A_64 = arith.addf %dot_general3A_56, %dot_general3A_63 : vector<2000x128xf32>
    %get3A_65 = arith.constant 0 : index
    %get3A_66 = arith.constant 0 : index
    %get3A_67 = arith.constant 0 : index
    %get3A_68 = vector.load %arg8[%get3A_65, %get3A_66, %get3A_67] : memref<2x1x128xf32, #tpu.memory_space<vmem>>, vector<1x1x128xf32>
    %get3A_69 = vector.shape_cast %get3A_68 : vector<1x1x128xf32> to vector<128xf32>
    %broadcast_in_dim3A_70 = vector.shape_cast %get3A_69 : vector<128xf32> to vector<1x128xf32>
    %add3A_71 = vector.broadcast %broadcast_in_dim3A_70 : vector<1x128xf32> to vector<2000x128xf32>
    %add3A_72 = arith.addf %add3A_64, %add3A_71 : vector<2000x128xf32>
    %max3A_73 = arith.constant 0.000000e+00 : f32
    %max3A_74 = vector.broadcast %max3A_73 : f32 to vector<2000x128xf32>
    %max3A_75 = arith.maximumf %add3A_72, %max3A_74 : vector<2000x128xf32>
    %get3A_76 = arith.constant 0 : index
    %get3A_77 = arith.constant 0 : index
    %get3A_78 = arith.constant 0 : index
    %get3A_79 = vector.load %arg1[%get3A_76, %get3A_77, %get3A_78] : memref<2x2000x128xf32, #tpu.memory_space<vmem>>, vector<1x2000x128xf32>
    %get3A_80 = vector.shape_cast %get3A_79 : vector<1x2000x128xf32> to vector<2000x128xf32>
    %add3A_81 = arith.addf %max3A_75, %get3A_80 : vector<2000x128xf32>
    %swap3A = arith.constant 0 : index
    %swap3A_82 = arith.constant 0 : index
    %swap3A_83 = arith.constant 0 : index
    %swap3A_84 = vector.load %arg9[%swap3A, %swap3A_82, %swap3A_83] : memref<2x2000x128xf32, #tpu.memory_space<vmem>>, vector<1x2000x128xf32>
    %swap3A_85 = vector.shape_cast %swap3A_84 : vector<1x2000x128xf32> to vector<2000x128xf32>
    %swap3A_86 = vector.shape_cast %add3A_81 : vector<2000x128xf32> to vector<1x2000x128xf32>
    tpu.vector_store %arg9[%swap3A, %swap3A_82, %swap3A_83], %swap3A_86 {strides = array<i32>} : memref<2x2000x128xf32, #tpu.memory_space<vmem>>, vector<1x2000x128xf32>,
    %get3A_87 = arith.constant 1 : index
    %get3A_88 = arith.constant 0 : index
    %get3A_89 = arith.constant 0 : index
    %get3A_90 = vector.load %arg6[%get3A_87, %get3A_88, %get3A_89] : memref<2x128x128xf32, #tpu.memory_space<vmem>>, vector<1x128x128xf32>
    %get3A_91 = vector.shape_cast %get3A_90 : vector<1x128x128xf32> to vector<128x128xf32>
    %dot_general3A_92 = arith.constant dense<0.000000e+00> : vector<2000x128xf32>
    %dot_general3A_93 = tpu.matmul %max3A_48, %get3A_91, %dot_general3A_92 {dimension_numbers = #tpu.dot_dimension_numbers<[1], [0], [0], [1], [0, 0, 1, 1], [], []>, transpose_lhs_hint = false} : vector<2000x128xf32>, vector<128x128xf32>, vector<2000x128xf32> -> vector<2000x128xf32>
    %get3A_94 = arith.constant 1 : index
    %get3A_95 = arith.constant 0 : index
    %get3A_96 = arith.constant 0 : index
    %get3A_97 = vector.load %arg7[%get3A_94, %get3A_95, %get3A_96] : memref<2x128x128xf32, #tpu.memory_space<vmem>>, vector<1x128x128xf32>
    %get3A_98 = vector.shape_cast %get3A_97 : vector<1x128x128xf32> to vector<128x128xf32>
    %dot_general3A_99 = arith.constant dense<0.000000e+00> : vector<2000x128xf32>
    %dot_general3A_100 = tpu.matmul %add3A_49, %get3A_98, %dot_general3A_99 {dimension_numbers = #tpu.dot_dimension_numbers<[1], [0], [0], [1], [0, 0, 1, 1], [], []>, transpose_lhs_hint = false} : vector<2000x128xf32>, vector<128x128xf32>, vector<2000x128xf32> -> vector<2000x128xf32>
    %add3A_101 = arith.addf %dot_general3A_93, %dot_general3A_100 : vector<2000x128xf32>
    %get3A_102 = arith.constant 1 : index
    %get3A_103 = arith.constant 0 : index
    %get3A_104 = arith.constant 0 : index
    %get3A_105 = vector.load %arg8[%get3A_102, %get3A_103, %get3A_104] : memref<2x1x128xf32, #tpu.memory_space<vmem>>, vector<1x1x128xf32>
    %get3A_106 = vector.shape_cast %get3A_105 : vector<1x1x128xf32> to vector<128xf32>
    %broadcast_in_dim3A_107 = vector.shape_cast %get3A_106 : vector<128xf32> to vector<1x128xf32>
    %add3A_108 = vector.broadcast %broadcast_in_dim3A_107 : vector<1x128xf32> to vector<2000x128xf32>
    %add3A_109 = arith.addf %add3A_101, %add3A_108 : vector<2000x128xf32>
    %max3A_110 = arith.constant 0.000000e+00 : f32
    %max3A_111 = vector.broadcast %max3A_110 : f32 to vector<2000x128xf32>
    %max3A_112 = arith.maximumf %add3A_109, %max3A_111 : vector<2000x128xf32>
    %get3A_113 = arith.constant 1 : index
    %get3A_114 = arith.constant 0 : index
    %get3A_115 = arith.constant 0 : index
    %get3A_116 = vector.load %arg1[%get3A_113, %get3A_114, %get3A_115] : memref<2x2000x128xf32, #tpu.memory_space<vmem>>, vector<1x2000x128xf32>
    %get3A_117 = vector.shape_cast %get3A_116 : vector<1x2000x128xf32> to vector<2000x128xf32>
    %add3A_118 = arith.addf %max3A_112, %get3A_117 : vector<2000x128xf32>
    %swap3A_119 = arith.constant 1 : index
    %swap3A_120 = arith.constant 0 : index
    %swap3A_121 = arith.constant 0 : index
    %swap3A_122 = vector.load %arg9[%swap3A_119, %swap3A_120, %swap3A_121] : memref<2x2000x128xf32, #tpu.memory_space<vmem>>, vector<1x2000x128xf32>
    %swap3A_123 = vector.shape_cast %swap3A_122 : vector<1x2000x128xf32> to vector<2000x128xf32>
    %swap3A_124 = vector.shape_cast %add3A_118 : vector<2000x128xf32> to vector<1x2000x128xf32>
    tpu.vector_store %arg9[%swap3A_119, %swap3A_120, %swap3A_121], %swap3A_124 {strides = array<i32>} : memref<2x2000x128xf32, #tpu.memory_space<vmem>>, vector<1x2000x128xf32>,
    return
  }
  func.func @transform_0(%arg0: i32) -> (i32, i32, i32) {
    %c0_i32 = arith.constant 0 : i32
    %c0_i32_0 = arith.constant 0 : i32
    %c0_i32_1 = arith.constant 0 : i32
    return %c0_i32, %arg0, %c0_i32_0 : i32, i32, i32
  }
  func.func @transform_1(%arg0: i32) -> (i32, i32) {
    %c0_i32 = arith.constant 0 : i32
    %c0_i32_0 = arith.constant 0 : i32
    return %arg0, %c0_i32 : i32, i32
  }
  func.func @transform_2(%arg0: i32) -> (i32, i32) {
    %add3A = arith.constant 5 : i32
    %add3A_0 = arith.addi %add3A, %arg0 : i32
    %c0_i32 = arith.constant 0 : i32
    %c0_i32_1 = arith.constant 0 : i32
    return %add3A_0, %c0_i32 : i32, i32
  }
  func.func @transform_3(%arg0: i32) -> (i32, i32, i32) {
    %c0_i32 = arith.constant 0 : i32
    %c0_i32_0 = arith.constant 0 : i32
    %c0_i32_1 = arith.constant 0 : i32
    %c0_i32_2 = arith.constant 0 : i32
    return %c0_i32, %c0_i32_0, %c0_i32_1 : i32, i32, i32
  }
  func.func @transform_4(%arg0: i32) -> (i32, i32, i32) {
    %c0_i32 = arith.constant 0 : i32
    %c0_i32_0 = arith.constant 0 : i32
    %c0_i32_1 = arith.constant 0 : i32
    %c0_i32_2 = arith.constant 0 : i32
    return %c0_i32, %c0_i32_0, %c0_i32_1 : i32, i32, i32
  }
  func.func @transform_5(%arg0: i32) -> (i32, i32, i32) {
    %c0_i32 = arith.constant 0 : i32
    %c0_i32_0 = arith.constant 0 : i32
    %c0_i32_1 = arith.constant 0 : i32
    %c0_i32_2 = arith.constant 0 : i32
    return %c0_i32, %c0_i32_0, %c0_i32_1 : i32, i32, i32
  }
  func.func @transform_6(%arg0: i32) -> (i32, i32, i32) {
    %c0_i32 = arith.constant 0 : i32
    %c0_i32_0 = arith.constant 0 : i32
    %c0_i32_1 = arith.constant 0 : i32
    %c0_i32_2 = arith.constant 0 : i32
    return %c0_i32, %c0_i32_0, %c0_i32_1 : i32, i32, i32
  }
  func.func @transform_7(%arg0: i32) -> (i32, i32, i32) {
    %c0_i32 = arith.constant 0 : i32
    %c0_i32_0 = arith.constant 0 : i32
    %c0_i32_1 = arith.constant 0 : i32
    %c0_i32_2 = arith.constant 0 : i32
    return %c0_i32, %c0_i32_0, %c0_i32_1 : i32, i32, i32
  }
  func.func @transform_8(%arg0: i32) -> (i32, i32, i32) {
    %c0_i32 = arith.constant 0 : i32
    %c0_i32_0 = arith.constant 0 : i32
    %c0_i32_1 = arith.constant 0 : i32
    return %c0_i32, %arg0, %c0_i32_0 : i32, i32, i32
  }
}

</mosaic_0001>

<sc_bundles>
// kernel: kernel.5.cloned.1.call-start
scs
__scs_entry_jumppad:
0x0: {  	(pc) =	sbr.rel $0x88, $3  }
0x1: {  	(tag) =	ssettag $0x0;
	lr =	simm.s32 $0x1  }
0x2: {  	[smem:$0x3F98] =	sst lr;
	_ =	strace $0xD0000000  }
0x3: {  	_ = 	snop  }
0x4: {  	_ = 	snop  }
0x5: {  	_ = 	snop  }
0x6: {  	_ = 	snop  }
0x7: {  	_ = 	snop  }
__scs_overlays_trampoline_lowered:
0x8: {  	[smem:$0x3FA7] =	sst s0  }
0x9: {  	[smem:$0x3FA8] =	sst s1  }
0xa: {  	[smem:$0x3FA9] =	sst s2  }
0xb: {  	[smem:$0x3FAA] =	sst s3  }
0xc: {  	[smem:$0x3FAB] =	sst s4  }
0xd: {  	[smem:$0x3FAC] =	sst s5  }
0xe: {  	[smem:$0x3FAD] =	sst s6  }
0xf: {  	[smem:$0x3FAE] =	sst s7  }
0x10: {  	[smem:$0x3FAF] =	sst s8  }
0x11: {  	[smem:$0x3FB0] =	sst s9;
	s0 =	simm.s32 @!p0 $0x0  }
0x12: {  	s1 =	sld [smem:$0x3F96];
	s0 =	simm.s32 @p0 $0x1  }
0x13: {  	[smem:$0x3FB1] =	sst s0;
	s0 =	simm.s32 @!p1 $0x0  }
0x14: {  	s2 =	sld [smem:$0x3F95];
	s0 =	simm.s32 @p1 $0x1  }
0x15: {  	[smem:$0x3FB2] =	sst s0;
	s0 =	simm.s32 @!p2 $0x0  }
0x16: {  	s3 =	sld [smem:$0x3FDB];
	s0 =	simm.s32 @p2 $0x1  }
0x17: {  	s4 =	simm.s32 $0x1BF5;
	[smem:$0x3FB4] =	sst s0  }
0x18: {  	s0 =	sld [smem:$0x3F97];
	_ =	swait.ge [sflag:s4], $0x0  }
0x19: {  	s7 =	sld [smem:$0x3F98]  }
0x1a: {  	s8 =	sadd.s32 $0xFFFFE003, lr  }
0x1b: {  	s9 =	sadd.s32 $0xFFFFFEF7, lr;
	s5 =	simm.s32 $0xFFFFFFFF;
	p2 =	slt.u32 s8, $0xFFFFF086  }
0x1c: {  	p1 =	slt.u32 s9, $0xF7A;
	s5 =	simm.s32 @!p2 $0x0  }
0x1d: {  	s5 =	simm.s32 @p1 $0x1;
	p0 =	seq.s32 s7, s2  }
0x1e: {  	s7 =	smul.u32 @!p0 $0xF7A, s2;
	p2 =	seq.s32 @!p0 s5, $0x0  }
0x1f: {  	s9 =	smul.u32 $0xF7A, s1;
	s8 =	simm.s32 @!p0 $0x1BF5;
	p2 =	por !p2, p0  }
0x20: {  	[sflag:s8] =	ssyncset.s32 @!p0 $0xFFFFF086;
	s6 =	sadd.s32 @!p0 s3, s7;
	s7 =	simm.s32 @!p0 $0x108  }
0x21: {  	s3 =	sadd.s32 s3, s9;
	s6 =	sadd.s32 @!p0 $0x88, s6;
	s7 =	simm.s32 @p2 $0x1082  }
0x22: {  	[simem:s7], [sflag:s8] =	dma.local @!p0 [hbm:s6], $0xF7A  }
0x23: {  	s9 =	sor.u32 $0xD0000000, s2;
	s6 =	simm.s32 $0x108;
	_ =	swait.ge @!p0 [sflag:s8], $0x0  }
0x24: {  	s3 =	sadd.s32 $0x88, s3;
	s6 =	simm.s32 @!p1 $0x1082;
	[sflag:s4] =	ssyncset.s32 $0xFFFFF086  }
0x25: {  	[simem:s6], [sflag:s4] =	dma.local [hbm:s3], $0xF7A  }
0x26: {  	[smem:$0x3F98] =	sst s1;
	(tag) =	ssettag s2;
	_ =	strace s9  }
0x27: {  	s1 =	sld [smem:$0x3FA8]  }
0x28: {  	s2 =	sld [smem:$0x3FA9]  }
0x29: {  	s4 =	sld [smem:$0x3FAB]  }
0x2a: {  	p0 =	seq.s32 s5, $0x0;
	s5 =	sld [smem:$0x3FAC]  }
0x2b: {  	s6 =	sld [smem:$0x3FAD]  }
0x2c: {  	s7 =	sld [smem:$0x3FAE]  }
0x2d: {  	s3 =	simm.s32 $0x108;
	s8 =	sld [smem:$0x3FAF]  }
0x2e: {  	s3 =	simm.s32 @!p0 $0x1082;
	s9 =	sld [smem:$0x3FB0]  }
0x2f: {  	lr =	sadd.s32 s0, s3;
	s0 =	sld [smem:$0x3FA7]  }
0x30: {  	s3 =	sld [smem:$0x3FAA]  }
0x31: {  	[smem:$0x3FB3] =	sst s10  }
0x32: {  	s10 =	sld [smem:$0x3FB1];
	_ =	sdelay $0x3  }
0x33: {  	p0 =	seq.s32 s10, $0x1;
	s10 =	sld [smem:$0x3FB3];
	_ =	sdelay $0x3  }
0x34: {  	[smem:$0x3FB3] =	sst s10  }
0x35: {  	s10 =	sld [smem:$0x3FB2];
	_ =	sdelay $0x3  }
0x36: {  	p1 =	seq.s32 s10, $0x1;
	s10 =	sld [smem:$0x3FB3];
	_ =	sdelay $0x3  }
0x37: {  	[smem:$0x3FB3] =	sst s10  }
0x38: {  	s10 =	sld [smem:$0x3FB4]  }
0x39: {  	_ = 	snop;
	(pc) =	sbr.ind lr, $3  }
0x3a: {  	_ = 	snop  }
0x3b: {  	_ = 	snop  }
0x3c: {  	p2 =	seq.s32 s10, $0x1;
	s10 =	sld [smem:$0x3FB3]  }
0x3d: {  	_ =	shalt  }
0x3e: {  	_ =	shalt  }
0x3f: {  	_ =	shalt  }
0x40: {  	_ =	shalt  }
0x41: {  	_ =	shalt  }
0x42: {  	_ =	shalt  }
0x43: {  	_ =	shalt  }
0x44: {  	_ =	shalt  }
0x45: {  	_ =	shalt  }
0x46: {  	_ =	shalt  }
0x47: {  	_ =	shalt  }
0x48: {  	_ =	shalt  }
0x49: {  	_ =	shalt  }
0x4a: {  	_ =	shalt  }
0x4b: {  	_ =	shalt  }
0x4c: {  	_ =	shalt  }
0x4d: {  	_ =	shalt  }
0x4e: {  	_ =	shalt  }
0x4f: {  	_ =	shalt  }
0x50: {  	_ =	shalt  }
0x51: {  	_ =	shalt  }
0x52: {  	_ =	shalt  }
0x53: {  	_ =	shalt  }
0x54: {  	_ =	shalt  }
0x55: {  	_ =	shalt  }
0x56: {  	_ =	shalt  }
0x57: {  	_ =	shalt  }
0x58: {  	_ =	shalt  }
0x59: {  	_ =	shalt  }
0x5a: {  	_ =	shalt  }
0x5b: {  	_ =	shalt  }
0x5c: {  	_ =	shalt  }
0x5d: {  	_ =	shalt  }
0x5e: {  	_ =	shalt  }
0x5f: {  	_ =	shalt  }
0x60: {  	_ =	shalt  }
0x61: {  	_ =	shalt  }
0x62: {  	_ =	shalt  }
0x63: {  	_ =	shalt  }
0x64: {  	_ =	shalt  }
0x65: {  	_ =	shalt  }
0x66: {  	_ =	shalt  }
0x67: {  	_ =	shalt  }
0x68: {  	_ =	shalt  }
0x69: {  	_ =	shalt  }
0x6a: {  	_ =	shalt  }
0x6b: {  	_ =	shalt  }
0x6c: {  	_ =	shalt  }
0x6d: {  	_ =	shalt  }
0x6e: {  	_ =	shalt  }
0x6f: {  	_ =	shalt  }
0x70: {  	_ =	shalt  }
0x71: {  	_ =	shalt  }
0x72: {  	_ =	shalt  }
0x73: {  	_ =	shalt  }
0x74: {  	_ =	shalt  }
0x75: {  	_ =	shalt  }
0x76: {  	_ =	shalt  }
0x77: {  	_ =	shalt  }
0x78: {  	_ =	shalt  }
0x79: {  	_ =	shalt  }
0x7a: {  	_ =	shalt  }
0x7b: {  	_ =	shalt  }
0x7c: {  	_ =	shalt  }
0x7d: {  	_ =	shalt  }
0x7e: {  	_ =	shalt  }
0x7f: {  	_ =	shalt  }
0x80: {  	_ =	shalt  }
0x81: {  	_ =	shalt  }
0x82: {  	_ =	shalt  }
0x83: {  	_ =	shalt  }
0x84: {  	_ =	shalt  }
0x85: {  	_ =	shalt  }
0x86: {  	_ =	shalt  }
0x87: {  	_ =	shalt  }
.Lfunc_end0:
.L_simem_size_0:
called_computation_lowered:
.L_overlay_start_0:
0x88: {  	s2 =	sld [smem:$0x3FD9]  }
0x89: {  	s3 =	sld [smem:$0x3FFE];
	_ =	sdelay $0x1  }
0x8a: {  	s1 =	srdreg.scid  }
0x8b: {  	s0 =	sand.u32 $0x1, s1  }
0x8c: {  	s17 =	sshll.u32 s0, $0xA;
	s2 =	sadd.s32 s3, s2  }
0x8d: {  	s2 =	sadd.s32 s2, s17  }
0x8e: {  	[smem:$0x3FBF] =	sst s2  }
0x8f: {  	_ = 	snop  }
0x90: {  	s2 =	sld [smem:$0x3FD0];
	(tm) =	ssettm $0x1  }
0x91: {  	s18 =	sld [smem:$0x3FFB];
	_ =	sdelay $0x3  }
0x92: {  	_ =	strace s18  }
0x93: {  	s3 =	sld [smem:$0x3FFC];
	_ =	sdelay $0x3  }
0x94: {  	_ =	strace s3  }
0x95: {  	s3 =	sld [smem:$0x3FFD];
	_ =	sdelay $0x3  }
0x96: {  	_ =	strace s3  }
0x97: {  	_ =	strace $0x8FFFFFFF  }
0x98: {  	s19 =	sld [smem:$0x3FDB];
	_ =	sdelay $0x1  }
0x99: {  	s4 =	simm.s32 $_scs_section_size  }
0x9a: {  	s5 =	simm.s32 $_size__tile_overlayer_lowered;
	s6 =	simm.s32 $_tile_overlayer_lowered  }
0x9b: {  	s22 =	simm.s32 $0x1BFF;
	s21 =	sshll.u32 s6, $0x1;
	s3 =	sadd.s32 s4, s19  }
0x9c: {  	s7 =	simm.s32 $0x0;
	s20 =	sshll.u32 s5, $0x1;
	s5 =	sadd.s32 s21, s3  }
0x9d: {  	[timem:s7], [sflag:s22] =	dma.local [hbm:s5], s20  }
0x9e: {  	_ =	swait.ge [sflag:s22], s20  }
0x9f: {  	s4 =	ssub.s32 $0x0, s20;
	[sflag:s22] =	ssyncset.done $0x0  }
0xa0: {  	[sflag:s22] =	ssyncadd.s32 s4;
	_ =	sdelay $0x1  }
0xa1: {  	s23 =	simm.s32 $0x1B8B  }
0xa2: {  	_ =	swait.ge [sflag:s23], $0x1  }
0xa3: {  	[sflag:s23] =	ssyncset.done $0x0  }
0xa4: {  	s25 =	simm.s32 $0x1B8E;
	s24 =	sld [smem:$0x3FFE];
	[sflag:s23] =	ssyncadd.s32 $0xFFFFFFFF  }
0xa5: {  	s26 =	simm.s32 $execute0_lowered;
	[smem:$0x3FD2] =	sst s25  }
0xa6: {  	s5 =	sshll.u32 s26, $0x1;
	_ =	strace $0x80000046;
	[dreg:$0x1] =	wrdreg $0xFFFFFFFF  }
0xa7: {  	s28 =	simm.s32 $_size_execute0_lowered;
	s3 =	sadd.s32 s3, s5;
	[dreg:$0x0] =	wrdreg $0x0  }
0xa8: {  	s5 =	sshll.u32 s28, $0x1;
	[dreg:$0x2] =	wrdreg s3  }
0xa9: {  	[dreg:$0x3] =	wrdreg s5  }
0xaa: {  	[dreg:$0x4] =	wrdreg $0xC0  }
0xab: {  	_ =	task [dreg:s7], $0x5FFFF  }
0xac: {  	[dreg:$0x1] =	wrdreg $0xFFFFFFFF  }
0xad: {  	[dreg:$0x0] =	wrdreg $0x60  }
0xae: {  	[dreg:$0x2] =	wrdreg s24  }
0xaf: {  	[dreg:$0x3] =	wrdreg s2  }
0xb0: {  	[dreg:$0x4] =	wrdreg $0x9  }
0xb1: {  	_ =	task.clear_ibuf [dreg:s7], $0x5FFFF;
	_ =	strace $0x90000046  }
0xb2: {  	s29 =	simm.s32 $0x9;
	_ =	strace $0x80000048  }
0xb3: {  	_ =	swait.ge [sflag:s29], $0x1  }
0xb4: {  	[sflag:s29] =	ssyncadd.s32 $0xFFFFFFFF  }
0xb5: {  	_ =	strace $0x90000048  }
0xb6: {  	_ =	sfence  }
0xb7: {  	s30 =	sld [smem:$0x0];
	_ =	sdelay $0x2  }
0xb8: {  	s31 =	sshll.u32 s1, $0xD;
	s1 =	sshrl.u32 s1, $0x2  }
0xb9: {  	s3 =	sand.u32 $0x4000, s31;
	s1 =	sadd.s32 s1, s30  }
0xba: {  	s0 =	sor.u32 s3, s0;
	s1 =	sshll.u32 s1, $0x11  }
0xbb: {  	s0 =	sor.u32 s1, s0  }
0xbc: {  	s0 =	sadd.s32 $0x8F2B, s0  }
0xbd: {  	[sflag:s0] =	ssyncadd.remote.s32 $0x1  }
0xbe: {  	_ =	sfence.sel $0xFFFF  }
0xbf: {  	[dreg:$0x0] =	wrdreg $0xFFFFFFFF;
	(pc) =	sbr.abs _section_cstart, $3  }
0xc0: {  	[dreg:$0x1] =	wrdreg $0xFFFFFFFF  }
0xc1: {  	_ =	task.clear_ibuf [dreg:s7], $0x2FFFF;
	_ =	strace $0x9FFFFFFF  }
0xc2: {  	(tm) =	ssettm $0x7FFFFFFF  }
0xc3: {  	_ =	shalt  }
tec
execute0_lowered:
.L_overlay_start_1:
0x0: {  	(tag) =	ssettag $0x1  }
0x1: {  	s4 =	rddreg [dreg:$0x0]  }
0x2: {  	s0 =	srdreg.scid;
	s5 =	rddreg [dreg:$0x1]  }
0x3: {  	s1 =	stileid.u32;
	s2 =	simm.s32 $0x0;
	s10 =	simm.s32 $0x6800  }
0x4: {  	s11 =	simm.s32 $0x2;
	s12 =	simm.s32 $0x3;
	s3 =	sand.u32 $0x1, s0  }
0x5: {  	s13 =	simm.s32 $0xA800;
	s14 =	simm.s32 $0x4;
	s6 =	sshll.u32 s3, $0x4  }
0x6: {  	s15 =	simm.s32 $0x0;
	s0 =	rddreg [dreg:$0x2];
	s6 =	sor.u32 s1, s6  }
0x7: {  	[smem:$0x7FF] =	sst s2;
	s8 =	ssub.s32 $0x2, s3;
	s7 =	smul.u32 $0x2800, s6  }
0x8: {  	_ =	strace $0x80000047;
	s9 =	sshrl.u32 s8, $0x1;
	s6 =	smul.u32 $0x500, s6  }
0x9: {  	s3 =	sadd.s32 $0x2200, s4;
	s8 =	ssub.s32 s8, s9;
	s9 =	simm.s32 $0x2800  }
0xa: {  	s7 =	sadd.s32 s7, s4;
	s4 =	sadd.s32 s5, s6;
	s6 =	smax.u32 s8, $0x1  }
0xb: {  	s8 =	simm.s32 $0x80;
	s5 =	sadd.s32 $0x13AA00, s7;
	s7 =	simm.s32 $0x1  }
.LBB2_1:
0xc: {  	[tilespmem:s2], [sflag:$0x1] =	stream.linear.gather [hbm4b:s4+s2], $0x2800, $0x38;
	[tilespmem:$0x1E800] =	vst v63  }
0xd: {  	_ =	swait.ge [sflag:s7], $0x2800  }
0xe: {  	s16 =	simm.s32 $0xA870;
	[sflag:s7] =	ssyncset.done $0x0  }
0xf: {  	s17 =	simm.s32 $0xAC70;
	s18 =	simm.s32 $0x0;
	[sflag:s7] =	ssyncadd.s32 $0xFFFFD800  }
0x10: {  	[tilespmem:s9], [sflag:$0x2] =	stream.indirect.gather [hbm4b:s3+s8], $0x80, s2, s8, $0xb8;
	[tilespmem:$0x1E800] =	vst v63  }
.LBB2_2:
0x11: {  	s19 =	sshll.u32 s18, $0x8  }
0x12: {  	s19 =	sor.u32 $0x80, s19  }
0x13: {  	s19 =	sand.u32 $0x3FFFFF80, s19  }
0x14: {  	[tilespmem:s10], [sflag:$0x3] =	stream.indirect.gather [hbm4b:s3+s8], $0x80, s19, s8, $0xb8;
	[tilespmem:$0x1E800] =	vst v63  }
0x15: {  	_ =	swait.ge [sflag:s11], $0x4000  }
0x16: {  	[sflag:s11] =	ssyncset.done $0x0  }
0x17: {  	s19 =	simm.s32 $0x2C00;
	[sflag:s11] =	ssyncadd.s32 $0xFFFFC000  }
0x18: {  	v0 =	vld [tilespmem:s19+$0xFFFFFC80]  }
0x19: {  	v1 =	vld [tilespmem:s19+$0xFFFFFC00];
	_ =	sdelay $0x1  }
0x1a: {  	v2 =	vld [tilespmem:s19+$0xFFFFFD00];
	_ =	sdelay $0x1  }
0x1b: {  	v3 =	vld [tilespmem:s19+$0xFFFFFD80]  }
0x1c: {  	v0 =	vadd.f32 v0, v1  }
0x1d: {  	v1 =	vld [tilespmem:s19+$0xFFFFFE00]  }
0x1e: {  	v0 =	vadd.f32 v2, v0  }
0x1f: {  	v2 =	vld [tilespmem:s19+$0xFFFFFE80]  }
0x20: {  	v0 =	vadd.f32 v3, v0  }
0x21: {  	v3 =	vld [tilespmem:s19+$0xFFFFFF00]  }
0x22: {  	v0 =	vadd.f32 v1, v0  }
0x23: {  	v1 =	vld [tilespmem:s19+$0xFFFFFF80]  }
0x24: {  	v0 =	vadd.f32 v2, v0  }
0x25: {  	v2 =	vld [tilespmem:s19+$0x0]  }
0x26: {  	v0 =	vadd.f32 v3, v0  }
0x27: {  	v3 =	vld [tilespmem:s19+$0x80]  }
0x28: {  	v0 =	vadd.f32 v1, v0  }
0x29: {  	v1 =	vld [tilespmem:s19+$0x100]  }
0x2a: {  	v0 =	vadd.f32 v2, v0  }
0x2b: {  	v2 =	vld [tilespmem:s19+$0x180]  }
0x2c: {  	v0 =	vadd.f32 v3, v0  }
0x2d: {  	v3 =	vld [tilespmem:s19+$0x200]  }
0x2e: {  	v0 =	vadd.f32 v1, v0  }
0x2f: {  	v1 =	vld [tilespmem:s19+$0x280]  }
0x30: {  	v0 =	vadd.f32 v2, v0  }
0x31: {  	v2 =	vld [tilespmem:s19+$0x300]  }
0x32: {  	v0 =	vadd.f32 v3, v0  }
0x33: {  	v3 =	vld [tilespmem:s19+$0x380]  }
0x34: {  	v0 =	vadd.f32 v1, v0;
	_ =	sdelay $0x1  }
0x35: {  	v1 =	vadd.f32 v2, v0  }
0x36: {  	v0 =	vmov s16  }
0x37: {  	v1 =	vadd.f32 v3, v1;
	_ =	sdelay $0x1  }
0x38: {  	v1 =	vmul.f32 $6.250000000e-02, v1  }
0x39: {  	s20 =	simm.s32 $0x0  }
0x3a: {  	[tilespmem:v0+s20+$0xFFFFFF90 ss:$0x1] =	vst.idx.msk $0xffff, v1  }
0x3b: {  	v1 =	vld [tilespmem:s19+$0xFFFFFC10]  }
0x3c: {  	v2 =	vld [tilespmem:s19+$0xFFFFFC90];
	_ =	sdelay $0x1  }
0x3d: {  	v3 =	vld [tilespmem:s19+$0xFFFFFD10];
	_ =	sdelay $0x1  }
0x3e: {  	v4 =	vld [tilespmem:s19+$0xFFFFFD90]  }
0x3f: {  	v1 =	vadd.f32 v2, v1  }
0x40: {  	v2 =	vld [tilespmem:s19+$0xFFFFFE10]  }
0x41: {  	v1 =	vadd.f32 v3, v1  }
0x42: {  	v3 =	vld [tilespmem:s19+$0xFFFFFE90]  }
0x43: {  	v1 =	vadd.f32 v4, v1  }
0x44: {  	v4 =	vld [tilespmem:s19+$0xFFFFFF10]  }
0x45: {  	v1 =	vadd.f32 v2, v1  }
0x46: {  	v2 =	vld [tilespmem:s19+$0xFFFFFF90]  }
0x47: {  	v1 =	vadd.f32 v3, v1  }
0x48: {  	v3 =	vld [tilespmem:s19+$0x10]  }
0x49: {  	v1 =	vadd.f32 v4, v1  }
0x4a: {  	v4 =	vld [tilespmem:s19+$0x90]  }
0x4b: {  	v1 =	vadd.f32 v2, v1  }
0x4c: {  	v2 =	vld [tilespmem:s19+$0x110]  }
0x4d: {  	v1 =	vadd.f32 v3, v1  }
0x4e: {  	v3 =	vld [tilespmem:s19+$0x190]  }
0x4f: {  	v1 =	vadd.f32 v4, v1  }
0x50: {  	v4 =	vld [tilespmem:s19+$0x210]  }
0x51: {  	v1 =	vadd.f32 v2, v1  }
0x52: {  	v2 =	vld [tilespmem:s19+$0x290]  }
0x53: {  	v1 =	vadd.f32 v3, v1  }
0x54: {  	v3 =	vld [tilespmem:s19+$0x310]  }
0x55: {  	v1 =	vadd.f32 v4, v1  }
0x56: {  	v4 =	vld [tilespmem:s19+$0x390]  }
0x57: {  	v1 =	vadd.f32 v2, v1;
	_ =	sdelay $0x1  }
0x58: {  	v1 =	vadd.f32 v3, v1;
	_ =	sdelay $0x1  }
0x59: {  	v1 =	vadd.f32 v4, v1;
	_ =	sdelay $0x1  }
0x5a: {  	v1 =	vmul.f32 $6.250000000e-02, v1;
	_ =	sdelay $0x1  }
0x5b: {  	[tilespmem:v0+s20+$0xFFFFFFA0 ss:$0x1] =	vst.idx.msk $0xffff, v1  }
0x5c: {  	v1 =	vld [tilespmem:s19+$0xFFFFFC20]  }
0x5d: {  	v2 =	vld [tilespmem:s19+$0xFFFFFCA0];
	_ =	sdelay $0x1  }
0x5e: {  	v3 =	vld [tilespmem:s19+$0xFFFFFD20];
	_ =	sdelay $0x1  }
0x5f: {  	v4 =	vld [tilespmem:s19+$0xFFFFFDA0]  }
0x60: {  	v1 =	vadd.f32 v2, v1  }
0x61: {  	v2 =	vld [tilespmem:s19+$0xFFFFFE20]  }
0x62: {  	v1 =	vadd.f32 v3, v1  }
0x63: {  	v3 =	vld [tilespmem:s19+$0xFFFFFEA0]  }
0x64: {  	v1 =	vadd.f32 v4, v1  }
0x65: {  	v4 =	vld [tilespmem:s19+$0xFFFFFF20]  }
0x66: {  	v1 =	vadd.f32 v2, v1  }
0x67: {  	v2 =	vld [tilespmem:s19+$0xFFFFFFA0]  }
0x68: {  	v1 =	vadd.f32 v3, v1  }
0x69: {  	v3 =	vld [tilespmem:s19+$0x20]  }
0x6a: {  	v1 =	vadd.f32 v4, v1  }
0x6b: {  	v4 =	vld [tilespmem:s19+$0xA0]  }
0x6c: {  	v1 =	vadd.f32 v2, v1  }
0x6d: {  	v2 =	vld [tilespmem:s19+$0x120]  }
0x6e: {  	v1 =	vadd.f32 v3, v1  }
0x6f: {  	v3 =	vld [tilespmem:s19+$0x1A0]  }
0x70: {  	v1 =	vadd.f32 v4, v1  }
0x71: {  	v4 =	vld [tilespmem:s19+$0x220]  }
0x72: {  	v1 =	vadd.f32 v2, v1  }
0x73: {  	v2 =	vld [tilespmem:s19+$0x2A0]  }
0x74: {  	v1 =	vadd.f32 v3, v1  }
0x75: {  	v3 =	vld [tilespmem:s19+$0x320]  }
0x76: {  	v1 =	vadd.f32 v4, v1  }
0x77: {  	v4 =	vld [tilespmem:s19+$0x3A0]  }
0x78: {  	v1 =	vadd.f32 v2, v1;
	_ =	sdelay $0x1  }
0x79: {  	v1 =	vadd.f32 v3, v1;
	_ =	sdelay $0x1  }
0x7a: {  	v1 =	vadd.f32 v4, v1;
	_ =	sdelay $0x1  }
0x7b: {  	v1 =	vmul.f32 $6.250000000e-02, v1;
	_ =	sdelay $0x1  }
0x7c: {  	[tilespmem:v0+s20+$0xFFFFFFB0 ss:$0x1] =	vst.idx.msk $0xffff, v1  }
0x7d: {  	v1 =	vld [tilespmem:s19+$0xFFFFFC30]  }
0x7e: {  	v2 =	vld [tilespmem:s19+$0xFFFFFCB0];
	_ =	sdelay $0x1  }
0x7f: {  	v3 =	vld [tilespmem:s19+$0xFFFFFD30];
	_ =	sdelay $0x1  }
0x80: {  	v4 =	vld [tilespmem:s19+$0xFFFFFDB0]  }
0x81: {  	v1 =	vadd.f32 v2, v1  }
0x82: {  	v2 =	vld [tilespmem:s19+$0xFFFFFE30]  }
0x83: {  	v1 =	vadd.f32 v3, v1  }
0x84: {  	v3 =	vld [tilespmem:s19+$0xFFFFFEB0]  }
0x85: {  	v1 =	vadd.f32 v4, v1  }
0x86: {  	v4 =	vld [tilespmem:s19+$0xFFFFFF30]  }
0x87: {  	v1 =	vadd.f32 v2, v1  }
0x88: {  	v2 =	vld [tilespmem:s19+$0xFFFFFFB0]  }
0x89: {  	v1 =	vadd.f32 v3, v1  }
0x8a: {  	v3 =	vld [tilespmem:s19+$0x30]  }
0x8b: {  	v1 =	vadd.f32 v4, v1  }
0x8c: {  	v4 =	vld [tilespmem:s19+$0xB0]  }
0x8d: {  	v1 =	vadd.f32 v2, v1  }
0x8e: {  	v2 =	vld [tilespmem:s19+$0x130]  }
0x8f: {  	v1 =	vadd.f32 v3, v1  }
0x90: {  	v3 =	vld [tilespmem:s19+$0x1B0]  }
0x91: {  	v1 =	vadd.f32 v4, v1  }
0x92: {  	v4 =	vld [tilespmem:s19+$0x230]  }
0x93: {  	v1 =	vadd.f32 v2, v1  }
0x94: {  	v2 =	vld [tilespmem:s19+$0x2B0]  }
0x95: {  	v1 =	vadd.f32 v3, v1  }
0x96: {  	v3 =	vld [tilespmem:s19+$0x330]  }
0x97: {  	v1 =	vadd.f32 v4, v1  }
0x98: {  	v4 =	vld [tilespmem:s19+$0x3B0]  }
0x99: {  	v1 =	vadd.f32 v2, v1;
	_ =	sdelay $0x1  }
0x9a: {  	v1 =	vadd.f32 v3, v1;
	_ =	sdelay $0x1  }
0x9b: {  	v1 =	vadd.f32 v4, v1;
	_ =	sdelay $0x1  }
0x9c: {  	v1 =	vmul.f32 $6.250000000e-02, v1;
	_ =	sdelay $0x1  }
0x9d: {  	[tilespmem:v0+s20+$0xFFFFFFC0 ss:$0x1] =	vst.idx.msk $0xffff, v1  }
0x9e: {  	v1 =	vld [tilespmem:s19+$0xFFFFFC40]  }
0x9f: {  	v2 =	vld [tilespmem:s19+$0xFFFFFCC0];
	_ =	sdelay $0x1  }
0xa0: {  	v3 =	vld [tilespmem:s19+$0xFFFFFD40];
	_ =	sdelay $0x1  }
0xa1: {  	v4 =	vld [tilespmem:s19+$0xFFFFFDC0]  }
0xa2: {  	v1 =	vadd.f32 v2, v1  }
0xa3: {  	v2 =	vld [tilespmem:s19+$0xFFFFFE40]  }
0xa4: {  	v1 =	vadd.f32 v3, v1  }
0xa5: {  	v3 =	vld [tilespmem:s19+$0xFFFFFEC0]  }
0xa6: {  	v1 =	vadd.f32 v4, v1  }
0xa7: {  	v4 =	vld [tilespmem:s19+$0xFFFFFF40]  }
0xa8: {  	v1 =	vadd.f32 v2, v1  }
0xa9: {  	v2 =	vld [tilespmem:s19+$0xFFFFFFC0]  }
0xaa: {  	v1 =	vadd.f32 v3, v1  }
0xab: {  	v3 =	vld [tilespmem:s19+$0x40]  }
0xac: {  	v1 =	vadd.f32 v4, v1  }
0xad: {  	v4 =	vld [tilespmem:s19+$0xC0]  }
0xae: {  	v1 =	vadd.f32 v2, v1  }
0xaf: {  	v2 =	vld [tilespmem:s19+$0x140]  }
0xb0: {  	v1 =	vadd.f32 v3, v1  }
0xb1: {  	v3 =	vld [tilespmem:s19+$0x1C0]  }
0xb2: {  	v1 =	vadd.f32 v4, v1  }
0xb3: {  	v4 =	vld [tilespmem:s19+$0x240]  }
0xb4: {  	v1 =	vadd.f32 v2, v1  }
0xb5: {  	v2 =	vld [tilespmem:s19+$0x2C0]  }
0xb6: {  	v1 =	vadd.f32 v3, v1  }
0xb7: {  	v3 =	vld [tilespmem:s19+$0x340]  }
0xb8: {  	v1 =	vadd.f32 v4, v1  }
0xb9: {  	v4 =	vld [tilespmem:s19+$0x3C0]  }
0xba: {  	v1 =	vadd.f32 v2, v1;
	_ =	sdelay $0x1  }
0xbb: {  	v1 =	vadd.f32 v3, v1;
	_ =	sdelay $0x1  }
0xbc: {  	v1 =	vadd.f32 v4, v1;
	_ =	sdelay $0x1  }
0xbd: {  	v1 =	vmul.f32 $6.250000000e-02, v1;
	_ =	sdelay $0x1  }
0xbe: {  	[tilespmem:v0+s20+$0xFFFFFFD0 ss:$0x1] =	vst.idx.msk $0xffff, v1  }
0xbf: {  	v1 =	vld [tilespmem:s19+$0xFFFFFC50]  }
0xc0: {  	v2 =	vld [tilespmem:s19+$0xFFFFFCD0];
	_ =	sdelay $0x1  }
0xc1: {  	v3 =	vld [tilespmem:s19+$0xFFFFFD50];
	_ =	sdelay $0x1  }
0xc2: {  	v4 =	vld [tilespmem:s19+$0xFFFFFDD0]  }
0xc3: {  	v1 =	vadd.f32 v2, v1  }
0xc4: {  	v2 =	vld [tilespmem:s19+$0xFFFFFE50]  }
0xc5: {  	v1 =	vadd.f32 v3, v1  }
0xc6: {  	v3 =	vld [tilespmem:s19+$0xFFFFFED0]  }
0xc7: {  	v1 =	vadd.f32 v4, v1  }
0xc8: {  	v4 =	vld [tilespmem:s19+$0xFFFFFF50]  }
0xc9: {  	v1 =	vadd.f32 v2, v1  }
0xca: {  	v2 =	vld [tilespmem:s19+$0xFFFFFFD0]  }
0xcb: {  	v1 =	vadd.f32 v3, v1  }
0xcc: {  	v3 =	vld [tilespmem:s19+$0x50]  }
0xcd: {  	v1 =	vadd.f32 v4, v1  }
0xce: {  	v4 =	vld [tilespmem:s19+$0xD0]  }
0xcf: {  	v1 =	vadd.f32 v2, v1  }
0xd0: {  	v2 =	vld [tilespmem:s19+$0x150]  }
0xd1: {  	v1 =	vadd.f32 v3, v1  }
0xd2: {  	v3 =	vld [tilespmem:s19+$0x1D0]  }
0xd3: {  	v1 =	vadd.f32 v4, v1  }
0xd4: {  	v4 =	vld [tilespmem:s19+$0x250]  }
0xd5: {  	v1 =	vadd.f32 v2, v1  }
0xd6: {  	v2 =	vld [tilespmem:s19+$0x2D0]  }
0xd7: {  	v1 =	vadd.f32 v3, v1  }
0xd8: {  	v3 =	vld [tilespmem:s19+$0x350]  }
0xd9: {  	v1 =	vadd.f32 v4, v1  }
0xda: {  	v4 =	vld [tilespmem:s19+$0x3D0]  }
0xdb: {  	v1 =	vadd.f32 v2, v1;
	_ =	sdelay $0x1  }
0xdc: {  	v1 =	vadd.f32 v3, v1;
	_ =	sdelay $0x1  }
0xdd: {  	v1 =	vadd.f32 v4, v1;
	_ =	sdelay $0x1  }
0xde: {  	v1 =	vmul.f32 $6.250000000e-02, v1;
	_ =	sdelay $0x1  }
0xdf: {  	[tilespmem:v0+s20+$0xFFFFFFE0 ss:$0x1] =	vst.idx.msk $0xffff, v1  }
0xe0: {  	v1 =	vld [tilespmem:s19+$0xFFFFFC60]  }
0xe1: {  	v2 =	vld [tilespmem:s19+$0xFFFFFCE0];
	_ =	sdelay $0x1  }
0xe2: {  	v3 =	vld [tilespmem:s19+$0xFFFFFD60];
	_ =	sdelay $0x1  }
0xe3: {  	v4 =	vld [tilespmem:s19+$0xFFFFFDE0]  }
0xe4: {  	v1 =	vadd.f32 v2, v1  }
0xe5: {  	v2 =	vld [tilespmem:s19+$0xFFFFFE60]  }
0xe6: {  	v1 =	vadd.f32 v3, v1  }
0xe7: {  	v3 =	vld [tilespmem:s19+$0xFFFFFEE0]  }
0xe8: {  	v1 =	vadd.f32 v4, v1  }
0xe9: {  	v4 =	vld [tilespmem:s19+$0xFFFFFF60]  }
0xea: {  	v1 =	vadd.f32 v2, v1  }
0xeb: {  	v2 =	vld [tilespmem:s19+$0xFFFFFFE0]  }
0xec: {  	v1 =	vadd.f32 v3, v1  }
0xed: {  	v3 =	vld [tilespmem:s19+$0x60]  }
0xee: {  	v1 =	vadd.f32 v4, v1  }
0xef: {  	v4 =	vld [tilespmem:s19+$0xE0]  }
0xf0: {  	v1 =	vadd.f32 v2, v1  }
0xf1: {  	v2 =	vld [tilespmem:s19+$0x160]  }
0xf2: {  	v1 =	vadd.f32 v3, v1  }
0xf3: {  	v3 =	vld [tilespmem:s19+$0x1E0]  }
0xf4: {  	v1 =	vadd.f32 v4, v1  }
0xf5: {  	v4 =	vld [tilespmem:s19+$0x260]  }
0xf6: {  	v1 =	vadd.f32 v2, v1  }
0xf7: {  	v2 =	vld [tilespmem:s19+$0x2E0]  }
0xf8: {  	v1 =	vadd.f32 v3, v1  }
0xf9: {  	v3 =	vld [tilespmem:s19+$0x360]  }
0xfa: {  	v1 =	vadd.f32 v4, v1  }
0xfb: {  	v4 =	vld [tilespmem:s19+$0x3E0]  }
0xfc: {  	v1 =	vadd.f32 v2, v1;
	_ =	sdelay $0x1  }
0xfd: {  	v1 =	vadd.f32 v3, v1;
	_ =	sdelay $0x1  }
0xfe: {  	v1 =	vadd.f32 v4, v1;
	_ =	sdelay $0x1  }
0xff: {  	v1 =	vmul.f32 $6.250000000e-02, v1;
	_ =	sdelay $0x1  }
0x100: {  	[tilespmem:v0+s20+$0xFFFFFFF0 ss:$0x1] =	vst.idx.msk $0xffff, v1  }
0x101: {  	v1 =	vld [tilespmem:s19+$0xFFFFFC70]  }
0x102: {  	v2 =	vld [tilespmem:s19+$0xFFFFFCF0];
	_ =	sdelay $0x1  }
0x103: {  	v3 =	vld [tilespmem:s19+$0xFFFFFD70];
	_ =	sdelay $0x1  }
0x104: {  	v4 =	vld [tilespmem:s19+$0xFFFFFDF0]  }
0x105: {  	v1 =	vadd.f32 v2, v1  }
0x106: {  	v2 =	vld [tilespmem:s19+$0xFFFFFE70]  }
0x107: {  	v1 =	vadd.f32 v3, v1  }
0x108: {  	v3 =	vld [tilespmem:s19+$0xFFFFFEF0]  }
0x109: {  	v1 =	vadd.f32 v4, v1  }
0x10a: {  	v4 =	vld [tilespmem:s19+$0xFFFFFF70]  }
0x10b: {  	v1 =	vadd.f32 v2, v1  }
0x10c: {  	v2 =	vld [tilespmem:s19+$0xFFFFFFF0]  }
0x10d: {  	v1 =	vadd.f32 v3, v1  }
0x10e: {  	v3 =	vld [tilespmem:s19+$0x70]  }
0x10f: {  	v1 =	vadd.f32 v4, v1  }
0x110: {  	v4 =	vld [tilespmem:s19+$0xF0]  }
0x111: {  	v1 =	vadd.f32 v2, v1  }
0x112: {  	v2 =	vld [tilespmem:s19+$0x170]  }
0x113: {  	v1 =	vadd.f32 v3, v1  }
0x114: {  	v5 =	vld [tilespmem:s19+$0x1F0]  }
0x115: {  	v1 =	vadd.f32 v4, v1  }
0x116: {  	v4 =	vld [tilespmem:s19+$0x270]  }
0x117: {  	v1 =	vadd.f32 v2, v1  }
0x118: {  	v3 =	vld [tilespmem:s19+$0x2F0]  }
0x119: {  	v5 =	vadd.f32 v5, v1  }
0x11a: {  	v1 =	vld [tilespmem:s19+$0x370]  }
0x11b: {  	s21 =	simm.s32 $0x200;
	v2 =	vld [tilespmem:s19+$0x3F0];
	v4 =	vadd.f32 v4, v5  }
.LBB2_3:
0x11c: {  	p0 =	sne.s32 s21, $0xE00  }
0x11d: {  	s19 =	sadd.s32 $0x800, s19;
	s22 =	smov.u32 s21;
	s21 =	sadd.s32 $0x200, s21;
	v3 =	vadd.f32 v3, v4  }
0x11e: {  	_ = 	snop  }
0x11f: {  	v1 =	vadd.f32 v1, v3;
	_ =	sdelay $0x1  }
0x120: {  	v1 =	vadd.f32 v2, v1;
	_ =	sdelay $0x1  }
0x121: {  	v1 =	vmul.f32 $6.250000000e-02, v1;
	_ =	sdelay $0x1  }
0x122: {  	[tilespmem:v0+s20+$0x0 ss:$0x1] =	vst.idx.msk $0xffff, v1  }
0x123: {  	v1 =	vld [tilespmem:s19+$0xFFFFFC80]  }
0x124: {  	v2 =	vld [tilespmem:s19+$0xFFFFFC00]  }
0x125: {  	v3 =	vld [tilespmem:s19+$0xFFFFFD00];
	_ =	sdelay $0x2  }
0x126: {  	v4 =	vld [tilespmem:s19+$0xFFFFFD80]  }
0x127: {  	v1 =	vadd.f32 v1, v2  }
0x128: {  	v2 =	vld [tilespmem:s19+$0xFFFFFE00]  }
0x129: {  	v1 =	vadd.f32 v3, v1  }
0x12a: {  	v3 =	vld [tilespmem:s19+$0xFFFFFE80]  }
0x12b: {  	v1 =	vadd.f32 v4, v1  }
0x12c: {  	v4 =	vld [tilespmem:s19+$0xFFFFFF00]  }
0x12d: {  	v1 =	vadd.f32 v2, v1  }
0x12e: {  	v2 =	vld [tilespmem:s19+$0xFFFFFF80]  }
0x12f: {  	v1 =	vadd.f32 v3, v1  }
0x130: {  	v3 =	vld [tilespmem:s19+$0x0]  }
0x131: {  	v1 =	vadd.f32 v4, v1  }
0x132: {  	v4 =	vld [tilespmem:s19+$0x80]  }
0x133: {  	v1 =	vadd.f32 v2, v1  }
0x134: {  	v2 =	vld [tilespmem:s19+$0x100]  }
0x135: {  	v1 =	vadd.f32 v3, v1  }
0x136: {  	v3 =	vld [tilespmem:s19+$0x180]  }
0x137: {  	v1 =	vadd.f32 v4, v1  }
0x138: {  	v4 =	vld [tilespmem:s19+$0x200]  }
0x139: {  	v1 =	vadd.f32 v2, v1  }
0x13a: {  	v2 =	vld [tilespmem:s19+$0x280]  }
0x13b: {  	v1 =	vadd.f32 v3, v1  }
0x13c: {  	v3 =	vld [tilespmem:s19+$0x300]  }
0x13d: {  	v1 =	vadd.f32 v4, v1  }
0x13e: {  	v4 =	vld [tilespmem:s19+$0x380]  }
0x13f: {  	v1 =	vadd.f32 v2, v1;
	_ =	sdelay $0x1  }
0x140: {  	v1 =	vadd.f32 v3, v1;
	_ =	sdelay $0x1  }
0x141: {  	v1 =	vadd.f32 v4, v1;
	_ =	sdelay $0x1  }
0x142: {  	v1 =	vmul.f32 $6.250000000e-02, v1  }
0x143: {  	s20 =	sshra.s32 s22, $0x2  }
0x144: {  	[tilespmem:v0+s20+$0xFFFFFF90 ss:$0x1] =	vst.idx.msk $0xffff, v1  }
0x145: {  	v1 =	vld [tilespmem:s19+$0xFFFFFC10]  }
0x146: {  	v2 =	vld [tilespmem:s19+$0xFFFFFC90];
	_ =	sdelay $0x1  }
0x147: {  	v3 =	vld [tilespmem:s19+$0xFFFFFD10];
	_ =	sdelay $0x1  }
0x148: {  	v4 =	vld [tilespmem:s19+$0xFFFFFD90]  }
0x149: {  	v1 =	vadd.f32 v2, v1  }
0x14a: {  	v2 =	vld [tilespmem:s19+$0xFFFFFE10]  }
0x14b: {  	v1 =	vadd.f32 v3, v1  }
0x14c: {  	v3 =	vld [tilespmem:s19+$0xFFFFFE90]  }
0x14d: {  	v1 =	vadd.f32 v4, v1  }
0x14e: {  	v4 =	vld [tilespmem:s19+$0xFFFFFF10]  }
0x14f: {  	v1 =	vadd.f32 v2, v1  }
0x150: {  	v2 =	vld [tilespmem:s19+$0xFFFFFF90]  }
0x151: {  	v1 =	vadd.f32 v3, v1  }
0x152: {  	v3 =	vld [tilespmem:s19+$0x10]  }
0x153: {  	v1 =	vadd.f32 v4, v1  }
0x154: {  	v4 =	vld [tilespmem:s19+$0x90]  }
0x155: {  	v1 =	vadd.f32 v2, v1  }
0x156: {  	v2 =	vld [tilespmem:s19+$0x110]  }
0x157: {  	v1 =	vadd.f32 v3, v1  }
0x158: {  	v3 =	vld [tilespmem:s19+$0x190]  }
0x159: {  	v1 =	vadd.f32 v4, v1  }
0x15a: {  	v4 =	vld [tilespmem:s19+$0x210]  }
0x15b: {  	v1 =	vadd.f32 v2, v1  }
0x15c: {  	v2 =	vld [tilespmem:s19+$0x290]  }
0x15d: {  	v1 =	vadd.f32 v3, v1  }
0x15e: {  	v3 =	vld [tilespmem:s19+$0x310]  }
0x15f: {  	v1 =	vadd.f32 v4, v1  }
0x160: {  	v4 =	vld [tilespmem:s19+$0x390]  }
0x161: {  	v1 =	vadd.f32 v2, v1;
	_ =	sdelay $0x1  }
0x162: {  	v1 =	vadd.f32 v3, v1;
	_ =	sdelay $0x1  }
0x163: {  	v1 =	vadd.f32 v4, v1;
	_ =	sdelay $0x1  }
0x164: {  	v1 =	vmul.f32 $6.250000000e-02, v1;
	_ =	sdelay $0x1  }
0x165: {  	[tilespmem:v0+s20+$0xFFFFFFA0 ss:$0x1] =	vst.idx.msk $0xffff, v1  }
0x166: {  	v1 =	vld [tilespmem:s19+$0xFFFFFC20]  }
0x167: {  	v2 =	vld [tilespmem:s19+$0xFFFFFCA0];
	_ =	sdelay $0x1  }
0x168: {  	v3 =	vld [tilespmem:s19+$0xFFFFFD20];
	_ =	sdelay $0x1  }
0x169: {  	v4 =	vld [tilespmem:s19+$0xFFFFFDA0]  }
0x16a: {  	v1 =	vadd.f32 v2, v1  }
0x16b: {  	v2 =	vld [tilespmem:s19+$0xFFFFFE20]  }
0x16c: {  	v1 =	vadd.f32 v3, v1  }
0x16d: {  	v3 =	vld [tilespmem:s19+$0xFFFFFEA0]  }
0x16e: {  	v1 =	vadd.f32 v4, v1  }
0x16f: {  	v4 =	vld [tilespmem:s19+$0xFFFFFF20]  }
0x170: {  	v1 =	vadd.f32 v2, v1  }
0x171: {  	v2 =	vld [tilespmem:s19+$0xFFFFFFA0]  }
0x172: {  	v1 =	vadd.f32 v3, v1  }
0x173: {  	v3 =	vld [tilespmem:s19+$0x20]  }
0x174: {  	v1 =	vadd.f32 v4, v1  }
0x175: {  	v4 =	vld [tilespmem:s19+$0xA0]  }
0x176: {  	v1 =	vadd.f32 v2, v1  }
0x177: {  	v2 =	vld [tilespmem:s19+$0x120]  }
0x178: {  	v1 =	vadd.f32 v3, v1  }
0x179: {  	v3 =	vld [tilespmem:s19+$0x1A0]  }
0x17a: {  	v1 =	vadd.f32 v4, v1  }
0x17b: {  	v4 =	vld [tilespmem:s19+$0x220]  }
0x17c: {  	v1 =	vadd.f32 v2, v1  }
0x17d: {  	v2 =	vld [tilespmem:s19+$0x2A0]  }
0x17e: {  	v1 =	vadd.f32 v3, v1  }
0x17f: {  	v3 =	vld [tilespmem:s19+$0x320]  }
0x180: {  	v1 =	vadd.f32 v4, v1  }
0x181: {  	v4 =	vld [tilespmem:s19+$0x3A0]  }
0x182: {  	v1 =	vadd.f32 v2, v1;
	_ =	sdelay $0x1  }
0x183: {  	v1 =	vadd.f32 v3, v1;
	_ =	sdelay $0x1  }
0x184: {  	v1 =	vadd.f32 v4, v1;
	_ =	sdelay $0x1  }
0x185: {  	v1 =	vmul.f32 $6.250000000e-02, v1;
	_ =	sdelay $0x1  }
0x186: {  	[tilespmem:v0+s20+$0xFFFFFFB0 ss:$0x1] =	vst.idx.msk $0xffff, v1  }
0x187: {  	v1 =	vld [tilespmem:s19+$0xFFFFFC30]  }
0x188: {  	v2 =	vld [tilespmem:s19+$0xFFFFFCB0];
	_ =	sdelay $0x1  }
0x189: {  	v3 =	vld [tilespmem:s19+$0xFFFFFD30];
	_ =	sdelay $0x1  }
0x18a: {  	v4 =	vld [tilespmem:s19+$0xFFFFFDB0]  }
0x18b: {  	v1 =	vadd.f32 v2, v1  }
0x18c: {  	v2 =	vld [tilespmem:s19+$0xFFFFFE30]  }
0x18d: {  	v1 =	vadd.f32 v3, v1  }
0x18e: {  	v3 =	vld [tilespmem:s19+$0xFFFFFEB0]  }
0x18f: {  	v1 =	vadd.f32 v4, v1  }
0x190: {  	v4 =	vld [tilespmem:s19+$0xFFFFFF30]  }
0x191: {  	v1 =	vadd.f32 v2, v1  }
0x192: {  	v2 =	vld [tilespmem:s19+$0xFFFFFFB0]  }
0x193: {  	v1 =	vadd.f32 v3, v1  }
0x194: {  	v3 =	vld [tilespmem:s19+$0x30]  }
0x195: {  	v1 =	vadd.f32 v4, v1  }
0x196: {  	v4 =	vld [tilespmem:s19+$0xB0]  }
0x197: {  	v1 =	vadd.f32 v2, v1  }
0x198: {  	v2 =	vld [tilespmem:s19+$0x130]  }
0x199: {  	v1 =	vadd.f32 v3, v1  }
0x19a: {  	v3 =	vld [tilespmem:s19+$0x1B0]  }
0x19b: {  	v1 =	vadd.f32 v4, v1  }
0x19c: {  	v4 =	vld [tilespmem:s19+$0x230]  }
0x19d: {  	v1 =	vadd.f32 v2, v1  }
0x19e: {  	v2 =	vld [tilespmem:s19+$0x2B0]  }
0x19f: {  	v1 =	vadd.f32 v3, v1  }
0x1a0: {  	v3 =	vld [tilespmem:s19+$0x330]  }
0x1a1: {  	v1 =	vadd.f32 v4, v1  }
0x1a2: {  	v4 =	vld [tilespmem:s19+$0x3B0]  }
0x1a3: {  	v1 =	vadd.f32 v2, v1;
	_ =	sdelay $0x1  }
0x1a4: {  	v1 =	vadd.f32 v3, v1;
	_ =	sdelay $0x1  }
0x1a5: {  	v1 =	vadd.f32 v4, v1;
	_ =	sdelay $0x1  }
0x1a6: {  	v1 =	vmul.f32 $6.250000000e-02, v1;
	_ =	sdelay $0x1  }
0x1a7: {  	[tilespmem:v0+s20+$0xFFFFFFC0 ss:$0x1] =	vst.idx.msk $0xffff, v1  }
0x1a8: {  	v1 =	vld [tilespmem:s19+$0xFFFFFC40]  }
0x1a9: {  	v2 =	vld [tilespmem:s19+$0xFFFFFCC0];
	_ =	sdelay $0x1  }
0x1aa: {  	v3 =	vld [tilespmem:s19+$0xFFFFFD40];
	_ =	sdelay $0x1  }
0x1ab: {  	v4 =	vld [tilespmem:s19+$0xFFFFFDC0]  }
0x1ac: {  	v1 =	vadd.f32 v2, v1  }
0x1ad: {  	v2 =	vld [tilespmem:s19+$0xFFFFFE40]  }
0x1ae: {  	v1 =	vadd.f32 v3, v1  }
0x1af: {  	v3 =	vld [tilespmem:s19+$0xFFFFFEC0]  }
0x1b0: {  	v1 =	vadd.f32 v4, v1  }
0x1b1: {  	v4 =	vld [tilespmem:s19+$0xFFFFFF40]  }
0x1b2: {  	v1 =	vadd.f32 v2, v1  }
0x1b3: {  	v2 =	vld [tilespmem:s19+$0xFFFFFFC0]  }
0x1b4: {  	v1 =	vadd.f32 v3, v1  }
0x1b5: {  	v3 =	vld [tilespmem:s19+$0x40]  }
0x1b6: {  	v1 =	vadd.f32 v4, v1  }
0x1b7: {  	v4 =	vld [tilespmem:s19+$0xC0]  }
0x1b8: {  	v1 =	vadd.f32 v2, v1  }
0x1b9: {  	v2 =	vld [tilespmem:s19+$0x140]  }
0x1ba: {  	v1 =	vadd.f32 v3, v1  }
0x1bb: {  	v3 =	vld [tilespmem:s19+$0x1C0]  }
0x1bc: {  	v1 =	vadd.f32 v4, v1  }
0x1bd: {  	v4 =	vld [tilespmem:s19+$0x240]  }
0x1be: {  	v1 =	vadd.f32 v2, v1  }
0x1bf: {  	v2 =	vld [tilespmem:s19+$0x2C0]  }
0x1c0: {  	v1 =	vadd.f32 v3, v1  }
0x1c1: {  	v3 =	vld [tilespmem:s19+$0x340]  }
0x1c2: {  	v1 =	vadd.f32 v4, v1  }
0x1c3: {  	v4 =	vld [tilespmem:s19+$0x3C0]  }
0x1c4: {  	v1 =	vadd.f32 v2, v1;
	_ =	sdelay $0x1  }
0x1c5: {  	v1 =	vadd.f32 v3, v1;
	_ =	sdelay $0x1  }
0x1c6: {  	v1 =	vadd.f32 v4, v1;
	_ =	sdelay $0x1  }
0x1c7: {  	v1 =	vmul.f32 $6.250000000e-02, v1;
	_ =	sdelay $0x1  }
0x1c8: {  	[tilespmem:v0+s20+$0xFFFFFFD0 ss:$0x1] =	vst.idx.msk $0xffff, v1  }
0x1c9: {  	v1 =	vld [tilespmem:s19+$0xFFFFFC50]  }
0x1ca: {  	v2 =	vld [tilespmem:s19+$0xFFFFFCD0]  }
0x1cb: {  	v3 =	vld [tilespmem:s19+$0xFFFFFD50]  }
0x1cc: {  	v4 =	vld [tilespmem:s19+$0xFFFFFDD0]  }
0x1cd: {  	v5 =	vld [tilespmem:s19+$0xFFFFFE50]  }
0x1ce: {  	v6 =	vld [tilespmem:s19+$0xFFFFFED0]  }
0x1cf: {  	v1 =	vadd.f32 v2, v1;
	v2 =	vld [tilespmem:s19+$0xFFFFFF50]  }
0x1d0: {  	v7 =	vld [tilespmem:s19+$0xFFFFFFD0]  }
0x1d1: {  	v1 =	vadd.f32 v3, v1;
	v3 =	vld [tilespmem:s19+$0x50]  }
0x1d2: {  	v8 =	vld [tilespmem:s19+$0xD0]  }
0x1d3: {  	v1 =	vadd.f32 v4, v1;
	v4 =	vld [tilespmem:s19+$0x150]  }
0x1d4: {  	v9 =	vld [tilespmem:s19+$0x1D0]  }
0x1d5: {  	v1 =	vadd.f32 v5, v1;
	v5 =	vld [tilespmem:s19+$0x250]  }
0x1d6: {  	v10 =	vld [tilespmem:s19+$0x2D0]  }
0x1d7: {  	v1 =	vadd.f32 v6, v1;
	v6 =	vld [tilespmem:s19+$0x350]  }
0x1d8: {  	v11 =	vld [tilespmem:s19+$0x3D0]  }
0x1d9: {  	v1 =	vadd.f32 v2, v1;
	_ =	sdelay $0x1  }
0x1da: {  	v1 =	vadd.f32 v7, v1;
	_ =	sdelay $0x1  }
0x1db: {  	v1 =	vadd.f32 v3, v1;
	_ =	sdelay $0x1  }
0x1dc: {  	v1 =	vadd.f32 v8, v1;
	_ =	sdelay $0x1  }
0x1dd: {  	v1 =	vadd.f32 v4, v1;
	_ =	sdelay $0x1  }
0x1de: {  	v1 =	vadd.f32 v9, v1;
	_ =	sdelay $0x1  }
0x1df: {  	v1 =	vadd.f32 v5, v1;
	_ =	sdelay $0x1  }
0x1e0: {  	v1 =	vadd.f32 v10, v1;
	_ =	sdelay $0x1  }
0x1e1: {  	v1 =	vadd.f32 v6, v1;
	_ =	sdelay $0x1  }
0x1e2: {  	v1 =	vadd.f32 v11, v1;
	_ =	sdelay $0x1  }
0x1e3: {  	v1 =	vmul.f32 $6.250000000e-02, v1;
	_ =	sdelay $0x1  }
0x1e4: {  	[tilespmem:v0+s20+$0xFFFFFFE0 ss:$0x1] =	vst.idx.msk $0xffff, v1  }
0x1e5: {  	v1 =	vld [tilespmem:s19+$0xFFFFFC60]  }
0x1e6: {  	v2 =	vld [tilespmem:s19+$0xFFFFFCE0]  }
0x1e7: {  	v3 =	vld [tilespmem:s19+$0xFFFFFD60]  }
0x1e8: {  	v4 =	vld [tilespmem:s19+$0xFFFFFDE0]  }
0x1e9: {  	v5 =	vld [tilespmem:s19+$0xFFFFFE60]  }
0x1ea: {  	v6 =	vld [tilespmem:s19+$0xFFFFFEE0]  }
0x1eb: {  	v1 =	vadd.f32 v2, v1;
	v2 =	vld [tilespmem:s19+$0xFFFFFF60]  }
0x1ec: {  	v7 =	vld [tilespmem:s19+$0xFFFFFFE0]  }
0x1ed: {  	v1 =	vadd.f32 v3, v1;
	v3 =	vld [tilespmem:s19+$0x60]  }
0x1ee: {  	v8 =	vld [tilespmem:s19+$0xE0]  }
0x1ef: {  	v1 =	vadd.f32 v4, v1;
	v4 =	vld [tilespmem:s19+$0x160]  }
0x1f0: {  	v9 =	vld [tilespmem:s19+$0x1E0]  }
0x1f1: {  	v1 =	vadd.f32 v5, v1;
	v5 =	vld [tilespmem:s19+$0x260]  }
0x1f2: {  	v10 =	vld [tilespmem:s19+$0x2E0]  }
0x1f3: {  	v1 =	vadd.f32 v6, v1;
	v6 =	vld [tilespmem:s19+$0x360]  }
0x1f4: {  	v11 =	vld [tilespmem:s19+$0x3E0]  }
0x1f5: {  	v1 =	vadd.f32 v2, v1;
	_ =	sdelay $0x1  }
0x1f6: {  	v1 =	vadd.f32 v7, v1;
	_ =	sdelay $0x1  }
0x1f7: {  	v1 =	vadd.f32 v3, v1;
	_ =	sdelay $0x1  }
0x1f8: {  	v1 =	vadd.f32 v8, v1;
	_ =	sdelay $0x1  }
0x1f9: {  	v1 =	vadd.f32 v4, v1;
	_ =	sdelay $0x1  }
0x1fa: {  	v1 =	vadd.f32 v9, v1;
	_ =	sdelay $0x1  }
0x1fb: {  	v1 =	vadd.f32 v5, v1;
	_ =	sdelay $0x1  }
0x1fc: {  	v1 =	vadd.f32 v10, v1;
	_ =	sdelay $0x1  }
0x1fd: {  	v1 =	vadd.f32 v6, v1;
	_ =	sdelay $0x1  }
0x1fe: {  	v1 =	vadd.f32 v11, v1;
	_ =	sdelay $0x1  }
0x1ff: {  	v1 =	vmul.f32 $6.250000000e-02, v1;
	_ =	sdelay $0x1  }
0x200: {  	[tilespmem:v0+s20+$0xFFFFFFF0 ss:$0x1] =	vst.idx.msk $0xffff, v1  }
0x201: {  	v1 =	vld [tilespmem:s19+$0xFFFFFC70]  }
0x202: {  	v2 =	vld [tilespmem:s19+$0xFFFFFCF0]  }
0x203: {  	v3 =	vld [tilespmem:s19+$0xFFFFFD70]  }
0x204: {  	v4 =	vld [tilespmem:s19+$0xFFFFFDF0]  }
0x205: {  	v5 =	vld [tilespmem:s19+$0xFFFFFE70]  }
0x206: {  	v6 =	vld [tilespmem:s19+$0xFFFFFEF0]  }
0x207: {  	v1 =	vadd.f32 v2, v1;
	v7 =	vld [tilespmem:s19+$0xFFFFFF70]  }
0x208: {  	v8 =	vld [tilespmem:s19+$0xFFFFFFF0]  }
0x209: {  	v1 =	vadd.f32 v3, v1;
	v9 =	vld [tilespmem:s19+$0x70]  }
0x20a: {  	v10 =	vld [tilespmem:s19+$0xF0]  }
0x20b: {  	v1 =	vadd.f32 v4, v1;
	v4 =	vld [tilespmem:s19+$0x170]  }
0x20c: {  	v11 =	vld [tilespmem:s19+$0x1F0]  }
0x20d: {  	v1 =	vadd.f32 v5, v1;
	v5 =	vld [tilespmem:s19+$0x270]  }
0x20e: {  	v3 =	vld [tilespmem:s19+$0x2F0]  }
0x20f: {  	v6 =	vadd.f32 v6, v1;
	v1 =	vld [tilespmem:s19+$0x370]  }
0x210: {  	v2 =	vld [tilespmem:s19+$0x3F0]  }
0x211: {  	v6 =	vadd.f32 v7, v6;
	_ =	sdelay $0x1  }
0x212: {  	v6 =	vadd.f32 v8, v6;
	_ =	sdelay $0x1  }
0x213: {  	v6 =	vadd.f32 v9, v6;
	_ =	sdelay $0x1  }
0x214: {  	v6 =	vadd.f32 v10, v6;
	_ =	sdelay $0x1  }
.Ltmp0:
0x215: {  	v4 =	vadd.f32 v4, v6;
	(pc) =	sbr.rel @p0 .LBB2_3-.Ltmp0, $3  }
0x216: {  	_ = 	snop  }
0x217: {  	v4 =	vadd.f32 v11, v4;
	_ =	sdelay $0x1  }
0x218: {  	v4 =	vadd.f32 v5, v4  }
0x219: {  	_ = 	snop  }
0x21a: {  	v3 =	vadd.f32 v3, v4;
	_ =	sdelay $0x1  }
0x21b: {  	v1 =	vadd.f32 v1, v3;
	_ =	sdelay $0x1  }
0x21c: {  	v1 =	vadd.f32 v2, v1  }
0x21d: {  	p0 =	seq.s32 s18, $0x27  }
0x21e: {  	s19 =	sshll.u32 @!p0 s18, $0x8;
	v1 =	vmul.f32 $6.250000000e-02, v1  }
0x21f: {  	s19 =	sand.u32 @!p0 $0x3FFFFF00, s19  }
0x220: {  	s21 =	simm.s32 @!p0 $0x2800;
	s19 =	sadd.s32 @!p0 $0x100, s19;
	[tilespmem:v0+s20+$0x0 ss:$0x1] =	vst.idx.msk $0xffff, v1;
	s20 =	simm.s32 @!p0 $0x80  }
0x221: {  	[tilespmem:s21], [sflag:$0x2] =	stream.indirect.gather @!p0 [hbm4b:s3+s20], $0x80, s19, s20, $0xb8;
	[tilespmem:$0x1E800] =	vst v63  }
0x222: {  	_ =	swait.ge [sflag:s12], $0x4000  }
0x223: {  	[sflag:s12] =	ssyncset.done $0x0  }
0x224: {  	s19 =	simm.s32 $0x6C00;
	[sflag:s12] =	ssyncadd.s32 $0xFFFFC000  }
0x225: {  	v0 =	vld [tilespmem:s19+$0xFFFFFC80]  }
0x226: {  	v1 =	vld [tilespmem:s19+$0xFFFFFC00];
	_ =	sdelay $0x1  }
0x227: {  	v2 =	vld [tilespmem:s19+$0xFFFFFD00];
	_ =	sdelay $0x1  }
0x228: {  	v3 =	vld [tilespmem:s19+$0xFFFFFD80]  }
0x229: {  	v0 =	vadd.f32 v0, v1  }
0x22a: {  	v1 =	vld [tilespmem:s19+$0xFFFFFE00]  }
0x22b: {  	v0 =	vadd.f32 v2, v0  }
0x22c: {  	v2 =	vld [tilespmem:s19+$0xFFFFFE80]  }
0x22d: {  	v0 =	vadd.f32 v3, v0  }
0x22e: {  	v3 =	vld [tilespmem:s19+$0xFFFFFF00]  }
0x22f: {  	v0 =	vadd.f32 v1, v0  }
0x230: {  	v1 =	vld [tilespmem:s19+$0xFFFFFF80]  }
0x231: {  	v0 =	vadd.f32 v2, v0  }
0x232: {  	v2 =	vld [tilespmem:s19+$0x0]  }
0x233: {  	v0 =	vadd.f32 v3, v0  }
0x234: {  	v3 =	vld [tilespmem:s19+$0x80]  }
0x235: {  	v0 =	vadd.f32 v1, v0  }
0x236: {  	v1 =	vld [tilespmem:s19+$0x100]  }
0x237: {  	v0 =	vadd.f32 v2, v0  }
0x238: {  	v2 =	vld [tilespmem:s19+$0x180]  }
0x239: {  	v0 =	vadd.f32 v3, v0  }
0x23a: {  	v3 =	vld [tilespmem:s19+$0x200]  }
0x23b: {  	v0 =	vadd.f32 v1, v0  }
0x23c: {  	v1 =	vld [tilespmem:s19+$0x280]  }
0x23d: {  	v0 =	vadd.f32 v2, v0  }
0x23e: {  	v2 =	vld [tilespmem:s19+$0x300]  }
0x23f: {  	v0 =	vadd.f32 v3, v0  }
0x240: {  	v3 =	vld [tilespmem:s19+$0x380]  }
0x241: {  	v0 =	vadd.f32 v1, v0;
	_ =	sdelay $0x1  }
0x242: {  	v1 =	vadd.f32 v2, v0  }
0x243: {  	v0 =	vmov s17  }
0x244: {  	v1 =	vadd.f32 v3, v1;
	_ =	sdelay $0x1  }
0x245: {  	v1 =	vmul.f32 $6.250000000e-02, v1  }
0x246: {  	s20 =	simm.s32 $0x0  }
0x247: {  	[tilespmem:v0+s20+$0xFFFFFF90 ss:$0x1] =	vst.idx.msk $0xffff, v1  }
0x248: {  	v1 =	vld [tilespmem:s19+$0xFFFFFC10]  }
0x249: {  	v2 =	vld [tilespmem:s19+$0xFFFFFC90];
	_ =	sdelay $0x1  }
0x24a: {  	v3 =	vld [tilespmem:s19+$0xFFFFFD10];
	_ =	sdelay $0x1  }
0x24b: {  	v4 =	vld [tilespmem:s19+$0xFFFFFD90]  }
0x24c: {  	v1 =	vadd.f32 v2, v1  }
0x24d: {  	v2 =	vld [tilespmem:s19+$0xFFFFFE10]  }
0x24e: {  	v1 =	vadd.f32 v3, v1  }
0x24f: {  	v3 =	vld [tilespmem:s19+$0xFFFFFE90]  }
0x250: {  	v1 =	vadd.f32 v4, v1  }
0x251: {  	v4 =	vld [tilespmem:s19+$0xFFFFFF10]  }
0x252: {  	v1 =	vadd.f32 v2, v1  }
0x253: {  	v2 =	vld [tilespmem:s19+$0xFFFFFF90]  }
0x254: {  	v1 =	vadd.f32 v3, v1  }
0x255: {  	v3 =	vld [tilespmem:s19+$0x10]  }
0x256: {  	v1 =	vadd.f32 v4, v1  }
0x257: {  	v4 =	vld [tilespmem:s19+$0x90]  }
0x258: {  	v1 =	vadd.f32 v2, v1  }
0x259: {  	v2 =	vld [tilespmem:s19+$0x110]  }
0x25a: {  	v1 =	vadd.f32 v3, v1  }
0x25b: {  	v3 =	vld [tilespmem:s19+$0x190]  }
0x25c: {  	v1 =	vadd.f32 v4, v1  }
0x25d: {  	v4 =	vld [tilespmem:s19+$0x210]  }
0x25e: {  	v1 =	vadd.f32 v2, v1  }
0x25f: {  	v2 =	vld [tilespmem:s19+$0x290]  }
0x260: {  	v1 =	vadd.f32 v3, v1  }
0x261: {  	v3 =	vld [tilespmem:s19+$0x310]  }
0x262: {  	v1 =	vadd.f32 v4, v1  }
0x263: {  	v4 =	vld [tilespmem:s19+$0x390]  }
0x264: {  	v1 =	vadd.f32 v2, v1;
	_ =	sdelay $0x1  }
0x265: {  	v1 =	vadd.f32 v3, v1;
	_ =	sdelay $0x1  }
0x266: {  	v1 =	vadd.f32 v4, v1;
	_ =	sdelay $0x1  }
0x267: {  	v1 =	vmul.f32 $6.250000000e-02, v1;
	_ =	sdelay $0x1  }
0x268: {  	[tilespmem:v0+s20+$0xFFFFFFA0 ss:$0x1] =	vst.idx.msk $0xffff, v1  }
0x269: {  	v1 =	vld [tilespmem:s19+$0xFFFFFC20]  }
0x26a: {  	v2 =	vld [tilespmem:s19+$0xFFFFFCA0];
	_ =	sdelay $0x1  }
0x26b: {  	v3 =	vld [tilespmem:s19+$0xFFFFFD20];
	_ =	sdelay $0x1  }
0x26c: {  	v4 =	vld [tilespmem:s19+$0xFFFFFDA0]  }
0x26d: {  	v1 =	vadd.f32 v2, v1  }
0x26e: {  	v2 =	vld [tilespmem:s19+$0xFFFFFE20]  }
0x26f: {  	v1 =	vadd.f32 v3, v1  }
0x270: {  	v3 =	vld [tilespmem:s19+$0xFFFFFEA0]  }
0x271: {  	v1 =	vadd.f32 v4, v1  }
0x272: {  	v4 =	vld [tilespmem:s19+$0xFFFFFF20]  }
0x273: {  	v1 =	vadd.f32 v2, v1  }
0x274: {  	v2 =	vld [tilespmem:s19+$0xFFFFFFA0]  }
0x275: {  	v1 =	vadd.f32 v3, v1  }
0x276: {  	v3 =	vld [tilespmem:s19+$0x20]  }
0x277: {  	v1 =	vadd.f32 v4, v1  }
0x278: {  	v4 =	vld [tilespmem:s19+$0xA0]  }
0x279: {  	v1 =	vadd.f32 v2, v1  }
0x27a: {  	v2 =	vld [tilespmem:s19+$0x120]  }
0x27b: {  	v1 =	vadd.f32 v3, v1  }
0x27c: {  	v3 =	vld [tilespmem:s19+$0x1A0]  }
0x27d: {  	v1 =	vadd.f32 v4, v1  }
0x27e: {  	v4 =	vld [tilespmem:s19+$0x220]  }
0x27f: {  	v1 =	vadd.f32 v2, v1  }
0x280: {  	v2 =	vld [tilespmem:s19+$0x2A0]  }
0x281: {  	v1 =	vadd.f32 v3, v1  }
0x282: {  	v3 =	vld [tilespmem:s19+$0x320]  }
0x283: {  	v1 =	vadd.f32 v4, v1  }
0x284: {  	v4 =	vld [tilespmem:s19+$0x3A0]  }
0x285: {  	v1 =	vadd.f32 v2, v1;
	_ =	sdelay $0x1  }
0x286: {  	v1 =	vadd.f32 v3, v1;
	_ =	sdelay $0x1  }
0x287: {  	v1 =	vadd.f32 v4, v1;
	_ =	sdelay $0x1  }
0x288: {  	v1 =	vmul.f32 $6.250000000e-02, v1;
	_ =	sdelay $0x1  }
0x289: {  	[tilespmem:v0+s20+$0xFFFFFFB0 ss:$0x1] =	vst.idx.msk $0xffff, v1  }
0x28a: {  	v1 =	vld [tilespmem:s19+$0xFFFFFC30]  }
0x28b: {  	v2 =	vld [tilespmem:s19+$0xFFFFFCB0];
	_ =	sdelay $0x1  }
0x28c: {  	v3 =	vld [tilespmem:s19+$0xFFFFFD30];
	_ =	sdelay $0x1  }
0x28d: {  	v4 =	vld [tilespmem:s19+$0xFFFFFDB0]  }
0x28e: {  	v1 =	vadd.f32 v2, v1  }
0x28f: {  	v2 =	vld [tilespmem:s19+$0xFFFFFE30]  }
0x290: {  	v1 =	vadd.f32 v3, v1  }
0x291: {  	v3 =	vld [tilespmem:s19+$0xFFFFFEB0]  }
0x292: {  	v1 =	vadd.f32 v4, v1  }
0x293: {  	v4 =	vld [tilespmem:s19+$0xFFFFFF30]  }
0x294: {  	v1 =	vadd.f32 v2, v1  }
0x295: {  	v2 =	vld [tilespmem:s19+$0xFFFFFFB0]  }
0x296: {  	v1 =	vadd.f32 v3, v1  }
0x297: {  	v3 =	vld [tilespmem:s19+$0x30]  }
0x298: {  	v1 =	vadd.f32 v4, v1  }
0x299: {  	v4 =	vld [tilespmem:s19+$0xB0]  }
0x29a: {  	v1 =	vadd.f32 v2, v1  }
0x29b: {  	v2 =	vld [tilespmem:s19+$0x130]  }
0x29c: {  	v1 =	vadd.f32 v3, v1  }
0x29d: {  	v3 =	vld [tilespmem:s19+$0x1B0]  }
0x29e: {  	v1 =	vadd.f32 v4, v1  }
0x29f: {  	v4 =	vld [tilespmem:s19+$0x230]  }
0x2a0: {  	v1 =	vadd.f32 v2, v1  }
0x2a1: {  	v2 =	vld [tilespmem:s19+$0x2B0]  }
0x2a2: {  	v1 =	vadd.f32 v3, v1  }
0x2a3: {  	v3 =	vld [tilespmem:s19+$0x330]  }
0x2a4: {  	v1 =	vadd.f32 v4, v1  }
0x2a5: {  	v4 =	vld [tilespmem:s19+$0x3B0]  }
0x2a6: {  	v1 =	vadd.f32 v2, v1;
	_ =	sdelay $0x1  }
0x2a7: {  	v1 =	vadd.f32 v3, v1;
	_ =	sdelay $0x1  }
0x2a8: {  	v1 =	vadd.f32 v4, v1;
	_ =	sdelay $0x1  }
0x2a9: {  	v1 =	vmul.f32 $6.250000000e-02, v1;
	_ =	sdelay $0x1  }
0x2aa: {  	[tilespmem:v0+s20+$0xFFFFFFC0 ss:$0x1] =	vst.idx.msk $0xffff, v1  }
0x2ab: {  	v1 =	vld [tilespmem:s19+$0xFFFFFC40]  }
0x2ac: {  	v2 =	vld [tilespmem:s19+$0xFFFFFCC0];
	_ =	sdelay $0x1  }
0x2ad: {  	v3 =	vld [tilespmem:s19+$0xFFFFFD40];
	_ =	sdelay $0x1  }
0x2ae: {  	v4 =	vld [tilespmem:s19+$0xFFFFFDC0]  }
0x2af: {  	v1 =	vadd.f32 v2, v1  }
0x2b0: {  	v2 =	vld [tilespmem:s19+$0xFFFFFE40]  }
0x2b1: {  	v1 =	vadd.f32 v3, v1  }
0x2b2: {  	v3 =	vld [tilespmem:s19+$0xFFFFFEC0]  }
0x2b3: {  	v1 =	vadd.f32 v4, v1  }
0x2b4: {  	v4 =	vld [tilespmem:s19+$0xFFFFFF40]  }
0x2b5: {  	v1 =	vadd.f32 v2, v1  }
0x2b6: {  	v2 =	vld [tilespmem:s19+$0xFFFFFFC0]  }
0x2b7: {  	v1 =	vadd.f32 v3, v1  }
0x2b8: {  	v3 =	vld [tilespmem:s19+$0x40]  }
0x2b9: {  	v1 =	vadd.f32 v4, v1  }
0x2ba: {  	v4 =	vld [tilespmem:s19+$0xC0]  }
0x2bb: {  	v1 =	vadd.f32 v2, v1  }
0x2bc: {  	v2 =	vld [tilespmem:s19+$0x140]  }
0x2bd: {  	v1 =	vadd.f32 v3, v1  }
0x2be: {  	v3 =	vld [tilespmem:s19+$0x1C0]  }
0x2bf: {  	v1 =	vadd.f32 v4, v1  }
0x2c0: {  	v4 =	vld [tilespmem:s19+$0x240]  }
0x2c1: {  	v1 =	vadd.f32 v2, v1  }
0x2c2: {  	v2 =	vld [tilespmem:s19+$0x2C0]  }
0x2c3: {  	v1 =	vadd.f32 v3, v1  }
0x2c4: {  	v3 =	vld [tilespmem:s19+$0x340]  }
0x2c5: {  	v1 =	vadd.f32 v4, v1  }
0x2c6: {  	v4 =	vld [tilespmem:s19+$0x3C0]  }
0x2c7: {  	v1 =	vadd.f32 v2, v1;
	_ =	sdelay $0x1  }
0x2c8: {  	v1 =	vadd.f32 v3, v1;
	_ =	sdelay $0x1  }
0x2c9: {  	v1 =	vadd.f32 v4, v1;
	_ =	sdelay $0x1  }
0x2ca: {  	v1 =	vmul.f32 $6.250000000e-02, v1;
	_ =	sdelay $0x1  }
0x2cb: {  	[tilespmem:v0+s20+$0xFFFFFFD0 ss:$0x1] =	vst.idx.msk $0xffff, v1  }
0x2cc: {  	v1 =	vld [tilespmem:s19+$0xFFFFFC50]  }
0x2cd: {  	v2 =	vld [tilespmem:s19+$0xFFFFFCD0];
	_ =	sdelay $0x1  }
0x2ce: {  	v3 =	vld [tilespmem:s19+$0xFFFFFD50];
	_ =	sdelay $0x1  }
0x2cf: {  	v4 =	vld [tilespmem:s19+$0xFFFFFDD0]  }
0x2d0: {  	v1 =	vadd.f32 v2, v1  }
0x2d1: {  	v2 =	vld [tilespmem:s19+$0xFFFFFE50]  }
0x2d2: {  	v1 =	vadd.f32 v3, v1  }
0x2d3: {  	v3 =	vld [tilespmem:s19+$0xFFFFFED0]  }
0x2d4: {  	v1 =	vadd.f32 v4, v1  }
0x2d5: {  	v4 =	vld [tilespmem:s19+$0xFFFFFF50]  }
0x2d6: {  	v1 =	vadd.f32 v2, v1  }
0x2d7: {  	v2 =	vld [tilespmem:s19+$0xFFFFFFD0]  }
0x2d8: {  	v1 =	vadd.f32 v3, v1  }
0x2d9: {  	v3 =	vld [tilespmem:s19+$0x50]  }
0x2da: {  	v1 =	vadd.f32 v4, v1  }
0x2db: {  	v4 =	vld [tilespmem:s19+$0xD0]  }
0x2dc: {  	v1 =	vadd.f32 v2, v1  }
0x2dd: {  	v2 =	vld [tilespmem:s19+$0x150]  }
0x2de: {  	v1 =	vadd.f32 v3, v1  }
0x2df: {  	v3 =	vld [tilespmem:s19+$0x1D0]  }
0x2e0: {  	v1 =	vadd.f32 v4, v1  }
0x2e1: {  	v4 =	vld [tilespmem:s19+$0x250]  }
0x2e2: {  	v1 =	vadd.f32 v2, v1  }
0x2e3: {  	v2 =	vld [tilespmem:s19+$0x2D0]  }
0x2e4: {  	v1 =	vadd.f32 v3, v1  }
0x2e5: {  	v3 =	vld [tilespmem:s19+$0x350]  }
0x2e6: {  	v1 =	vadd.f32 v4, v1  }
0x2e7: {  	v4 =	vld [tilespmem:s19+$0x3D0]  }
0x2e8: {  	v1 =	vadd.f32 v2, v1;
	_ =	sdelay $0x1  }
0x2e9: {  	v1 =	vadd.f32 v3, v1;
	_ =	sdelay $0x1  }
0x2ea: {  	v1 =	vadd.f32 v4, v1;
	_ =	sdelay $0x1  }
0x2eb: {  	v1 =	vmul.f32 $6.250000000e-02, v1;
	_ =	sdelay $0x1  }
0x2ec: {  	[tilespmem:v0+s20+$0xFFFFFFE0 ss:$0x1] =	vst.idx.msk $0xffff, v1  }
0x2ed: {  	v1 =	vld [tilespmem:s19+$0xFFFFFC60]  }
0x2ee: {  	v2 =	vld [tilespmem:s19+$0xFFFFFCE0];
	_ =	sdelay $0x1  }
0x2ef: {  	v3 =	vld [tilespmem:s19+$0xFFFFFD60];
	_ =	sdelay $0x1  }
0x2f0: {  	v4 =	vld [tilespmem:s19+$0xFFFFFDE0]  }
0x2f1: {  	v1 =	vadd.f32 v2, v1  }
0x2f2: {  	v2 =	vld [tilespmem:s19+$0xFFFFFE60]  }
0x2f3: {  	v1 =	vadd.f32 v3, v1  }
0x2f4: {  	v3 =	vld [tilespmem:s19+$0xFFFFFEE0]  }
0x2f5: {  	v1 =	vadd.f32 v4, v1  }
0x2f6: {  	v4 =	vld [tilespmem:s19+$0xFFFFFF60]  }
0x2f7: {  	v1 =	vadd.f32 v2, v1  }
0x2f8: {  	v2 =	vld [tilespmem:s19+$0xFFFFFFE0]  }
0x2f9: {  	v1 =	vadd.f32 v3, v1  }
0x2fa: {  	v3 =	vld [tilespmem:s19+$0x60]  }
0x2fb: {  	v1 =	vadd.f32 v4, v1  }
0x2fc: {  	v4 =	vld [tilespmem:s19+$0xE0]  }
0x2fd: {  	v1 =	vadd.f32 v2, v1  }
0x2fe: {  	v2 =	vld [tilespmem:s19+$0x160]  }
0x2ff: {  	v1 =	vadd.f32 v3, v1  }
0x300: {  	v3 =	vld [tilespmem:s19+$0x1E0]  }
0x301: {  	v1 =	vadd.f32 v4, v1  }
0x302: {  	v4 =	vld [tilespmem:s19+$0x260]  }
0x303: {  	v1 =	vadd.f32 v2, v1  }
0x304: {  	v2 =	vld [tilespmem:s19+$0x2E0]  }
0x305: {  	v1 =	vadd.f32 v3, v1  }
0x306: {  	v3 =	vld [tilespmem:s19+$0x360]  }
0x307: {  	v1 =	vadd.f32 v4, v1  }
0x308: {  	v4 =	vld [tilespmem:s19+$0x3E0]  }
0x309: {  	v1 =	vadd.f32 v2, v1;
	_ =	sdelay $0x1  }
0x30a: {  	v1 =	vadd.f32 v3, v1;
	_ =	sdelay $0x1  }
0x30b: {  	v1 =	vadd.f32 v4, v1;
	_ =	sdelay $0x1  }
0x30c: {  	v1 =	vmul.f32 $6.250000000e-02, v1;
	_ =	sdelay $0x1  }
0x30d: {  	[tilespmem:v0+s20+$0xFFFFFFF0 ss:$0x1] =	vst.idx.msk $0xffff, v1  }
0x30e: {  	v1 =	vld [tilespmem:s19+$0xFFFFFC70]  }
0x30f: {  	v2 =	vld [tilespmem:s19+$0xFFFFFCF0];
	_ =	sdelay $0x1  }
0x310: {  	v3 =	vld [tilespmem:s19+$0xFFFFFD70];
	_ =	sdelay $0x1  }
0x311: {  	v4 =	vld [tilespmem:s19+$0xFFFFFDF0]  }
0x312: {  	v1 =	vadd.f32 v2, v1  }
0x313: {  	v2 =	vld [tilespmem:s19+$0xFFFFFE70]  }
0x314: {  	v1 =	vadd.f32 v3, v1  }
0x315: {  	v3 =	vld [tilespmem:s19+$0xFFFFFEF0]  }
0x316: {  	v1 =	vadd.f32 v4, v1  }
0x317: {  	v4 =	vld [tilespmem:s19+$0xFFFFFF70]  }
0x318: {  	v1 =	vadd.f32 v2, v1  }
0x319: {  	v2 =	vld [tilespmem:s19+$0xFFFFFFF0]  }
0x31a: {  	v1 =	vadd.f32 v3, v1  }
0x31b: {  	v3 =	vld [tilespmem:s19+$0x70]  }
0x31c: {  	v1 =	vadd.f32 v4, v1  }
0x31d: {  	v4 =	vld [tilespmem:s19+$0xF0]  }
0x31e: {  	v1 =	vadd.f32 v2, v1  }
0x31f: {  	v2 =	vld [tilespmem:s19+$0x170]  }
0x320: {  	v1 =	vadd.f32 v3, v1  }
0x321: {  	v5 =	vld [tilespmem:s19+$0x1F0]  }
0x322: {  	v1 =	vadd.f32 v4, v1  }
0x323: {  	v4 =	vld [tilespmem:s19+$0x270]  }
0x324: {  	v1 =	vadd.f32 v2, v1  }
0x325: {  	v3 =	vld [tilespmem:s19+$0x2F0]  }
0x326: {  	v5 =	vadd.f32 v5, v1  }
0x327: {  	v1 =	vld [tilespmem:s19+$0x370]  }
0x328: {  	s21 =	simm.s32 $0x200;
	v2 =	vld [tilespmem:s19+$0x3F0];
	v4 =	vadd.f32 v4, v5  }
.LBB2_5:
0x329: {  	p0 =	sne.s32 s21, $0xE00  }
0x32a: {  	s19 =	sadd.s32 $0x800, s19;
	s22 =	smov.u32 s21;
	s21 =	sadd.s32 $0x200, s21;
	v3 =	vadd.f32 v3, v4  }
0x32b: {  	_ = 	snop  }
0x32c: {  	v1 =	vadd.f32 v1, v3;
	_ =	sdelay $0x1  }
0x32d: {  	v1 =	vadd.f32 v2, v1;
	_ =	sdelay $0x1  }
0x32e: {  	v1 =	vmul.f32 $6.250000000e-02, v1;
	_ =	sdelay $0x1  }
0x32f: {  	[tilespmem:v0+s20+$0x0 ss:$0x1] =	vst.idx.msk $0xffff, v1  }
0x330: {  	v1 =	vld [tilespmem:s19+$0xFFFFFC80]  }
0x331: {  	v2 =	vld [tilespmem:s19+$0xFFFFFC00]  }
0x332: {  	v3 =	vld [tilespmem:s19+$0xFFFFFD00];
	_ =	sdelay $0x2  }
0x333: {  	v4 =	vld [tilespmem:s19+$0xFFFFFD80]  }
0x334: {  	v1 =	vadd.f32 v1, v2  }
0x335: {  	v2 =	vld [tilespmem:s19+$0xFFFFFE00]  }
0x336: {  	v1 =	vadd.f32 v3, v1  }
0x337: {  	v3 =	vld [tilespmem:s19+$0xFFFFFE80]  }
0x338: {  	v1 =	vadd.f32 v4, v1  }
0x339: {  	v4 =	vld [tilespmem:s19+$0xFFFFFF00]  }
0x33a: {  	v1 =	vadd.f32 v2, v1  }
0x33b: {  	v2 =	vld [tilespmem:s19+$0xFFFFFF80]  }
0x33c: {  	v1 =	vadd.f32 v3, v1  }
0x33d: {  	v3 =	vld [tilespmem:s19+$0x0]  }
0x33e: {  	v1 =	vadd.f32 v4, v1  }
0x33f: {  	v4 =	vld [tilespmem:s19+$0x80]  }
0x340: {  	v1 =	vadd.f32 v2, v1  }
0x341: {  	v2 =	vld [tilespmem:s19+$0x100]  }
0x342: {  	v1 =	vadd.f32 v3, v1  }
0x343: {  	v3 =	vld [tilespmem:s19+$0x180]  }
0x344: {  	v1 =	vadd.f32 v4, v1  }
0x345: {  	v4 =	vld [tilespmem:s19+$0x200]  }
0x346: {  	v1 =	vadd.f32 v2, v1  }
0x347: {  	v2 =	vld [tilespmem:s19+$0x280]  }
0x348: {  	v1 =	vadd.f32 v3, v1  }
0x349: {  	v3 =	vld [tilespmem:s19+$0x300]  }
0x34a: {  	v1 =	vadd.f32 v4, v1  }
0x34b: {  	v4 =	vld [tilespmem:s19+$0x380]  }
0x34c: {  	v1 =	vadd.f32 v2, v1;
	_ =	sdelay $0x1  }
0x34d: {  	v1 =	vadd.f32 v3, v1;
	_ =	sdelay $0x1  }
0x34e: {  	v1 =	vadd.f32 v4, v1;
	_ =	sdelay $0x1  }
0x34f: {  	v1 =	vmul.f32 $6.250000000e-02, v1  }
0x350: {  	s20 =	sshra.s32 s22, $0x2  }
0x351: {  	[tilespmem:v0+s20+$0xFFFFFF90 ss:$0x1] =	vst.idx.msk $0xffff, v1  }
0x352: {  	v1 =	vld [tilespmem:s19+$0xFFFFFC10]  }
0x353: {  	v2 =	vld [tilespmem:s19+$0xFFFFFC90];
	_ =	sdelay $0x1  }
0x354: {  	v3 =	vld [tilespmem:s19+$0xFFFFFD10];
	_ =	sdelay $0x1  }
0x355: {  	v4 =	vld [tilespmem:s19+$0xFFFFFD90]  }
0x356: {  	v1 =	vadd.f32 v2, v1  }
0x357: {  	v2 =	vld [tilespmem:s19+$0xFFFFFE10]  }
0x358: {  	v1 =	vadd.f32 v3, v1  }
0x359: {  	v3 =	vld [tilespmem:s19+$0xFFFFFE90]  }
0x35a: {  	v1 =	vadd.f32 v4, v1  }
0x35b: {  	v4 =	vld [tilespmem:s19+$0xFFFFFF10]  }
0x35c: {  	v1 =	vadd.f32 v2, v1  }
0x35d: {  	v2 =	vld [tilespmem:s19+$0xFFFFFF90]  }
0x35e: {  	v1 =	vadd.f32 v3, v1  }
0x35f: {  	v3 =	vld [tilespmem:s19+$0x10]  }
0x360: {  	v1 =	vadd.f32 v4, v1  }
0x361: {  	v4 =	vld [tilespmem:s19+$0x90]  }
0x362: {  	v1 =	vadd.f32 v2, v1  }
0x363: {  	v2 =	vld [tilespmem:s19+$0x110]  }
0x364: {  	v1 =	vadd.f32 v3, v1  }
0x365: {  	v3 =	vld [tilespmem:s19+$0x190]  }
0x366: {  	v1 =	vadd.f32 v4, v1  }
0x367: {  	v4 =	vld [tilespmem:s19+$0x210]  }
0x368: {  	v1 =	vadd.f32 v2, v1  }
0x369: {  	v2 =	vld [tilespmem:s19+$0x290]  }
0x36a: {  	v1 =	vadd.f32 v3, v1  }
0x36b: {  	v3 =	vld [tilespmem:s19+$0x310]  }
0x36c: {  	v1 =	vadd.f32 v4, v1  }
0x36d: {  	v4 =	vld [tilespmem:s19+$0x390]  }
0x36e: {  	v1 =	vadd.f32 v2, v1;
	_ =	sdelay $0x1  }
0x36f: {  	v1 =	vadd.f32 v3, v1;
	_ =	sdelay $0x1  }
0x370: {  	v1 =	vadd.f32 v4, v1;
	_ =	sdelay $0x1  }
0x371: {  	v1 =	vmul.f32 $6.250000000e-02, v1;
	_ =	sdelay $0x1  }
0x372: {  	[tilespmem:v0+s20+$0xFFFFFFA0 ss:$0x1] =	vst.idx.msk $0xffff, v1  }
0x373: {  	v1 =	vld [tilespmem:s19+$0xFFFFFC20]  }
0x374: {  	v2 =	vld [tilespmem:s19+$0xFFFFFCA0];
	_ =	sdelay $0x1  }
0x375: {  	v3 =	vld [tilespmem:s19+$0xFFFFFD20];
	_ =	sdelay $0x1  }
0x376: {  	v4 =	vld [tilespmem:s19+$0xFFFFFDA0]  }
0x377: {  	v1 =	vadd.f32 v2, v1  }
0x378: {  	v2 =	vld [tilespmem:s19+$0xFFFFFE20]  }
0x379: {  	v1 =	vadd.f32 v3, v1  }
0x37a: {  	v3 =	vld [tilespmem:s19+$0xFFFFFEA0]  }
0x37b: {  	v1 =	vadd.f32 v4, v1  }
0x37c: {  	v4 =	vld [tilespmem:s19+$0xFFFFFF20]  }
0x37d: {  	v1 =	vadd.f32 v2, v1  }
0x37e: {  	v2 =	vld [tilespmem:s19+$0xFFFFFFA0]  }
0x37f: {  	v1 =	vadd.f32 v3, v1  }
0x380: {  	v3 =	vld [tilespmem:s19+$0x20]  }
0x381: {  	v1 =	vadd.f32 v4, v1  }
0x382: {  	v4 =	vld [tilespmem:s19+$0xA0]  }
0x383: {  	v1 =	vadd.f32 v2, v1  }
0x384: {  	v2 =	vld [tilespmem:s19+$0x120]  }
0x385: {  	v1 =	vadd.f32 v3, v1  }
0x386: {  	v3 =	vld [tilespmem:s19+$0x1A0]  }
0x387: {  	v1 =	vadd.f32 v4, v1  }
0x388: {  	v4 =	vld [tilespmem:s19+$0x220]  }
0x389: {  	v1 =	vadd.f32 v2, v1  }
0x38a: {  	v2 =	vld [tilespmem:s19+$0x2A0]  }
0x38b: {  	v1 =	vadd.f32 v3, v1  }
0x38c: {  	v3 =	vld [tilespmem:s19+$0x320]  }
0x38d: {  	v1 =	vadd.f32 v4, v1  }
0x38e: {  	v4 =	vld [tilespmem:s19+$0x3A0]  }
0x38f: {  	v1 =	vadd.f32 v2, v1;
	_ =	sdelay $0x1  }
0x390: {  	v1 =	vadd.f32 v3, v1;
	_ =	sdelay $0x1  }
0x391: {  	v1 =	vadd.f32 v4, v1;
	_ =	sdelay $0x1  }
0x392: {  	v1 =	vmul.f32 $6.250000000e-02, v1;
	_ =	sdelay $0x1  }
0x393: {  	[tilespmem:v0+s20+$0xFFFFFFB0 ss:$0x1] =	vst.idx.msk $0xffff, v1  }
0x394: {  	v1 =	vld [tilespmem:s19+$0xFFFFFC30]  }
0x395: {  	v2 =	vld [tilespmem:s19+$0xFFFFFCB0];
	_ =	sdelay $0x1  }
0x396: {  	v3 =	vld [tilespmem:s19+$0xFFFFFD30];
	_ =	sdelay $0x1  }
0x397: {  	v4 =	vld [tilespmem:s19+$0xFFFFFDB0]  }
0x398: {  	v1 =	vadd.f32 v2, v1  }
0x399: {  	v2 =	vld [tilespmem:s19+$0xFFFFFE30]  }
0x39a: {  	v1 =	vadd.f32 v3, v1  }
0x39b: {  	v3 =	vld [tilespmem:s19+$0xFFFFFEB0]  }
0x39c: {  	v1 =	vadd.f32 v4, v1  }
0x39d: {  	v4 =	vld [tilespmem:s19+$0xFFFFFF30]  }
0x39e: {  	v1 =	vadd.f32 v2, v1  }
0x39f: {  	v2 =	vld [tilespmem:s19+$0xFFFFFFB0]  }
0x3a0: {  	v1 =	vadd.f32 v3, v1  }
0x3a1: {  	v3 =	vld [tilespmem:s19+$0x30]  }
0x3a2: {  	v1 =	vadd.f32 v4, v1  }
0x3a3: {  	v4 =	vld [tilespmem:s19+$0xB0]  }
0x3a4: {  	v1 =	vadd.f32 v2, v1  }
0x3a5: {  	v2 =	vld [tilespmem:s19+$0x130]  }
0x3a6: {  	v1 =	vadd.f32 v3, v1  }
0x3a7: {  	v3 =	vld [tilespmem:s19+$0x1B0]  }
0x3a8: {  	v1 =	vadd.f32 v4, v1  }
0x3a9: {  	v4 =	vld [tilespmem:s19+$0x230]  }
0x3aa: {  	v1 =	vadd.f32 v2, v1  }
0x3ab: {  	v2 =	vld [tilespmem:s19+$0x2B0]  }
0x3ac: {  	v1 =	vadd.f32 v3, v1  }
0x3ad: {  	v3 =	vld [tilespmem:s19+$0x330]  }
0x3ae: {  	v1 =	vadd.f32 v4, v1  }
0x3af: {  	v4 =	vld [tilespmem:s19+$0x3B0]  }
0x3b0: {  	v1 =	vadd.f32 v2, v1;
	_ =	sdelay $0x1  }
0x3b1: {  	v1 =	vadd.f32 v3, v1;
	_ =	sdelay $0x1  }
0x3b2: {  	v1 =	vadd.f32 v4, v1;
	_ =	sdelay $0x1  }
0x3b3: {  	v1 =	vmul.f32 $6.250000000e-02, v1;
	_ =	sdelay $0x1  }
0x3b4: {  	[tilespmem:v0+s20+$0xFFFFFFC0 ss:$0x1] =	vst.idx.msk $0xffff, v1  }
0x3b5: {  	v1 =	vld [tilespmem:s19+$0xFFFFFC40]  }
0x3b6: {  	v2 =	vld [tilespmem:s19+$0xFFFFFCC0];
	_ =	sdelay $0x1  }
0x3b7: {  	v3 =	vld [tilespmem:s19+$0xFFFFFD40];
	_ =	sdelay $0x1  }
0x3b8: {  	v4 =	vld [tilespmem:s19+$0xFFFFFDC0]  }
0x3b9: {  	v1 =	vadd.f32 v2, v1  }
0x3ba: {  	v2 =	vld [tilespmem:s19+$0xFFFFFE40]  }
0x3bb: {  	v1 =	vadd.f32 v3, v1  }
0x3bc: {  	v3 =	vld [tilespmem:s19+$0xFFFFFEC0]  }
0x3bd: {  	v1 =	vadd.f32 v4, v1  }
0x3be: {  	v4 =	vld [tilespmem:s19+$0xFFFFFF40]  }
0x3bf: {  	v1 =	vadd.f32 v2, v1  }
0x3c0: {  	v2 =	vld [tilespmem:s19+$0xFFFFFFC0]  }
0x3c1: {  	v1 =	vadd.f32 v3, v1  }
0x3c2: {  	v3 =	vld [tilespmem:s19+$0x40]  }
0x3c3: {  	v1 =	vadd.f32 v4, v1  }
0x3c4: {  	v4 =	vld [tilespmem:s19+$0xC0]  }
0x3c5: {  	v1 =	vadd.f32 v2, v1  }
0x3c6: {  	v2 =	vld [tilespmem:s19+$0x140]  }
0x3c7: {  	v1 =	vadd.f32 v3, v1  }
0x3c8: {  	v3 =	vld [tilespmem:s19+$0x1C0]  }
0x3c9: {  	v1 =	vadd.f32 v4, v1  }
0x3ca: {  	v4 =	vld [tilespmem:s19+$0x240]  }
0x3cb: {  	v1 =	vadd.f32 v2, v1  }
0x3cc: {  	v2 =	vld [tilespmem:s19+$0x2C0]  }
0x3cd: {  	v1 =	vadd.f32 v3, v1  }
0x3ce: {  	v3 =	vld [tilespmem:s19+$0x340]  }
0x3cf: {  	v1 =	vadd.f32 v4, v1  }
0x3d0: {  	v4 =	vld [tilespmem:s19+$0x3C0]  }
0x3d1: {  	v1 =	vadd.f32 v2, v1;
	_ =	sdelay $0x1  }
0x3d2: {  	v1 =	vadd.f32 v3, v1;
	_ =	sdelay $0x1  }
0x3d3: {  	v1 =	vadd.f32 v4, v1;
	_ =	sdelay $0x1  }
0x3d4: {  	v1 =	vmul.f32 $6.250000000e-02, v1;
	_ =	sdelay $0x1  }
0x3d5: {  	[tilespmem:v0+s20+$0xFFFFFFD0 ss:$0x1] =	vst.idx.msk $0xffff, v1  }
0x3d6: {  	v1 =	vld [tilespmem:s19+$0xFFFFFC50]  }
0x3d7: {  	v2 =	vld [tilespmem:s19+$0xFFFFFCD0]  }
0x3d8: {  	v3 =	vld [tilespmem:s19+$0xFFFFFD50]  }
0x3d9: {  	v4 =	vld [tilespmem:s19+$0xFFFFFDD0]  }
0x3da: {  	v5 =	vld [tilespmem:s19+$0xFFFFFE50]  }
0x3db: {  	v6 =	vld [tilespmem:s19+$0xFFFFFED0]  }
0x3dc: {  	v1 =	vadd.f32 v2, v1;
	v2 =	vld [tilespmem:s19+$0xFFFFFF50]  }
0x3dd: {  	v7 =	vld [tilespmem:s19+$0xFFFFFFD0]  }
0x3de: {  	v1 =	vadd.f32 v3, v1;
	v3 =	vld [tilespmem:s19+$0x50]  }
0x3df: {  	v8 =	vld [tilespmem:s19+$0xD0]  }
0x3e0: {  	v1 =	vadd.f32 v4, v1;
	v4 =	vld [tilespmem:s19+$0x150]  }
0x3e1: {  	v9 =	vld [tilespmem:s19+$0x1D0]  }
0x3e2: {  	v1 =	vadd.f32 v5, v1;
	v5 =	vld [tilespmem:s19+$0x250]  }
0x3e3: {  	v10 =	vld [tilespmem:s19+$0x2D0]  }
0x3e4: {  	v1 =	vadd.f32 v6, v1;
	v6 =	vld [tilespmem:s19+$0x350]  }
0x3e5: {  	v11 =	vld [tilespmem:s19+$0x3D0]  }
0x3e6: {  	v1 =	vadd.f32 v2, v1;
	_ =	sdelay $0x1  }
0x3e7: {  	v1 =	vadd.f32 v7, v1;
	_ =	sdelay $0x1  }
0x3e8: {  	v1 =	vadd.f32 v3, v1;
	_ =	sdelay $0x1  }
0x3e9: {  	v1 =	vadd.f32 v8, v1;
	_ =	sdelay $0x1  }
0x3ea: {  	v1 =	vadd.f32 v4, v1;
	_ =	sdelay $0x1  }
0x3eb: {  	v1 =	vadd.f32 v9, v1;
	_ =	sdelay $0x1  }
0x3ec: {  	v1 =	vadd.f32 v5, v1;
	_ =	sdelay $0x1  }
0x3ed: {  	v1 =	vadd.f32 v10, v1;
	_ =	sdelay $0x1  }
0x3ee: {  	v1 =	vadd.f32 v6, v1;
	_ =	sdelay $0x1  }
0x3ef: {  	v1 =	vadd.f32 v11, v1;
	_ =	sdelay $0x1  }
0x3f0: {  	v1 =	vmul.f32 $6.250000000e-02, v1;
	_ =	sdelay $0x1  }
0x3f1: {  	[tilespmem:v0+s20+$0xFFFFFFE0 ss:$0x1] =	vst.idx.msk $0xffff, v1  }
0x3f2: {  	v1 =	vld [tilespmem:s19+$0xFFFFFC60]  }
0x3f3: {  	v2 =	vld [tilespmem:s19+$0xFFFFFCE0]  }
0x3f4: {  	v3 =	vld [tilespmem:s19+$0xFFFFFD60]  }
0x3f5: {  	v4 =	vld [tilespmem:s19+$0xFFFFFDE0]  }
0x3f6: {  	v5 =	vld [tilespmem:s19+$0xFFFFFE60]  }
0x3f7: {  	v6 =	vld [tilespmem:s19+$0xFFFFFEE0]  }
0x3f8: {  	v1 =	vadd.f32 v2, v1;
	v2 =	vld [tilespmem:s19+$0xFFFFFF60]  }
0x3f9: {  	v7 =	vld [tilespmem:s19+$0xFFFFFFE0]  }
0x3fa: {  	v1 =	vadd.f32 v3, v1;
	v3 =	vld [tilespmem:s19+$0x60]  }
0x3fb: {  	v8 =	vld [tilespmem:s19+$0xE0]  }
0x3fc: {  	v1 =	vadd.f32 v4, v1;
	v4 =	vld [tilespmem:s19+$0x160]  }
0x3fd: {  	v9 =	vld [tilespmem:s19+$0x1E0]  }
0x3fe: {  	v1 =	vadd.f32 v5, v1;
	v5 =	vld [tilespmem:s19+$0x260]  }
0x3ff: {  	v10 =	vld [tilespmem:s19+$0x2E0]  }
0x400: {  	v1 =	vadd.f32 v6, v1;
	v6 =	vld [tilespmem:s19+$0x360]  }
0x401: {  	v11 =	vld [tilespmem:s19+$0x3E0]  }
0x402: {  	v1 =	vadd.f32 v2, v1;
	_ =	sdelay $0x1  }
0x403: {  	v1 =	vadd.f32 v7, v1;
	_ =	sdelay $0x1  }
0x404: {  	v1 =	vadd.f32 v3, v1;
	_ =	sdelay $0x1  }
0x405: {  	v1 =	vadd.f32 v8, v1;
	_ =	sdelay $0x1  }
0x406: {  	v1 =	vadd.f32 v4, v1;
	_ =	sdelay $0x1  }
0x407: {  	v1 =	vadd.f32 v9, v1;
	_ =	sdelay $0x1  }
0x408: {  	v1 =	vadd.f32 v5, v1;
	_ =	sdelay $0x1  }
0x409: {  	v1 =	vadd.f32 v10, v1;
	_ =	sdelay $0x1  }
0x40a: {  	v1 =	vadd.f32 v6, v1;
	_ =	sdelay $0x1  }
0x40b: {  	v1 =	vadd.f32 v11, v1;
	_ =	sdelay $0x1  }
0x40c: {  	v1 =	vmul.f32 $6.250000000e-02, v1;
	_ =	sdelay $0x1  }
0x40d: {  	[tilespmem:v0+s20+$0xFFFFFFF0 ss:$0x1] =	vst.idx.msk $0xffff, v1  }
0x40e: {  	v1 =	vld [tilespmem:s19+$0xFFFFFC70]  }
0x40f: {  	v2 =	vld [tilespmem:s19+$0xFFFFFCF0]  }
0x410: {  	v3 =	vld [tilespmem:s19+$0xFFFFFD70]  }
0x411: {  	v4 =	vld [tilespmem:s19+$0xFFFFFDF0]  }
0x412: {  	v5 =	vld [tilespmem:s19+$0xFFFFFE70]  }
0x413: {  	v6 =	vld [tilespmem:s19+$0xFFFFFEF0]  }
0x414: {  	v1 =	vadd.f32 v2, v1;
	v7 =	vld [tilespmem:s19+$0xFFFFFF70]  }
0x415: {  	v8 =	vld [tilespmem:s19+$0xFFFFFFF0]  }
0x416: {  	v1 =	vadd.f32 v3, v1;
	v9 =	vld [tilespmem:s19+$0x70]  }
0x417: {  	v10 =	vld [tilespmem:s19+$0xF0]  }
0x418: {  	v1 =	vadd.f32 v4, v1;
	v4 =	vld [tilespmem:s19+$0x170]  }
0x419: {  	v11 =	vld [tilespmem:s19+$0x1F0]  }
0x41a: {  	v1 =	vadd.f32 v5, v1;
	v5 =	vld [tilespmem:s19+$0x270]  }
0x41b: {  	v3 =	vld [tilespmem:s19+$0x2F0]  }
0x41c: {  	v6 =	vadd.f32 v6, v1;
	v1 =	vld [tilespmem:s19+$0x370]  }
0x41d: {  	v2 =	vld [tilespmem:s19+$0x3F0]  }
0x41e: {  	v6 =	vadd.f32 v7, v6;
	_ =	sdelay $0x1  }
0x41f: {  	v6 =	vadd.f32 v8, v6;
	_ =	sdelay $0x1  }
0x420: {  	v6 =	vadd.f32 v9, v6;
	_ =	sdelay $0x1  }
0x421: {  	v6 =	vadd.f32 v10, v6;
	_ =	sdelay $0x1  }
.Ltmp1:
0x422: {  	v4 =	vadd.f32 v4, v6;
	(pc) =	sbr.rel @p0 .LBB2_5-.Ltmp1, $3  }
0x423: {  	_ = 	snop  }
0x424: {  	v4 =	vadd.f32 v11, v4;
	_ =	sdelay $0x1  }
0x425: {  	v4 =	vadd.f32 v5, v4  }
0x426: {  	_ = 	snop  }
0x427: {  	v3 =	vadd.f32 v3, v4;
	_ =	sdelay $0x1  }
0x428: {  	s18 =	sadd.s32 $0x1, s18;
	v1 =	vadd.f32 v1, v3  }
0x429: {  	p0 =	sne.s32 s18, $0x28  }
.Ltmp2:
0x42a: {  	v1 =	vadd.f32 v2, v1;
	(pc) =	sbr.rel @p0 .LBB2_2-.Ltmp2, $3  }
0x42b: {  	_ = 	snop  }
0x42c: {  	v1 =	vmul.f32 $6.250000000e-02, v1;
	_ =	sdelay $0x1  }
0x42d: {  	s16 =	sadd.s32 $0x800, s16;
	s17 =	sadd.s32 $0x800, s17;
	[tilespmem:v0+s20+$0x0 ss:$0x1] =	vst.idx.msk $0xffff, v1  }
0x42e: {  	s15 =	sadd.s32 $0x1, s15  }
0x42f: {  	p0 =	sne.s32 s15, s6  }
.Ltmp3:
0x430: {  	_ = 	snop;
	(pc) =	sbr.rel @p0 .LBB2_1-.Ltmp3, $4  }
0x431: {  	[hbm4b:s5+s2] =	stream.linear.scatter [tilespmem:s13], [sflag:$0x4], $0x14000, $0x38;
	[tilespmem:$0x1E800] =	vst v63  }
0x432: {  	_ =	swait.ge [sflag:s14], $0x14000  }
0x433: {  	[sflag:s14] =	ssyncset.done $0x0  }
0x434: {  	[sflag:s14] =	ssyncadd.s32 $0xFFFEC000  }
0x435: {  	_ =	sfence.sel $0x180000  }
0x436: {  	[bflag:$0x0] =	sbarrier.arrive $0xFFFF  }
0x437: {  	p0 =	sne.s32 s1, $0x0;
	_ =	strace $0x90000047  }
0x438: {  	s0 =	sadd.s32 @!p0 $0x100000, s0;
	[bflag:$0x2] =	sbarrier.arrive $0xFFFF  }
0x439: {  	[sflag:s0] =	ssyncadd.tile.s32 @!p0 $0x1;
	_ =	shalt  }
.Lfunc_end2:
_tile_overlayer_lowered:
.L_overlay_start_2:
0x43a: {  	(tag) =	ssettag $0x2  }
0x43b: {  	s0 =	rddreg [dreg:$0x0];
	s2 =	stileid.u32  }
0x43c: {  	s1 =	rddreg [dreg:$0x1];
	p0 =	sne.s32 s2, $0x0  }
0x43d: {  	s3 =	rddreg [dreg:$0x2];
	[bflag:$0x3] =	sbarrier.arrive $0xFFFF;
	s2 =	simm.s32 @!p0 $0x1C04  }
0x43e: {  	[timem:s3], [sflag:s2] =	dma.local @!p0 [hbm:s0], s1  }
0x43f: {  	s0 =	simm.s32 @!p0 $0x4  }
0x440: {  	_ =	swait.ge @!p0 [sflag:s0], s1  }
0x441: {  	s1 =	ssub.s32 @!p0 $0x0, s1;
	[sflag:s0] =	ssyncset.done @!p0 $0x0  }
0x442: {  	[sflag:s0] =	ssyncadd.s32 @!p0 s1  }
0x443: {  	[bflag:$0x3] =	sbarrier.arrive $0xFFFF  }
0x444: {  	_ =	shalt  }

</sc_bundles>
